<compile_context>
chip_gen: v7x
topology: tpu7x:2x2x1
jax: 0.10.2.dev20260603
libtpu: 0.0.44.dev20260713+nightly
codegen_flags: <defaults>
</compile_context>

<pallas_src>
import jax
import jax.numpy as jnp
from jax import lax
from jax.experimental import pallas as pl
from jax.experimental.pallas import tpu as pltpu
from jax.experimental.pallas import tpu_sc as plsc

VOCAB = 1000000
N_EMBD = 64
BATCH = 16384
SEQ = 50

_info = plsc.get_sparse_core_info()
NC = _info.num_cores
NS = _info.num_subcores
NW = NC * NS

BW_ = BATCH // NW
CB = 128
TPW = BW_ // CB
N_CHUNKS = SEQ * TPW
N_BLOCKS = SEQ * 8 * (BATCH // 128)

def _body(ids_hbm, table_hbm, out_hbm,
          idx0, idx1, g0, g1, t0_, t1_,
          si0, si1, sg0, sg1, sw0, sw1):
    idxb = (idx0, idx1)
    gb = (g0, g1)
    tb = (t0_, t1_)
    si = (si0, si1)
    sg = (sg0, sg1)
    sw = (sw0, sw1)

    wid = lax.axis_index("s") * NC + lax.axis_index("c")
    wb0 = wid * BW_

    iota = lax.iota(jnp.int32, 16)
    rvs = [iota + 16 * t0 for t0 in range(8)]

    def idx_off(k):
        return (k // TPW) * BATCH + wb0 + (k % TPW) * CB

    def idx_start(k, b):
        pltpu.async_copy(ids_hbm.at[pl.ds(idx_off(k), CB)], idxb[b], si[b])

    def idx_wait(b):
        pltpu.make_async_copy(ids_hbm.at[pl.ds(0, CB)], idxb[b], si[b]).wait()

    def gather_start(b):
        pltpu.async_copy(table_hbm.at[idxb[b]], gb[b], sg[b])

    def gather_wait(b):
        pltpu.make_async_copy(table_hbm.at[idxb[b]], gb[b], sg[b]).wait()

    def writes_start(k, b):
        s = k // TPW
        j = wid * TPW + (k % TPW)
        for i in range(8):
            blk = (s * 8 + i) * 128 + j
            pltpu.async_copy(tb[b].at[i], out_hbm.at[blk], sw[b])

    def writes_wait(b):
        for i in range(8):
            pltpu.make_async_copy(tb[b].at[i], out_hbm.at[0], sw[b]).wait()

    def transpose(b):
        G = gb[b]
        T = tb[b]

        @plsc.parallel_loop(0, N_EMBD, 1, unroll=4)
        def _(e):
            evec = lax.broadcast_in_dim(e, (16,), ())
            f = (evec + iota) & 63
            fi = f >> 3
            fr = f & 7
            for t0 in range(8):
                v = plsc.load_gather(G, [rvs[t0], f])
                plsc.store_scatter(T, [fi, fr, rvs[t0]], v)

    idx_start(0, 0)
    idx_start(1, 1)
    idx_wait(0)
    gather_start(0)

    def chunk(k, b):
        gather_wait(b)

        nb = b ^ 1

        @pl.when(k + 1 < N_CHUNKS)
        def _():
            idx_wait(nb)
            gather_start(nb)

        @pl.when(k + 2 < N_CHUNKS)
        def _():
            idx_start(k + 2, b)

        @pl.when(k >= 2)
        def _():
            writes_wait(b)

        transpose(b)
        writes_start(k, b)

    def outer(o, carry):
        k = o * 2
        chunk(k, 0)
        chunk(k + 1, 1)
        return carry

    lax.fori_loop(0, N_CHUNKS // 2, outer, 0, unroll=False)

    writes_wait(0)
    writes_wait(1)


@jax.jit
def kernel(input_ids, wte):
    ids_flat = input_ids.T.reshape(-1)
    mesh = plsc.VectorSubcoreMesh(core_axis_name="c", subcore_axis_name="s")
    out3 = pl.kernel(
        _body,
        out_type=jax.ShapeDtypeStruct((N_BLOCKS, 8, 128), jnp.float32),
        mesh=mesh,
        scratch_types=(
            [pltpu.VMEM((CB,), jnp.int32) for _ in range(2)]
            + [pltpu.VMEM((CB, N_EMBD), jnp.float32) for _ in range(2)]
            + [pltpu.VMEM((8, 8, 128), jnp.float32) for _ in range(2)]
            + [pltpu.SemaphoreType.DMA for _ in range(6)]
        ),
        compiler_params=pltpu.CompilerParams(use_tc_tiling_on_sc=False,
                                             needs_layout_passes=False),
    )(ids_flat, wte)
    X = out3.reshape(SEQ, 8, 128, 8, 128)
    return X.transpose(2, 4, 0, 1, 3).reshape(BATCH, SEQ, N_EMBD)

# --- scband reference (transcript-rebuilt; emitter-appended) ---
"""Pipeline reference for scband-embedding-81484119540356 (READ-ONLY COPY).

The authoritative reference and input builder live on the scoring server;
editing this copy changes nothing except your own understanding.
"""

import jax, jax.numpy as jnp
import numpy as np

VOCAB = 1000000
N_EMBD = 64
BATCH = 16384
SEQ = 50


def setup_inputs(seed: int = 0) -> dict:
    key = jax.random.key(seed)
    k_idx, k_w = jax.random.split(key)
    input_ids = jax.random.randint(k_idx, (BATCH, SEQ), 0, VOCAB)
    # nn.Embedding default init: N(0, 1)
    wte = jax.random.normal(k_w, (VOCAB, N_EMBD), dtype=jnp.float32)
    return {"input_ids": input_ids, "wte": wte}


def reference(input_ids, wte):
    # Token embedding lookup (gather). Dropout is identity in eval mode.
    out = jnp.take(wte, input_ids, axis=0)
    return out

if __name__ == "__main__":
    import jax
    _d = setup_inputs()
    print(jax.jit(kernel)(*tuple(_d.values())))

</pallas_src>

<mosaic_0001>
#map = affine_map<(d0, d1) -> (0)>
#map1 = affine_map<(d0, d1) -> (0, 0)>
#map2 = affine_map<(d0, d1) -> (0, 0, 0)>
module attributes {stable_mosaic.version = 14 : i64} {
  func.func @_body(%arg0: i32, %arg1: i32, %arg2: memref<819200xi32, #tpu.memory_space<hbm>>, %arg3: memref<1000000x64xf32, #tpu.memory_space<hbm>>, %arg4: memref<51200x8x128xf32, #tpu.memory_space<hbm>>, %arg5: memref<128xi32, #tpu.memory_space<vmem>>, %arg6: memref<128xi32, #tpu.memory_space<vmem>>, %arg7: memref<128x64xf32, #tpu.memory_space<vmem>>, %arg8: memref<128x64xf32, #tpu.memory_space<vmem>>, %arg9: memref<8x8x128xf32, #tpu.memory_space<vmem>>, %arg10: memref<8x8x128xf32, #tpu.memory_space<vmem>>, %arg11: memref<!tpu.dma_semaphore, #tpu.memory_space<semaphore_mem>>, %arg12: memref<!tpu.dma_semaphore, #tpu.memory_space<semaphore_mem>>, %arg13: memref<!tpu.dma_semaphore, #tpu.memory_space<semaphore_mem>>, %arg14: memref<!tpu.dma_semaphore, #tpu.memory_space<semaphore_mem>>, %arg15: memref<!tpu.dma_semaphore, #tpu.memory_space<semaphore_mem>>, %arg16: memref<!tpu.dma_semaphore, #tpu.memory_space<semaphore_mem>>) attributes {dimension_semantics = [#tpu.dimension_semantics<core_parallel>, #tpu.dimension_semantics<subcore_parallel>], iteration_bounds = array<i64: 2, 16>, scalar_prefetch = 0 : i64, scratch_operands = 12 : i64, tpu.core_type = #tpu.core_type<sc_vector_subcore>, window_params = [{transform_indices = #map}, {transform_indices = #map1}, {transform_indices = #map2}]} {
    %mul3A = arith.constant 2 : i32
    %mul3A_0 = arith.muli %arg1, %mul3A : i32
    %add3A = arith.addi %mul3A_0, %arg0 : i32
    %mul3A_1 = arith.constant 512 : i32
    %mul3A_2 = arith.muli %add3A, %mul3A_1 : i32
    %iota3A = tpu.iota {dimensions = array<i32: 0>} : vector<16xi32>
    %add3A_3 = arith.constant 0 : i32
    %add3A_4 = vector.broadcast %add3A_3 : i32 to vector<16xi32>
    %add3A_5 = arith.addi %iota3A, %add3A_4 : vector<16xi32>
    %add3A_6 = arith.constant 16 : i32
    %add3A_7 = vector.broadcast %add3A_6 : i32 to vector<16xi32>
    %add3A_8 = arith.addi %iota3A, %add3A_7 : vector<16xi32>
    %add3A_9 = arith.constant 32 : i32
    %add3A_10 = vector.broadcast %add3A_9 : i32 to vector<16xi32>
    %add3A_11 = arith.addi %iota3A, %add3A_10 : vector<16xi32>
    %add3A_12 = arith.constant 48 : i32
    %add3A_13 = vector.broadcast %add3A_12 : i32 to vector<16xi32>
    %add3A_14 = arith.addi %iota3A, %add3A_13 : vector<16xi32>
    %add3A_15 = arith.constant 64 : i32
    %add3A_16 = vector.broadcast %add3A_15 : i32 to vector<16xi32>
    %add3A_17 = arith.addi %iota3A, %add3A_16 : vector<16xi32>
    %add3A_18 = arith.constant 80 : i32
    %add3A_19 = vector.broadcast %add3A_18 : i32 to vector<16xi32>
    %add3A_20 = arith.addi %iota3A, %add3A_19 : vector<16xi32>
    %add3A_21 = arith.constant 96 : i32
    %add3A_22 = vector.broadcast %add3A_21 : i32 to vector<16xi32>
    %add3A_23 = arith.addi %iota3A, %add3A_22 : vector<16xi32>
    %add3A_24 = arith.constant 112 : i32
    %add3A_25 = vector.broadcast %add3A_24 : i32 to vector<16xi32>
    %add3A_26 = arith.addi %iota3A, %add3A_25 : vector<16xi32>
    %add3A_27 = arith.constant 0 : i32
    %add3A_28 = arith.addi %add3A_27, %mul3A_2 : i32
    %add3A_29 = arith.constant 0 : i32
    %add3A_30 = arith.addi %add3A_28, %add3A_29 : i32
    %dma_start3A = tpu.memref_slice %arg2[%add3A_30] : memref<819200xi32, #tpu.memory_space<hbm>> -> memref<128xi32, #tpu.memory_space<hbm>>
    %dma_start3A_31 = tpu.memref_slice %arg2[%add3A_30] : memref<819200xi32, #tpu.memory_space<hbm>> -> memref<128xi32, #tpu.memory_space<hbm>>
    tpu.enqueue_dma source(%dma_start3A_31 : memref<128xi32, #tpu.memory_space<hbm>>) target(%arg5 : memref<128xi32, #tpu.memory_space<vmem>>) target_semaphore(%arg11 : memref<!tpu.dma_semaphore, #tpu.memory_space<semaphore_mem>>)
    %add3A_32 = arith.constant 0 : i32
    %add3A_33 = arith.addi %add3A_32, %mul3A_2 : i32
    %add3A_34 = arith.constant 128 : i32
    %add3A_35 = arith.addi %add3A_33, %add3A_34 : i32
    %dma_start3A_36 = tpu.memref_slice %arg2[%add3A_35] : memref<819200xi32, #tpu.memory_space<hbm>> -> memref<128xi32, #tpu.memory_space<hbm>>
    %dma_start3A_37 = tpu.memref_slice %arg2[%add3A_35] : memref<819200xi32, #tpu.memory_space<hbm>> -> memref<128xi32, #tpu.memory_space<hbm>>
    tpu.enqueue_dma source(%dma_start3A_37 : memref<128xi32, #tpu.memory_space<hbm>>) target(%arg6 : memref<128xi32, #tpu.memory_space<vmem>>) target_semaphore(%arg12 : memref<!tpu.dma_semaphore, #tpu.memory_space<semaphore_mem>>)
    %dma_wait3A = arith.constant 0 : i32
    %dma_wait3A_38 = tpu.memref_slice %arg2[%dma_wait3A] : memref<819200xi32, #tpu.memory_space<hbm>> -> memref<128xi32, #tpu.memory_space<hbm>>
    %dma_wait3A_39 = arith.constant 0 : i32
    %dma_wait3A_40 = tpu.memref_slice %arg2[%dma_wait3A_39] : memref<819200xi32, #tpu.memory_space<hbm>> -> memref<128xi32, #tpu.memory_space<hbm>>
    tpu.wait_dma2 semaphore(%arg11 : memref<!tpu.dma_semaphore, #tpu.memory_space<semaphore_mem>>) src(%dma_wait3A_40 : memref<128xi32, #tpu.memory_space<hbm>>) dst(%arg5 : memref<128xi32, #tpu.memory_space<vmem>>)
    %dma_start3A_41 = arith.constant 0 : i32
    %dma_start3A_42 = arith.constant 0 : i32
    %dma_start3A_43 = tpu.memref_slice %arg3[%dma_start3A_41, %dma_start3A_42] : memref<1000000x64xf32, #tpu.memory_space<hbm>> -> memref<1000000x64xf32, #tpu.memory_space<hbm>>
    tpu.enqueue_indirect_dma source(%dma_start3A_43 : memref<1000000x64xf32, #tpu.memory_space<hbm>>) target(%arg7 : memref<128x64xf32, #tpu.memory_space<vmem>>) offsets(%arg5 : memref<128xi32, #tpu.memory_space<vmem>>) semaphore(%arg13 : memref<!tpu.dma_semaphore, #tpu.memory_space<semaphore_mem>>)
    %scan3A = arith.constant 0 : i32
    %scan3A_44 = arith.constant 0 : i32
    %scan3A_45 = arith.constant 100 : i32
    %scan3A_46 = arith.addi %scan3A_44, %scan3A_45 : i32
    %scan3A_47 = arith.constant 1 : i32
    scf.for %scan3A_337 = %scan3A_44 to %scan3A_46 step %scan3A_47  : i32 {
      %mul3A_338 = arith.constant 2 : i32
      %mul3A_339 = arith.muli %scan3A_337, %mul3A_338 : i32
      %dma_wait3A_340 = arith.constant 0 : i32
      %dma_wait3A_341 = arith.constant 0 : i32
      %dma_wait3A_342 = tpu.memref_slice %arg3[%dma_wait3A_340, %dma_wait3A_341] : memref<1000000x64xf32, #tpu.memory_space<hbm>> -> memref<1000000x64xf32, #tpu.memory_space<hbm>>
      tpu.wait_indirect_dma semaphore(%arg13 : memref<!tpu.dma_semaphore, #tpu.memory_space<semaphore_mem>>) src(%dma_wait3A_342 : memref<1000000x64xf32, #tpu.memory_space<hbm>>) dst(%arg7 : memref<128x64xf32, #tpu.memory_space<vmem>>)
      %add3A_343 = arith.constant 1 : i32
      %add3A_344 = arith.addi %mul3A_339, %add3A_343 : i32
      %lt3A = arith.constant 200 : i32
      %lt3A_345 = arith.cmpi slt, %add3A_344, %lt3A : i32
      %convert_element_type3A = arith.extui %lt3A_345 : i1 to i32
      %cond3A = arith.constant 0 : i32
      %cond3A_346 = arith.cmpi ne, %convert_element_type3A, %cond3A : i32
      scf.if %cond3A_346 {
        %dma_wait3A_848 = arith.constant 0 : i32
        %dma_wait3A_849 = tpu.memref_slice %arg2[%dma_wait3A_848] : memref<819200xi32, #tpu.memory_space<hbm>> -> memref<128xi32, #tpu.memory_space<hbm>>
        %dma_wait3A_850 = arith.constant 0 : i32
        %dma_wait3A_851 = tpu.memref_slice %arg2[%dma_wait3A_850] : memref<819200xi32, #tpu.memory_space<hbm>> -> memref<128xi32, #tpu.memory_space<hbm>>
        tpu.wait_dma2 semaphore(%arg12 : memref<!tpu.dma_semaphore, #tpu.memory_space<semaphore_mem>>) src(%dma_wait3A_851 : memref<128xi32, #tpu.memory_space<hbm>>) dst(%arg6 : memref<128xi32, #tpu.memory_space<vmem>>)
        %dma_start3A_852 = arith.constant 0 : i32
        %dma_start3A_853 = arith.constant 0 : i32
        %dma_start3A_854 = tpu.memref_slice %arg3[%dma_start3A_852, %dma_start3A_853] : memref<1000000x64xf32, #tpu.memory_space<hbm>> -> memref<1000000x64xf32, #tpu.memory_space<hbm>>
        tpu.enqueue_indirect_dma source(%dma_start3A_854 : memref<1000000x64xf32, #tpu.memory_space<hbm>>) target(%arg8 : memref<128x64xf32, #tpu.memory_space<vmem>>) offsets(%arg6 : memref<128xi32, #tpu.memory_space<vmem>>) semaphore(%arg14 : memref<!tpu.dma_semaphore, #tpu.memory_space<semaphore_mem>>)
      } else {
      }
      %add3A_347 = arith.constant 2 : i32
      %add3A_348 = arith.addi %mul3A_339, %add3A_347 : i32
      %lt3A_349 = arith.constant 200 : i32
      %lt3A_350 = arith.cmpi slt, %add3A_348, %lt3A_349 : i32
      %convert_element_type3A_351 = arith.extui %lt3A_350 : i1 to i32
      %cond3A_352 = arith.constant 0 : i32
      %cond3A_353 = arith.cmpi ne, %convert_element_type3A_351, %cond3A_352 : i32
      scf.if %cond3A_353 {
        %add3A_848 = arith.constant 2 : i32
        %add3A_849 = arith.addi %mul3A_339, %add3A_848 : i32
        %jit3A_850 = arith.constant 4 : i32
        %div3A_851 = arith.divsi %add3A_849, %jit3A_850 : i32
        %sign3A_852 = arith.constant 0 : i32
        %sign3A_853 = arith.cmpi sgt, %add3A_849, %sign3A_852 : i32
        %sign3A_854 = arith.extui %sign3A_853 : i1 to i32
        %sign3A_855 = arith.constant 0 : i32
        %sign3A_856 = arith.cmpi slt, %add3A_849, %sign3A_855 : i32
        %sign3A_857 = arith.extui %sign3A_856 : i1 to i32
        %sign3A_858 = arith.subi %sign3A_854, %sign3A_857 : i32
        %sign3A_859 = arith.constant 0 : i32
        %sign3A_860 = arith.cmpi sgt, %jit3A_850, %sign3A_859 : i32
        %sign3A_861 = arith.extui %sign3A_860 : i1 to i32
        %sign3A_862 = arith.constant 0 : i32
        %sign3A_863 = arith.cmpi slt, %jit3A_850, %sign3A_862 : i32
        %sign3A_864 = arith.extui %sign3A_863 : i1 to i32
        %sign3A_865 = arith.subi %sign3A_861, %sign3A_864 : i32
        %ne3A_866 = arith.cmpi ne, %sign3A_858, %sign3A_865 : i32
        %rem3A_867 = arith.remsi %add3A_849, %jit3A_850 : i32
        %ne3A_868 = arith.constant 0 : i32
        %ne3A_869 = arith.cmpi ne, %rem3A_867, %ne3A_868 : i32
        %and3A_870 = arith.andi %ne3A_866, %ne3A_869 : i1
        %sub3A_871 = arith.constant 1 : i32
        %sub3A_872 = arith.subi %div3A_851, %sub3A_871 : i32
        %select_n3A_873 = arith.select %and3A_870, %sub3A_872, %div3A_851 : i32
        %mul3A_874 = arith.constant 16384 : i32
        %mul3A_875 = arith.muli %select_n3A_873, %mul3A_874 : i32
        %add3A_876 = arith.addi %mul3A_875, %mul3A_2 : i32
        %jit3A_877 = arith.constant 4 : i32
        %eq3A_878 = arith.constant 0 : i32
        %eq3A_879 = arith.cmpi eq, %jit3A_877, %eq3A_878 : i32
        %jit3A_880 = arith.constant 1 : i32
        %select_n3A_881 = arith.select %eq3A_879, %jit3A_880, %jit3A_877 : i32
        %rem3A_882 = arith.remsi %add3A_849, %select_n3A_881 : i32
        %ne3A_883 = arith.constant 0 : i32
        %ne3A_884 = arith.cmpi ne, %rem3A_882, %ne3A_883 : i32
        %lt3A_885 = arith.constant 0 : i32
        %lt3A_886 = arith.cmpi slt, %rem3A_882, %lt3A_885 : i32
        %lt3A_887 = arith.constant 0 : i32
        %lt3A_888 = arith.cmpi slt, %select_n3A_881, %lt3A_887 : i32
        %ne3A_889 = arith.xori %lt3A_886, %lt3A_888 : i1
        %and3A_890 = arith.andi %ne3A_889, %ne3A_884 : i1
        %add3A_891 = arith.addi %rem3A_882, %select_n3A_881 : i32
        %select_n3A_892 = arith.select %and3A_890, %add3A_891, %rem3A_882 : i32
        %mul3A_893 = arith.constant 128 : i32
        %mul3A_894 = arith.muli %select_n3A_892, %mul3A_893 : i32
        %add3A_895 = arith.addi %add3A_876, %mul3A_894 : i32
        %dma_start3A_896 = tpu.memref_slice %arg2[%add3A_895] : memref<819200xi32, #tpu.memory_space<hbm>> -> memref<128xi32, #tpu.memory_space<hbm>>
        %dma_start3A_897 = tpu.memref_slice %arg2[%add3A_895] : memref<819200xi32, #tpu.memory_space<hbm>> -> memref<128xi32, #tpu.memory_space<hbm>>
        tpu.enqueue_dma source(%dma_start3A_897 : memref<128xi32, #tpu.memory_space<hbm>>) target(%arg5 : memref<128xi32, #tpu.memory_space<vmem>>) target_semaphore(%arg11 : memref<!tpu.dma_semaphore, #tpu.memory_space<semaphore_mem>>)
      } else {
      }
      %ge3A = arith.constant 2 : i32
      %ge3A_354 = arith.cmpi sge, %mul3A_339, %ge3A : i32
      %convert_element_type3A_355 = arith.extui %ge3A_354 : i1 to i32
      %cond3A_356 = arith.constant 0 : i32
      %cond3A_357 = arith.cmpi ne, %convert_element_type3A_355, %cond3A_356 : i32
      scf.if %cond3A_357 {
        %dma_wait3A_848 = arith.constant 0 : i32
        %dma_wait3A_849 = arith.constant 0 : i32
        %dma_wait3A_850 = arith.constant 0 : i32
        %dma_wait3A_851 = arith.constant 0 : i32
        %dma_wait3A_852 = tpu.memref_slice %arg9[%dma_wait3A_848, %dma_wait3A_850, %dma_wait3A_851] : memref<8x8x128xf32, #tpu.memory_space<vmem>> -> memref<1x8x128xf32, #tpu.memory_space<vmem>>
        %dma_wait3A_853 = tpu.memref_squeeze %dma_wait3A_852 : memref<1x8x128xf32, #tpu.memory_space<vmem>> -> memref<8x128xf32, #tpu.memory_space<vmem>>
        %dma_wait3A_854 = arith.constant 0 : i32
        %dma_wait3A_855 = arith.constant 0 : i32
        %dma_wait3A_856 = tpu.memref_slice %arg4[%dma_wait3A_849, %dma_wait3A_854, %dma_wait3A_855] : memref<51200x8x128xf32, #tpu.memory_space<hbm>> -> memref<1x8x128xf32, #tpu.memory_space<hbm>>
        %dma_wait3A_857 = tpu.memref_squeeze %dma_wait3A_856 : memref<1x8x128xf32, #tpu.memory_space<hbm>> -> memref<8x128xf32, #tpu.memory_space<hbm>>
        %dma_wait3A_858 = arith.constant 0 : i32
        %dma_wait3A_859 = arith.constant 0 : i32
        %dma_wait3A_860 = tpu.memref_slice %arg4[%dma_wait3A_849, %dma_wait3A_858, %dma_wait3A_859] : memref<51200x8x128xf32, #tpu.memory_space<hbm>> -> memref<1x8x128xf32, #tpu.memory_space<hbm>>
        %dma_wait3A_861 = tpu.memref_squeeze %dma_wait3A_860 : memref<1x8x128xf32, #tpu.memory_space<hbm>> -> memref<8x128xf32, #tpu.memory_space<hbm>>
        %dma_wait3A_862 = arith.constant 0 : i32
        %dma_wait3A_863 = arith.constant 0 : i32
        %dma_wait3A_864 = tpu.memref_slice %arg9[%dma_wait3A_848, %dma_wait3A_862, %dma_wait3A_863] : memref<8x8x128xf32, #tpu.memory_space<vmem>> -> memref<1x8x128xf32, #tpu.memory_space<vmem>>
        %dma_wait3A_865 = tpu.memref_squeeze %dma_wait3A_864 : memref<1x8x128xf32, #tpu.memory_space<vmem>> -> memref<8x128xf32, #tpu.memory_space<vmem>>
        tpu.wait_dma2 semaphore(%arg15 : memref<!tpu.dma_semaphore, #tpu.memory_space<semaphore_mem>>) src(%dma_wait3A_865 : memref<8x128xf32, #tpu.memory_space<vmem>>) dst(%dma_wait3A_861 : memref<8x128xf32, #tpu.memory_space<hbm>>)
        %dma_wait3A_866 = arith.constant 1 : i32
        %dma_wait3A_867 = arith.constant 0 : i32
        %dma_wait3A_868 = arith.constant 0 : i32
        %dma_wait3A_869 = arith.constant 0 : i32
        %dma_wait3A_870 = tpu.memref_slice %arg9[%dma_wait3A_866, %dma_wait3A_868, %dma_wait3A_869] : memref<8x8x128xf32, #tpu.memory_space<vmem>> -> memref<1x8x128xf32, #tpu.memory_space<vmem>>
        %dma_wait3A_871 = tpu.memref_squeeze %dma_wait3A_870 : memref<1x8x128xf32, #tpu.memory_space<vmem>> -> memref<8x128xf32, #tpu.memory_space<vmem>>
        %dma_wait3A_872 = arith.constant 0 : i32
        %dma_wait3A_873 = arith.constant 0 : i32
        %dma_wait3A_874 = tpu.memref_slice %arg4[%dma_wait3A_867, %dma_wait3A_872, %dma_wait3A_873] : memref<51200x8x128xf32, #tpu.memory_space<hbm>> -> memref<1x8x128xf32, #tpu.memory_space<hbm>>
        %dma_wait3A_875 = tpu.memref_squeeze %dma_wait3A_874 : memref<1x8x128xf32, #tpu.memory_space<hbm>> -> memref<8x128xf32, #tpu.memory_space<hbm>>
        %dma_wait3A_876 = arith.constant 0 : i32
        %dma_wait3A_877 = arith.constant 0 : i32
        %dma_wait3A_878 = tpu.memref_slice %arg4[%dma_wait3A_867, %dma_wait3A_876, %dma_wait3A_877] : memref<51200x8x128xf32, #tpu.memory_space<hbm>> -> memref<1x8x128xf32, #tpu.memory_space<hbm>>
        %dma_wait3A_879 = tpu.memref_squeeze %dma_wait3A_878 : memref<1x8x128xf32, #tpu.memory_space<hbm>> -> memref<8x128xf32, #tpu.memory_space<hbm>>
        %dma_wait3A_880 = arith.constant 0 : i32
        %dma_wait3A_881 = arith.constant 0 : i32
        %dma_wait3A_882 = tpu.memref_slice %arg9[%dma_wait3A_866, %dma_wait3A_880, %dma_wait3A_881] : memref<8x8x128xf32, #tpu.memory_space<vmem>> -> memref<1x8x128xf32, #tpu.memory_space<vmem>>
        %dma_wait3A_883 = tpu.memref_squeeze %dma_wait3A_882 : memref<1x8x128xf32, #tpu.memory_space<vmem>> -> memref<8x128xf32, #tpu.memory_space<vmem>>
        tpu.wait_dma2 semaphore(%arg15 : memref<!tpu.dma_semaphore, #tpu.memory_space<semaphore_mem>>) src(%dma_wait3A_883 : memref<8x128xf32, #tpu.memory_space<vmem>>) dst(%dma_wait3A_879 : memref<8x128xf32, #tpu.memory_space<hbm>>)
        %dma_wait3A_884 = arith.constant 2 : i32
        %dma_wait3A_885 = arith.constant 0 : i32
        %dma_wait3A_886 = arith.constant 0 : i32
        %dma_wait3A_887 = arith.constant 0 : i32
        %dma_wait3A_888 = tpu.memref_slice %arg9[%dma_wait3A_884, %dma_wait3A_886, %dma_wait3A_887] : memref<8x8x128xf32, #tpu.memory_space<vmem>> -> memref<1x8x128xf32, #tpu.memory_space<vmem>>
        %dma_wait3A_889 = tpu.memref_squeeze %dma_wait3A_888 : memref<1x8x128xf32, #tpu.memory_space<vmem>> -> memref<8x128xf32, #tpu.memory_space<vmem>>
        %dma_wait3A_890 = arith.constant 0 : i32
        %dma_wait3A_891 = arith.constant 0 : i32
        %dma_wait3A_892 = tpu.memref_slice %arg4[%dma_wait3A_885, %dma_wait3A_890, %dma_wait3A_891] : memref<51200x8x128xf32, #tpu.memory_space<hbm>> -> memref<1x8x128xf32, #tpu.memory_space<hbm>>
        %dma_wait3A_893 = tpu.memref_squeeze %dma_wait3A_892 : memref<1x8x128xf32, #tpu.memory_space<hbm>> -> memref<8x128xf32, #tpu.memory_space<hbm>>
        %dma_wait3A_894 = arith.constant 0 : i32
        %dma_wait3A_895 = arith.constant 0 : i32
        %dma_wait3A_896 = tpu.memref_slice %arg4[%dma_wait3A_885, %dma_wait3A_894, %dma_wait3A_895] : memref<51200x8x128xf32, #tpu.memory_space<hbm>> -> memref<1x8x128xf32, #tpu.memory_space<hbm>>
        %dma_wait3A_897 = tpu.memref_squeeze %dma_wait3A_896 : memref<1x8x128xf32, #tpu.memory_space<hbm>> -> memref<8x128xf32, #tpu.memory_space<hbm>>
        %dma_wait3A_898 = arith.constant 0 : i32
        %dma_wait3A_899 = arith.constant 0 : i32
        %dma_wait3A_900 = tpu.memref_slice %arg9[%dma_wait3A_884, %dma_wait3A_898, %dma_wait3A_899] : memref<8x8x128xf32, #tpu.memory_space<vmem>> -> memref<1x8x128xf32, #tpu.memory_space<vmem>>
        %dma_wait3A_901 = tpu.memref_squeeze %dma_wait3A_900 : memref<1x8x128xf32, #tpu.memory_space<vmem>> -> memref<8x128xf32, #tpu.memory_space<vmem>>
        tpu.wait_dma2 semaphore(%arg15 : memref<!tpu.dma_semaphore, #tpu.memory_space<semaphore_mem>>) src(%dma_wait3A_901 : memref<8x128xf32, #tpu.memory_space<vmem>>) dst(%dma_wait3A_897 : memref<8x128xf32, #tpu.memory_space<hbm>>)
        %dma_wait3A_902 = arith.constant 3 : i32
        %dma_wait3A_903 = arith.constant 0 : i32
        %dma_wait3A_904 = arith.constant 0 : i32
        %dma_wait3A_905 = arith.constant 0 : i32
        %dma_wait3A_906 = tpu.memref_slice %arg9[%dma_wait3A_902, %dma_wait3A_904, %dma_wait3A_905] : memref<8x8x128xf32, #tpu.memory_space<vmem>> -> memref<1x8x128xf32, #tpu.memory_space<vmem>>
        %dma_wait3A_907 = tpu.memref_squeeze %dma_wait3A_906 : memref<1x8x128xf32, #tpu.memory_space<vmem>> -> memref<8x128xf32, #tpu.memory_space<vmem>>
        %dma_wait3A_908 = arith.constant 0 : i32
        %dma_wait3A_909 = arith.constant 0 : i32
        %dma_wait3A_910 = tpu.memref_slice %arg4[%dma_wait3A_903, %dma_wait3A_908, %dma_wait3A_909] : memref<51200x8x128xf32, #tpu.memory_space<hbm>> -> memref<1x8x128xf32, #tpu.memory_space<hbm>>
        %dma_wait3A_911 = tpu.memref_squeeze %dma_wait3A_910 : memref<1x8x128xf32, #tpu.memory_space<hbm>> -> memref<8x128xf32, #tpu.memory_space<hbm>>
        %dma_wait3A_912 = arith.constant 0 : i32
        %dma_wait3A_913 = arith.constant 0 : i32
        %dma_wait3A_914 = tpu.memref_slice %arg4[%dma_wait3A_903, %dma_wait3A_912, %dma_wait3A_913] : memref<51200x8x128xf32, #tpu.memory_space<hbm>> -> memref<1x8x128xf32, #tpu.memory_space<hbm>>
        %dma_wait3A_915 = tpu.memref_squeeze %dma_wait3A_914 : memref<1x8x128xf32, #tpu.memory_space<hbm>> -> memref<8x128xf32, #tpu.memory_space<hbm>>
        %dma_wait3A_916 = arith.constant 0 : i32
        %dma_wait3A_917 = arith.constant 0 : i32
        %dma_wait3A_918 = tpu.memref_slice %arg9[%dma_wait3A_902, %dma_wait3A_916, %dma_wait3A_917] : memref<8x8x128xf32, #tpu.memory_space<vmem>> -> memref<1x8x128xf32, #tpu.memory_space<vmem>>
        %dma_wait3A_919 = tpu.memref_squeeze %dma_wait3A_918 : memref<1x8x128xf32, #tpu.memory_space<vmem>> -> memref<8x128xf32, #tpu.memory_space<vmem>>
        tpu.wait_dma2 semaphore(%arg15 : memref<!tpu.dma_semaphore, #tpu.memory_space<semaphore_mem>>) src(%dma_wait3A_919 : memref<8x128xf32, #tpu.memory_space<vmem>>) dst(%dma_wait3A_915 : memref<8x128xf32, #tpu.memory_space<hbm>>)
        %dma_wait3A_920 = arith.constant 4 : i32
        %dma_wait3A_921 = arith.constant 0 : i32
        %dma_wait3A_922 = arith.constant 0 : i32
        %dma_wait3A_923 = arith.constant 0 : i32
        %dma_wait3A_924 = tpu.memref_slice %arg9[%dma_wait3A_920, %dma_wait3A_922, %dma_wait3A_923] : memref<8x8x128xf32, #tpu.memory_space<vmem>> -> memref<1x8x128xf32, #tpu.memory_space<vmem>>
        %dma_wait3A_925 = tpu.memref_squeeze %dma_wait3A_924 : memref<1x8x128xf32, #tpu.memory_space<vmem>> -> memref<8x128xf32, #tpu.memory_space<vmem>>
        %dma_wait3A_926 = arith.constant 0 : i32
        %dma_wait3A_927 = arith.constant 0 : i32
        %dma_wait3A_928 = tpu.memref_slice %arg4[%dma_wait3A_921, %dma_wait3A_926, %dma_wait3A_927] : memref<51200x8x128xf32, #tpu.memory_space<hbm>> -> memref<1x8x128xf32, #tpu.memory_space<hbm>>
        %dma_wait3A_929 = tpu.memref_squeeze %dma_wait3A_928 : memref<1x8x128xf32, #tpu.memory_space<hbm>> -> memref<8x128xf32, #tpu.memory_space<hbm>>
        %dma_wait3A_930 = arith.constant 0 : i32
        %dma_wait3A_931 = arith.constant 0 : i32
        %dma_wait3A_932 = tpu.memref_slice %arg4[%dma_wait3A_921, %dma_wait3A_930, %dma_wait3A_931] : memref<51200x8x128xf32, #tpu.memory_space<hbm>> -> memref<1x8x128xf32, #tpu.memory_space<hbm>>
        %dma_wait3A_933 = tpu.memref_squeeze %dma_wait3A_932 : memref<1x8x128xf32, #tpu.memory_space<hbm>> -> memref<8x128xf32, #tpu.memory_space<hbm>>
        %dma_wait3A_934 = arith.constant 0 : i32
        %dma_wait3A_935 = arith.constant 0 : i32
        %dma_wait3A_936 = tpu.memref_slice %arg9[%dma_wait3A_920, %dma_wait3A_934, %dma_wait3A_935] : memref<8x8x128xf32, #tpu.memory_space<vmem>> -> memref<1x8x128xf32, #tpu.memory_space<vmem>>
        %dma_wait3A_937 = tpu.memref_squeeze %dma_wait3A_936 : memref<1x8x128xf32, #tpu.memory_space<vmem>> -> memref<8x128xf32, #tpu.memory_space<vmem>>
        tpu.wait_dma2 semaphore(%arg15 : memref<!tpu.dma_semaphore, #tpu.memory_space<semaphore_mem>>) src(%dma_wait3A_937 : memref<8x128xf32, #tpu.memory_space<vmem>>) dst(%dma_wait3A_933 : memref<8x128xf32, #tpu.memory_space<hbm>>)
        %dma_wait3A_938 = arith.constant 5 : i32
        %dma_wait3A_939 = arith.constant 0 : i32
        %dma_wait3A_940 = arith.constant 0 : i32
        %dma_wait3A_941 = arith.constant 0 : i32
        %dma_wait3A_942 = tpu.memref_slice %arg9[%dma_wait3A_938, %dma_wait3A_940, %dma_wait3A_941] : memref<8x8x128xf32, #tpu.memory_space<vmem>> -> memref<1x8x128xf32, #tpu.memory_space<vmem>>
        %dma_wait3A_943 = tpu.memref_squeeze %dma_wait3A_942 : memref<1x8x128xf32, #tpu.memory_space<vmem>> -> memref<8x128xf32, #tpu.memory_space<vmem>>
        %dma_wait3A_944 = arith.constant 0 : i32
        %dma_wait3A_945 = arith.constant 0 : i32
        %dma_wait3A_946 = tpu.memref_slice %arg4[%dma_wait3A_939, %dma_wait3A_944, %dma_wait3A_945] : memref<51200x8x128xf32, #tpu.memory_space<hbm>> -> memref<1x8x128xf32, #tpu.memory_space<hbm>>
        %dma_wait3A_947 = tpu.memref_squeeze %dma_wait3A_946 : memref<1x8x128xf32, #tpu.memory_space<hbm>> -> memref<8x128xf32, #tpu.memory_space<hbm>>
        %dma_wait3A_948 = arith.constant 0 : i32
        %dma_wait3A_949 = arith.constant 0 : i32
        %dma_wait3A_950 = tpu.memref_slice %arg4[%dma_wait3A_939, %dma_wait3A_948, %dma_wait3A_949] : memref<51200x8x128xf32, #tpu.memory_space<hbm>> -> memref<1x8x128xf32, #tpu.memory_space<hbm>>
        %dma_wait3A_951 = tpu.memref_squeeze %dma_wait3A_950 : memref<1x8x128xf32, #tpu.memory_space<hbm>> -> memref<8x128xf32, #tpu.memory_space<hbm>>
        %dma_wait3A_952 = arith.constant 0 : i32
        %dma_wait3A_953 = arith.constant 0 : i32
        %dma_wait3A_954 = tpu.memref_slice %arg9[%dma_wait3A_938, %dma_wait3A_952, %dma_wait3A_953] : memref<8x8x128xf32, #tpu.memory_space<vmem>> -> memref<1x8x128xf32, #tpu.memory_space<vmem>>
        %dma_wait3A_955 = tpu.memref_squeeze %dma_wait3A_954 : memref<1x8x128xf32, #tpu.memory_space<vmem>> -> memref<8x128xf32, #tpu.memory_space<vmem>>
        tpu.wait_dma2 semaphore(%arg15 : memref<!tpu.dma_semaphore, #tpu.memory_space<semaphore_mem>>) src(%dma_wait3A_955 : memref<8x128xf32, #tpu.memory_space<vmem>>) dst(%dma_wait3A_951 : memref<8x128xf32, #tpu.memory_space<hbm>>)
        %dma_wait3A_956 = arith.constant 6 : i32
        %dma_wait3A_957 = arith.constant 0 : i32
        %dma_wait3A_958 = arith.constant 0 : i32
        %dma_wait3A_959 = arith.constant 0 : i32
        %dma_wait3A_960 = tpu.memref_slice %arg9[%dma_wait3A_956, %dma_wait3A_958, %dma_wait3A_959] : memref<8x8x128xf32, #tpu.memory_space<vmem>> -> memref<1x8x128xf32, #tpu.memory_space<vmem>>
        %dma_wait3A_961 = tpu.memref_squeeze %dma_wait3A_960 : memref<1x8x128xf32, #tpu.memory_space<vmem>> -> memref<8x128xf32, #tpu.memory_space<vmem>>
        %dma_wait3A_962 = arith.constant 0 : i32
        %dma_wait3A_963 = arith.constant 0 : i32
        %dma_wait3A_964 = tpu.memref_slice %arg4[%dma_wait3A_957, %dma_wait3A_962, %dma_wait3A_963] : memref<51200x8x128xf32, #tpu.memory_space<hbm>> -> memref<1x8x128xf32, #tpu.memory_space<hbm>>
        %dma_wait3A_965 = tpu.memref_squeeze %dma_wait3A_964 : memref<1x8x128xf32, #tpu.memory_space<hbm>> -> memref<8x128xf32, #tpu.memory_space<hbm>>
        %dma_wait3A_966 = arith.constant 0 : i32
        %dma_wait3A_967 = arith.constant 0 : i32
        %dma_wait3A_968 = tpu.memref_slice %arg4[%dma_wait3A_957, %dma_wait3A_966, %dma_wait3A_967] : memref<51200x8x128xf32, #tpu.memory_space<hbm>> -> memref<1x8x128xf32, #tpu.memory_space<hbm>>
        %dma_wait3A_969 = tpu.memref_squeeze %dma_wait3A_968 : memref<1x8x128xf32, #tpu.memory_space<hbm>> -> memref<8x128xf32, #tpu.memory_space<hbm>>
        %dma_wait3A_970 = arith.constant 0 : i32
        %dma_wait3A_971 = arith.constant 0 : i32
        %dma_wait3A_972 = tpu.memref_slice %arg9[%dma_wait3A_956, %dma_wait3A_970, %dma_wait3A_971] : memref<8x8x128xf32, #tpu.memory_space<vmem>> -> memref<1x8x128xf32, #tpu.memory_space<vmem>>
        %dma_wait3A_973 = tpu.memref_squeeze %dma_wait3A_972 : memref<1x8x128xf32, #tpu.memory_space<vmem>> -> memref<8x128xf32, #tpu.memory_space<vmem>>
        tpu.wait_dma2 semaphore(%arg15 : memref<!tpu.dma_semaphore, #tpu.memory_space<semaphore_mem>>) src(%dma_wait3A_973 : memref<8x128xf32, #tpu.memory_space<vmem>>) dst(%dma_wait3A_969 : memref<8x128xf32, #tpu.memory_space<hbm>>)
        %dma_wait3A_974 = arith.constant 7 : i32
        %dma_wait3A_975 = arith.constant 0 : i32
        %dma_wait3A_976 = arith.constant 0 : i32
        %dma_wait3A_977 = arith.constant 0 : i32
        %dma_wait3A_978 = tpu.memref_slice %arg9[%dma_wait3A_974, %dma_wait3A_976, %dma_wait3A_977] : memref<8x8x128xf32, #tpu.memory_space<vmem>> -> memref<1x8x128xf32, #tpu.memory_space<vmem>>
        %dma_wait3A_979 = tpu.memref_squeeze %dma_wait3A_978 : memref<1x8x128xf32, #tpu.memory_space<vmem>> -> memref<8x128xf32, #tpu.memory_space<vmem>>
        %dma_wait3A_980 = arith.constant 0 : i32
        %dma_wait3A_981 = arith.constant 0 : i32
        %dma_wait3A_982 = tpu.memref_slice %arg4[%dma_wait3A_975, %dma_wait3A_980, %dma_wait3A_981] : memref<51200x8x128xf32, #tpu.memory_space<hbm>> -> memref<1x8x128xf32, #tpu.memory_space<hbm>>
        %dma_wait3A_983 = tpu.memref_squeeze %dma_wait3A_982 : memref<1x8x128xf32, #tpu.memory_space<hbm>> -> memref<8x128xf32, #tpu.memory_space<hbm>>
        %dma_wait3A_984 = arith.constant 0 : i32
        %dma_wait3A_985 = arith.constant 0 : i32
        %dma_wait3A_986 = tpu.memref_slice %arg4[%dma_wait3A_975, %dma_wait3A_984, %dma_wait3A_985] : memref<51200x8x128xf32, #tpu.memory_space<hbm>> -> memref<1x8x128xf32, #tpu.memory_space<hbm>>
        %dma_wait3A_987 = tpu.memref_squeeze %dma_wait3A_986 : memref<1x8x128xf32, #tpu.memory_space<hbm>> -> memref<8x128xf32, #tpu.memory_space<hbm>>
        %dma_wait3A_988 = arith.constant 0 : i32
        %dma_wait3A_989 = arith.constant 0 : i32
        %dma_wait3A_990 = tpu.memref_slice %arg9[%dma_wait3A_974, %dma_wait3A_988, %dma_wait3A_989] : memref<8x8x128xf32, #tpu.memory_space<vmem>> -> memref<1x8x128xf32, #tpu.memory_space<vmem>>
        %dma_wait3A_991 = tpu.memref_squeeze %dma_wait3A_990 : memref<1x8x128xf32, #tpu.memory_space<vmem>> -> memref<8x128xf32, #tpu.memory_space<vmem>>
        tpu.wait_dma2 semaphore(%arg15 : memref<!tpu.dma_semaphore, #tpu.memory_space<semaphore_mem>>) src(%dma_wait3A_991 : memref<8x128xf32, #tpu.memory_space<vmem>>) dst(%dma_wait3A_987 : memref<8x128xf32, #tpu.memory_space<hbm>>)
      } else {
      }
      %parallel_loop3A = arith.constant 0 : i32
      %parallel_loop3A_358 = arith.constant 64 : i32
      %parallel_loop3A_359 = arith.constant 1 : i32
      scf.for %parallel_loop3A_848 = %parallel_loop3A to %parallel_loop3A_358 step %parallel_loop3A_359  : i32 {
        %parallel_loop3A_849 = vector.broadcast %parallel_loop3A_848 : i32 to vector<16xi32>
        %parallel_loop3A_850 = arith.addi %parallel_loop3A_849, %iota3A : vector<16xi32>
        %parallel_loop3A_851 = arith.constant 63 : i32
        %parallel_loop3A_852 = vector.broadcast %parallel_loop3A_851 : i32 to vector<16xi32>
        %parallel_loop3A_853 = arith.andi %parallel_loop3A_850, %parallel_loop3A_852 : vector<16xi32>
        %parallel_loop3A_854 = arith.constant 3 : i32
        %parallel_loop3A_855 = vector.broadcast %parallel_loop3A_854 : i32 to vector<16xi32>
        %parallel_loop3A_856 = arith.shrsi %parallel_loop3A_853, %parallel_loop3A_855 : vector<16xi32>
        %parallel_loop3A_857 = arith.constant 7 : i32
        %parallel_loop3A_858 = vector.broadcast %parallel_loop3A_857 : i32 to vector<16xi32>
        %parallel_loop3A_859 = arith.andi %parallel_loop3A_853, %parallel_loop3A_858 : vector<16xi32>
        %parallel_loop3A_860 = tpu.vector_load_idx %arg7[%add3A_5, %parallel_loop3A_853] : memref<128x64xf32, #tpu.memory_space<vmem>>[vector<16xi32>, vector<16xi32>], vector<16xf32>,
        tpu.vector_store_idx %arg9[%parallel_loop3A_856, %parallel_loop3A_859, %add3A_5], %parallel_loop3A_860 : memref<8x8x128xf32, #tpu.memory_space<vmem>>[vector<16xi32>, vector<16xi32>, vector<16xi32>], vector<16xf32>,
        %parallel_loop3A_861 = tpu.vector_load_idx %arg7[%add3A_8, %parallel_loop3A_853] : memref<128x64xf32, #tpu.memory_space<vmem>>[vector<16xi32>, vector<16xi32>], vector<16xf32>,
        tpu.vector_store_idx %arg9[%parallel_loop3A_856, %parallel_loop3A_859, %add3A_8], %parallel_loop3A_861 : memref<8x8x128xf32, #tpu.memory_space<vmem>>[vector<16xi32>, vector<16xi32>, vector<16xi32>], vector<16xf32>,
        %parallel_loop3A_862 = tpu.vector_load_idx %arg7[%add3A_11, %parallel_loop3A_853] : memref<128x64xf32, #tpu.memory_space<vmem>>[vector<16xi32>, vector<16xi32>], vector<16xf32>,
        tpu.vector_store_idx %arg9[%parallel_loop3A_856, %parallel_loop3A_859, %add3A_11], %parallel_loop3A_862 : memref<8x8x128xf32, #tpu.memory_space<vmem>>[vector<16xi32>, vector<16xi32>, vector<16xi32>], vector<16xf32>,
        %parallel_loop3A_863 = tpu.vector_load_idx %arg7[%add3A_14, %parallel_loop3A_853] : memref<128x64xf32, #tpu.memory_space<vmem>>[vector<16xi32>, vector<16xi32>], vector<16xf32>,
        tpu.vector_store_idx %arg9[%parallel_loop3A_856, %parallel_loop3A_859, %add3A_14], %parallel_loop3A_863 : memref<8x8x128xf32, #tpu.memory_space<vmem>>[vector<16xi32>, vector<16xi32>, vector<16xi32>], vector<16xf32>,
        %parallel_loop3A_864 = tpu.vector_load_idx %arg7[%add3A_17, %parallel_loop3A_853] : memref<128x64xf32, #tpu.memory_space<vmem>>[vector<16xi32>, vector<16xi32>], vector<16xf32>,
        tpu.vector_store_idx %arg9[%parallel_loop3A_856, %parallel_loop3A_859, %add3A_17], %parallel_loop3A_864 : memref<8x8x128xf32, #tpu.memory_space<vmem>>[vector<16xi32>, vector<16xi32>, vector<16xi32>], vector<16xf32>,
        %parallel_loop3A_865 = tpu.vector_load_idx %arg7[%add3A_20, %parallel_loop3A_853] : memref<128x64xf32, #tpu.memory_space<vmem>>[vector<16xi32>, vector<16xi32>], vector<16xf32>,
        tpu.vector_store_idx %arg9[%parallel_loop3A_856, %parallel_loop3A_859, %add3A_20], %parallel_loop3A_865 : memref<8x8x128xf32, #tpu.memory_space<vmem>>[vector<16xi32>, vector<16xi32>, vector<16xi32>], vector<16xf32>,
        %parallel_loop3A_866 = tpu.vector_load_idx %arg7[%add3A_23, %parallel_loop3A_853] : memref<128x64xf32, #tpu.memory_space<vmem>>[vector<16xi32>, vector<16xi32>], vector<16xf32>,
        tpu.vector_store_idx %arg9[%parallel_loop3A_856, %parallel_loop3A_859, %add3A_23], %parallel_loop3A_866 : memref<8x8x128xf32, #tpu.memory_space<vmem>>[vector<16xi32>, vector<16xi32>, vector<16xi32>], vector<16xf32>,
        %parallel_loop3A_867 = tpu.vector_load_idx %arg7[%add3A_26, %parallel_loop3A_853] : memref<128x64xf32, #tpu.memory_space<vmem>>[vector<16xi32>, vector<16xi32>], vector<16xf32>,
        tpu.vector_store_idx %arg9[%parallel_loop3A_856, %parallel_loop3A_859, %add3A_26], %parallel_loop3A_867 : memref<8x8x128xf32, #tpu.memory_space<vmem>>[vector<16xi32>, vector<16xi32>, vector<16xi32>], vector<16xf32>,
      } {sc.loop_unroll_factor = 4 : i64, sc.parallel_access}
      %jit3A = arith.constant 4 : i32
      %div3A = arith.divsi %mul3A_339, %jit3A : i32
      %sign3A = arith.constant 0 : i32
      %sign3A_360 = arith.cmpi sgt, %mul3A_339, %sign3A : i32
      %sign3A_361 = arith.extui %sign3A_360 : i1 to i32
      %sign3A_362 = arith.constant 0 : i32
      %sign3A_363 = arith.cmpi slt, %mul3A_339, %sign3A_362 : i32
      %sign3A_364 = arith.extui %sign3A_363 : i1 to i32
      %sign3A_365 = arith.subi %sign3A_361, %sign3A_364 : i32
      %sign3A_366 = arith.constant 0 : i32
      %sign3A_367 = arith.cmpi sgt, %jit3A, %sign3A_366 : i32
      %sign3A_368 = arith.extui %sign3A_367 : i1 to i32
      %sign3A_369 = arith.constant 0 : i32
      %sign3A_370 = arith.cmpi slt, %jit3A, %sign3A_369 : i32
      %sign3A_371 = arith.extui %sign3A_370 : i1 to i32
      %sign3A_372 = arith.subi %sign3A_368, %sign3A_371 : i32
      %ne3A = arith.cmpi ne, %sign3A_365, %sign3A_372 : i32
      %rem3A = arith.remsi %mul3A_339, %jit3A : i32
      %ne3A_373 = arith.constant 0 : i32
      %ne3A_374 = arith.cmpi ne, %rem3A, %ne3A_373 : i32
      %and3A = arith.andi %ne3A, %ne3A_374 : i1
      %sub3A = arith.constant 1 : i32
      %sub3A_375 = arith.subi %div3A, %sub3A : i32
      %select_n3A = arith.select %and3A, %sub3A_375, %div3A : i32
      %mul3A_376 = arith.constant 4 : i32
      %mul3A_377 = arith.muli %add3A, %mul3A_376 : i32
      %jit3A_378 = arith.constant 4 : i32
      %eq3A = arith.constant 0 : i32
      %eq3A_379 = arith.cmpi eq, %jit3A_378, %eq3A : i32
      %jit3A_380 = arith.constant 1 : i32
      %select_n3A_381 = arith.select %eq3A_379, %jit3A_380, %jit3A_378 : i32
      %rem3A_382 = arith.remsi %mul3A_339, %select_n3A_381 : i32
      %ne3A_383 = arith.constant 0 : i32
      %ne3A_384 = arith.cmpi ne, %rem3A_382, %ne3A_383 : i32
      %lt3A_385 = arith.constant 0 : i32
      %lt3A_386 = arith.cmpi slt, %rem3A_382, %lt3A_385 : i32
      %lt3A_387 = arith.constant 0 : i32
      %lt3A_388 = arith.cmpi slt, %select_n3A_381, %lt3A_387 : i32
      %ne3A_389 = arith.xori %lt3A_386, %lt3A_388 : i1
      %and3A_390 = arith.andi %ne3A_389, %ne3A_384 : i1
      %add3A_391 = arith.addi %rem3A_382, %select_n3A_381 : i32
      %select_n3A_392 = arith.select %and3A_390, %add3A_391, %rem3A_382 : i32
      %add3A_393 = arith.addi %mul3A_377, %select_n3A_392 : i32
      %mul3A_394 = arith.constant 8 : i32
      %mul3A_395 = arith.muli %select_n3A, %mul3A_394 : i32
      %add3A_396 = arith.constant 0 : i32
      %add3A_397 = arith.addi %mul3A_395, %add3A_396 : i32
      %mul3A_398 = arith.constant 128 : i32
      %mul3A_399 = arith.muli %add3A_397, %mul3A_398 : i32
      %add3A_400 = arith.addi %mul3A_399, %add3A_393 : i32
      %dma_start3A_401 = arith.constant 0 : i32
      %dma_start3A_402 = arith.constant 0 : i32
      %dma_start3A_403 = arith.constant 0 : i32
      %dma_start3A_404 = tpu.memref_slice %arg9[%dma_start3A_401, %dma_start3A_402, %dma_start3A_403] : memref<8x8x128xf32, #tpu.memory_space<vmem>> -> memref<1x8x128xf32, #tpu.memory_space<vmem>>
      %dma_start3A_405 = tpu.memref_squeeze %dma_start3A_404 : memref<1x8x128xf32, #tpu.memory_space<vmem>> -> memref<8x128xf32, #tpu.memory_space<vmem>>
      %dma_start3A_406 = arith.constant 0 : i32
      %dma_start3A_407 = arith.constant 0 : i32
      %dma_start3A_408 = tpu.memref_slice %arg4[%add3A_400, %dma_start3A_406, %dma_start3A_407] : memref<51200x8x128xf32, #tpu.memory_space<hbm>> -> memref<1x8x128xf32, #tpu.memory_space<hbm>>
      %dma_start3A_409 = tpu.memref_squeeze %dma_start3A_408 : memref<1x8x128xf32, #tpu.memory_space<hbm>> -> memref<8x128xf32, #tpu.memory_space<hbm>>
      %dma_start3A_410 = arith.constant 0 : i32
      %dma_start3A_411 = arith.constant 0 : i32
      %dma_start3A_412 = tpu.memref_slice %arg4[%add3A_400, %dma_start3A_410, %dma_start3A_411] : memref<51200x8x128xf32, #tpu.memory_space<hbm>> -> memref<1x8x128xf32, #tpu.memory_space<hbm>>
      %dma_start3A_413 = tpu.memref_squeeze %dma_start3A_412 : memref<1x8x128xf32, #tpu.memory_space<hbm>> -> memref<8x128xf32, #tpu.memory_space<hbm>>
      %dma_start3A_414 = arith.constant 0 : i32
      %dma_start3A_415 = arith.constant 0 : i32
      %dma_start3A_416 = tpu.memref_slice %arg9[%dma_start3A_401, %dma_start3A_414, %dma_start3A_415] : memref<8x8x128xf32, #tpu.memory_space<vmem>> -> memref<1x8x128xf32, #tpu.memory_space<vmem>>
      %dma_start3A_417 = tpu.memref_squeeze %dma_start3A_416 : memref<1x8x128xf32, #tpu.memory_space<vmem>> -> memref<8x128xf32, #tpu.memory_space<vmem>>
      tpu.enqueue_dma source(%dma_start3A_417 : memref<8x128xf32, #tpu.memory_space<vmem>>) target(%dma_start3A_413 : memref<8x128xf32, #tpu.memory_space<hbm>>) target_semaphore(%arg15 : memref<!tpu.dma_semaphore, #tpu.memory_space<semaphore_mem>>)
      %mul3A_418 = arith.constant 8 : i32
      %mul3A_419 = arith.muli %select_n3A, %mul3A_418 : i32
      %add3A_420 = arith.constant 1 : i32
      %add3A_421 = arith.addi %mul3A_419, %add3A_420 : i32
      %mul3A_422 = arith.constant 128 : i32
      %mul3A_423 = arith.muli %add3A_421, %mul3A_422 : i32
      %add3A_424 = arith.addi %mul3A_423, %add3A_393 : i32
      %dma_start3A_425 = arith.constant 1 : i32
      %dma_start3A_426 = arith.constant 0 : i32
      %dma_start3A_427 = arith.constant 0 : i32
      %dma_start3A_428 = tpu.memref_slice %arg9[%dma_start3A_425, %dma_start3A_426, %dma_start3A_427] : memref<8x8x128xf32, #tpu.memory_space<vmem>> -> memref<1x8x128xf32, #tpu.memory_space<vmem>>
      %dma_start3A_429 = tpu.memref_squeeze %dma_start3A_428 : memref<1x8x128xf32, #tpu.memory_space<vmem>> -> memref<8x128xf32, #tpu.memory_space<vmem>>
      %dma_start3A_430 = arith.constant 0 : i32
      %dma_start3A_431 = arith.constant 0 : i32
      %dma_start3A_432 = tpu.memref_slice %arg4[%add3A_424, %dma_start3A_430, %dma_start3A_431] : memref<51200x8x128xf32, #tpu.memory_space<hbm>> -> memref<1x8x128xf32, #tpu.memory_space<hbm>>
      %dma_start3A_433 = tpu.memref_squeeze %dma_start3A_432 : memref<1x8x128xf32, #tpu.memory_space<hbm>> -> memref<8x128xf32, #tpu.memory_space<hbm>>
      %dma_start3A_434 = arith.constant 0 : i32
      %dma_start3A_435 = arith.constant 0 : i32
      %dma_start3A_436 = tpu.memref_slice %arg4[%add3A_424, %dma_start3A_434, %dma_start3A_435] : memref<51200x8x128xf32, #tpu.memory_space<hbm>> -> memref<1x8x128xf32, #tpu.memory_space<hbm>>
      %dma_start3A_437 = tpu.memref_squeeze %dma_start3A_436 : memref<1x8x128xf32, #tpu.memory_space<hbm>> -> memref<8x128xf32, #tpu.memory_space<hbm>>
      %dma_start3A_438 = arith.constant 0 : i32
      %dma_start3A_439 = arith.constant 0 : i32
      %dma_start3A_440 = tpu.memref_slice %arg9[%dma_start3A_425, %dma_start3A_438, %dma_start3A_439] : memref<8x8x128xf32, #tpu.memory_space<vmem>> -> memref<1x8x128xf32, #tpu.memory_space<vmem>>
      %dma_start3A_441 = tpu.memref_squeeze %dma_start3A_440 : memref<1x8x128xf32, #tpu.memory_space<vmem>> -> memref<8x128xf32, #tpu.memory_space<vmem>>
      tpu.enqueue_dma source(%dma_start3A_441 : memref<8x128xf32, #tpu.memory_space<vmem>>) target(%dma_start3A_437 : memref<8x128xf32, #tpu.memory_space<hbm>>) target_semaphore(%arg15 : memref<!tpu.dma_semaphore, #tpu.memory_space<semaphore_mem>>)
      %mul3A_442 = arith.constant 8 : i32
      %mul3A_443 = arith.muli %select_n3A, %mul3A_442 : i32
      %add3A_444 = arith.constant 2 : i32
      %add3A_445 = arith.addi %mul3A_443, %add3A_444 : i32
      %mul3A_446 = arith.constant 128 : i32
      %mul3A_447 = arith.muli %add3A_445, %mul3A_446 : i32
      %add3A_448 = arith.addi %mul3A_447, %add3A_393 : i32
      %dma_start3A_449 = arith.constant 2 : i32
      %dma_start3A_450 = arith.constant 0 : i32
      %dma_start3A_451 = arith.constant 0 : i32
      %dma_start3A_452 = tpu.memref_slice %arg9[%dma_start3A_449, %dma_start3A_450, %dma_start3A_451] : memref<8x8x128xf32, #tpu.memory_space<vmem>> -> memref<1x8x128xf32, #tpu.memory_space<vmem>>
      %dma_start3A_453 = tpu.memref_squeeze %dma_start3A_452 : memref<1x8x128xf32, #tpu.memory_space<vmem>> -> memref<8x128xf32, #tpu.memory_space<vmem>>
      %dma_start3A_454 = arith.constant 0 : i32
      %dma_start3A_455 = arith.constant 0 : i32
      %dma_start3A_456 = tpu.memref_slice %arg4[%add3A_448, %dma_start3A_454, %dma_start3A_455] : memref<51200x8x128xf32, #tpu.memory_space<hbm>> -> memref<1x8x128xf32, #tpu.memory_space<hbm>>
      %dma_start3A_457 = tpu.memref_squeeze %dma_start3A_456 : memref<1x8x128xf32, #tpu.memory_space<hbm>> -> memref<8x128xf32, #tpu.memory_space<hbm>>
      %dma_start3A_458 = arith.constant 0 : i32
      %dma_start3A_459 = arith.constant 0 : i32
      %dma_start3A_460 = tpu.memref_slice %arg4[%add3A_448, %dma_start3A_458, %dma_start3A_459] : memref<51200x8x128xf32, #tpu.memory_space<hbm>> -> memref<1x8x128xf32, #tpu.memory_space<hbm>>
      %dma_start3A_461 = tpu.memref_squeeze %dma_start3A_460 : memref<1x8x128xf32, #tpu.memory_space<hbm>> -> memref<8x128xf32, #tpu.memory_space<hbm>>
      %dma_start3A_462 = arith.constant 0 : i32
      %dma_start3A_463 = arith.constant 0 : i32
      %dma_start3A_464 = tpu.memref_slice %arg9[%dma_start3A_449, %dma_start3A_462, %dma_start3A_463] : memref<8x8x128xf32, #tpu.memory_space<vmem>> -> memref<1x8x128xf32, #tpu.memory_space<vmem>>
      %dma_start3A_465 = tpu.memref_squeeze %dma_start3A_464 : memref<1x8x128xf32, #tpu.memory_space<vmem>> -> memref<8x128xf32, #tpu.memory_space<vmem>>
      tpu.enqueue_dma source(%dma_start3A_465 : memref<8x128xf32, #tpu.memory_space<vmem>>) target(%dma_start3A_461 : memref<8x128xf32, #tpu.memory_space<hbm>>) target_semaphore(%arg15 : memref<!tpu.dma_semaphore, #tpu.memory_space<semaphore_mem>>)
      %mul3A_466 = arith.constant 8 : i32
      %mul3A_467 = arith.muli %select_n3A, %mul3A_466 : i32
      %add3A_468 = arith.constant 3 : i32
      %add3A_469 = arith.addi %mul3A_467, %add3A_468 : i32
      %mul3A_470 = arith.constant 128 : i32
      %mul3A_471 = arith.muli %add3A_469, %mul3A_470 : i32
      %add3A_472 = arith.addi %mul3A_471, %add3A_393 : i32
      %dma_start3A_473 = arith.constant 3 : i32
      %dma_start3A_474 = arith.constant 0 : i32
      %dma_start3A_475 = arith.constant 0 : i32
      %dma_start3A_476 = tpu.memref_slice %arg9[%dma_start3A_473, %dma_start3A_474, %dma_start3A_475] : memref<8x8x128xf32, #tpu.memory_space<vmem>> -> memref<1x8x128xf32, #tpu.memory_space<vmem>>
      %dma_start3A_477 = tpu.memref_squeeze %dma_start3A_476 : memref<1x8x128xf32, #tpu.memory_space<vmem>> -> memref<8x128xf32, #tpu.memory_space<vmem>>
      %dma_start3A_478 = arith.constant 0 : i32
      %dma_start3A_479 = arith.constant 0 : i32
      %dma_start3A_480 = tpu.memref_slice %arg4[%add3A_472, %dma_start3A_478, %dma_start3A_479] : memref<51200x8x128xf32, #tpu.memory_space<hbm>> -> memref<1x8x128xf32, #tpu.memory_space<hbm>>
      %dma_start3A_481 = tpu.memref_squeeze %dma_start3A_480 : memref<1x8x128xf32, #tpu.memory_space<hbm>> -> memref<8x128xf32, #tpu.memory_space<hbm>>
      %dma_start3A_482 = arith.constant 0 : i32
      %dma_start3A_483 = arith.constant 0 : i32
      %dma_start3A_484 = tpu.memref_slice %arg4[%add3A_472, %dma_start3A_482, %dma_start3A_483] : memref<51200x8x128xf32, #tpu.memory_space<hbm>> -> memref<1x8x128xf32, #tpu.memory_space<hbm>>
      %dma_start3A_485 = tpu.memref_squeeze %dma_start3A_484 : memref<1x8x128xf32, #tpu.memory_space<hbm>> -> memref<8x128xf32, #tpu.memory_space<hbm>>
      %dma_start3A_486 = arith.constant 0 : i32
      %dma_start3A_487 = arith.constant 0 : i32
      %dma_start3A_488 = tpu.memref_slice %arg9[%dma_start3A_473, %dma_start3A_486, %dma_start3A_487] : memref<8x8x128xf32, #tpu.memory_space<vmem>> -> memref<1x8x128xf32, #tpu.memory_space<vmem>>
      %dma_start3A_489 = tpu.memref_squeeze %dma_start3A_488 : memref<1x8x128xf32, #tpu.memory_space<vmem>> -> memref<8x128xf32, #tpu.memory_space<vmem>>
      tpu.enqueue_dma source(%dma_start3A_489 : memref<8x128xf32, #tpu.memory_space<vmem>>) target(%dma_start3A_485 : memref<8x128xf32, #tpu.memory_space<hbm>>) target_semaphore(%arg15 : memref<!tpu.dma_semaphore, #tpu.memory_space<semaphore_mem>>)
      %mul3A_490 = arith.constant 8 : i32
      %mul3A_491 = arith.muli %select_n3A, %mul3A_490 : i32
      %add3A_492 = arith.constant 4 : i32
      %add3A_493 = arith.addi %mul3A_491, %add3A_492 : i32
      %mul3A_494 = arith.constant 128 : i32
      %mul3A_495 = arith.muli %add3A_493, %mul3A_494 : i32
      %add3A_496 = arith.addi %mul3A_495, %add3A_393 : i32
      %dma_start3A_497 = arith.constant 4 : i32
      %dma_start3A_498 = arith.constant 0 : i32
      %dma_start3A_499 = arith.constant 0 : i32
      %dma_start3A_500 = tpu.memref_slice %arg9[%dma_start3A_497, %dma_start3A_498, %dma_start3A_499] : memref<8x8x128xf32, #tpu.memory_space<vmem>> -> memref<1x8x128xf32, #tpu.memory_space<vmem>>
      %dma_start3A_501 = tpu.memref_squeeze %dma_start3A_500 : memref<1x8x128xf32, #tpu.memory_space<vmem>> -> memref<8x128xf32, #tpu.memory_space<vmem>>
      %dma_start3A_502 = arith.constant 0 : i32
      %dma_start3A_503 = arith.constant 0 : i32
      %dma_start3A_504 = tpu.memref_slice %arg4[%add3A_496, %dma_start3A_502, %dma_start3A_503] : memref<51200x8x128xf32, #tpu.memory_space<hbm>> -> memref<1x8x128xf32, #tpu.memory_space<hbm>>
      %dma_start3A_505 = tpu.memref_squeeze %dma_start3A_504 : memref<1x8x128xf32, #tpu.memory_space<hbm>> -> memref<8x128xf32, #tpu.memory_space<hbm>>
      %dma_start3A_506 = arith.constant 0 : i32
      %dma_start3A_507 = arith.constant 0 : i32
      %dma_start3A_508 = tpu.memref_slice %arg4[%add3A_496, %dma_start3A_506, %dma_start3A_507] : memref<51200x8x128xf32, #tpu.memory_space<hbm>> -> memref<1x8x128xf32, #tpu.memory_space<hbm>>
      %dma_start3A_509 = tpu.memref_squeeze %dma_start3A_508 : memref<1x8x128xf32, #tpu.memory_space<hbm>> -> memref<8x128xf32, #tpu.memory_space<hbm>>
      %dma_start3A_510 = arith.constant 0 : i32
      %dma_start3A_511 = arith.constant 0 : i32
      %dma_start3A_512 = tpu.memref_slice %arg9[%dma_start3A_497, %dma_start3A_510, %dma_start3A_511] : memref<8x8x128xf32, #tpu.memory_space<vmem>> -> memref<1x8x128xf32, #tpu.memory_space<vmem>>
      %dma_start3A_513 = tpu.memref_squeeze %dma_start3A_512 : memref<1x8x128xf32, #tpu.memory_space<vmem>> -> memref<8x128xf32, #tpu.memory_space<vmem>>
      tpu.enqueue_dma source(%dma_start3A_513 : memref<8x128xf32, #tpu.memory_space<vmem>>) target(%dma_start3A_509 : memref<8x128xf32, #tpu.memory_space<hbm>>) target_semaphore(%arg15 : memref<!tpu.dma_semaphore, #tpu.memory_space<semaphore_mem>>)
      %mul3A_514 = arith.constant 8 : i32
      %mul3A_515 = arith.muli %select_n3A, %mul3A_514 : i32
      %add3A_516 = arith.constant 5 : i32
      %add3A_517 = arith.addi %mul3A_515, %add3A_516 : i32
      %mul3A_518 = arith.constant 128 : i32
      %mul3A_519 = arith.muli %add3A_517, %mul3A_518 : i32
      %add3A_520 = arith.addi %mul3A_519, %add3A_393 : i32
      %dma_start3A_521 = arith.constant 5 : i32
      %dma_start3A_522 = arith.constant 0 : i32
      %dma_start3A_523 = arith.constant 0 : i32
      %dma_start3A_524 = tpu.memref_slice %arg9[%dma_start3A_521, %dma_start3A_522, %dma_start3A_523] : memref<8x8x128xf32, #tpu.memory_space<vmem>> -> memref<1x8x128xf32, #tpu.memory_space<vmem>>
      %dma_start3A_525 = tpu.memref_squeeze %dma_start3A_524 : memref<1x8x128xf32, #tpu.memory_space<vmem>> -> memref<8x128xf32, #tpu.memory_space<vmem>>
      %dma_start3A_526 = arith.constant 0 : i32
      %dma_start3A_527 = arith.constant 0 : i32
      %dma_start3A_528 = tpu.memref_slice %arg4[%add3A_520, %dma_start3A_526, %dma_start3A_527] : memref<51200x8x128xf32, #tpu.memory_space<hbm>> -> memref<1x8x128xf32, #tpu.memory_space<hbm>>
      %dma_start3A_529 = tpu.memref_squeeze %dma_start3A_528 : memref<1x8x128xf32, #tpu.memory_space<hbm>> -> memref<8x128xf32, #tpu.memory_space<hbm>>
      %dma_start3A_530 = arith.constant 0 : i32
      %dma_start3A_531 = arith.constant 0 : i32
      %dma_start3A_532 = tpu.memref_slice %arg4[%add3A_520, %dma_start3A_530, %dma_start3A_531] : memref<51200x8x128xf32, #tpu.memory_space<hbm>> -> memref<1x8x128xf32, #tpu.memory_space<hbm>>
      %dma_start3A_533 = tpu.memref_squeeze %dma_start3A_532 : memref<1x8x128xf32, #tpu.memory_space<hbm>> -> memref<8x128xf32, #tpu.memory_space<hbm>>
      %dma_start3A_534 = arith.constant 0 : i32
      %dma_start3A_535 = arith.constant 0 : i32
      %dma_start3A_536 = tpu.memref_slice %arg9[%dma_start3A_521, %dma_start3A_534, %dma_start3A_535] : memref<8x8x128xf32, #tpu.memory_space<vmem>> -> memref<1x8x128xf32, #tpu.memory_space<vmem>>
      %dma_start3A_537 = tpu.memref_squeeze %dma_start3A_536 : memref<1x8x128xf32, #tpu.memory_space<vmem>> -> memref<8x128xf32, #tpu.memory_space<vmem>>
      tpu.enqueue_dma source(%dma_start3A_537 : memref<8x128xf32, #tpu.memory_space<vmem>>) target(%dma_start3A_533 : memref<8x128xf32, #tpu.memory_space<hbm>>) target_semaphore(%arg15 : memref<!tpu.dma_semaphore, #tpu.memory_space<semaphore_mem>>)
      %mul3A_538 = arith.constant 8 : i32
      %mul3A_539 = arith.muli %select_n3A, %mul3A_538 : i32
      %add3A_540 = arith.constant 6 : i32
      %add3A_541 = arith.addi %mul3A_539, %add3A_540 : i32
      %mul3A_542 = arith.constant 128 : i32
      %mul3A_543 = arith.muli %add3A_541, %mul3A_542 : i32
      %add3A_544 = arith.addi %mul3A_543, %add3A_393 : i32
      %dma_start3A_545 = arith.constant 6 : i32
      %dma_start3A_546 = arith.constant 0 : i32
      %dma_start3A_547 = arith.constant 0 : i32
      %dma_start3A_548 = tpu.memref_slice %arg9[%dma_start3A_545, %dma_start3A_546, %dma_start3A_547] : memref<8x8x128xf32, #tpu.memory_space<vmem>> -> memref<1x8x128xf32, #tpu.memory_space<vmem>>
      %dma_start3A_549 = tpu.memref_squeeze %dma_start3A_548 : memref<1x8x128xf32, #tpu.memory_space<vmem>> -> memref<8x128xf32, #tpu.memory_space<vmem>>
      %dma_start3A_550 = arith.constant 0 : i32
      %dma_start3A_551 = arith.constant 0 : i32
      %dma_start3A_552 = tpu.memref_slice %arg4[%add3A_544, %dma_start3A_550, %dma_start3A_551] : memref<51200x8x128xf32, #tpu.memory_space<hbm>> -> memref<1x8x128xf32, #tpu.memory_space<hbm>>
      %dma_start3A_553 = tpu.memref_squeeze %dma_start3A_552 : memref<1x8x128xf32, #tpu.memory_space<hbm>> -> memref<8x128xf32, #tpu.memory_space<hbm>>
      %dma_start3A_554 = arith.constant 0 : i32
      %dma_start3A_555 = arith.constant 0 : i32
      %dma_start3A_556 = tpu.memref_slice %arg4[%add3A_544, %dma_start3A_554, %dma_start3A_555] : memref<51200x8x128xf32, #tpu.memory_space<hbm>> -> memref<1x8x128xf32, #tpu.memory_space<hbm>>
      %dma_start3A_557 = tpu.memref_squeeze %dma_start3A_556 : memref<1x8x128xf32, #tpu.memory_space<hbm>> -> memref<8x128xf32, #tpu.memory_space<hbm>>
      %dma_start3A_558 = arith.constant 0 : i32
      %dma_start3A_559 = arith.constant 0 : i32
      %dma_start3A_560 = tpu.memref_slice %arg9[%dma_start3A_545, %dma_start3A_558, %dma_start3A_559] : memref<8x8x128xf32, #tpu.memory_space<vmem>> -> memref<1x8x128xf32, #tpu.memory_space<vmem>>
      %dma_start3A_561 = tpu.memref_squeeze %dma_start3A_560 : memref<1x8x128xf32, #tpu.memory_space<vmem>> -> memref<8x128xf32, #tpu.memory_space<vmem>>
      tpu.enqueue_dma source(%dma_start3A_561 : memref<8x128xf32, #tpu.memory_space<vmem>>) target(%dma_start3A_557 : memref<8x128xf32, #tpu.memory_space<hbm>>) target_semaphore(%arg15 : memref<!tpu.dma_semaphore, #tpu.memory_space<semaphore_mem>>)
      %mul3A_562 = arith.constant 8 : i32
      %mul3A_563 = arith.muli %select_n3A, %mul3A_562 : i32
      %add3A_564 = arith.constant 7 : i32
      %add3A_565 = arith.addi %mul3A_563, %add3A_564 : i32
      %mul3A_566 = arith.constant 128 : i32
      %mul3A_567 = arith.muli %add3A_565, %mul3A_566 : i32
      %add3A_568 = arith.addi %mul3A_567, %add3A_393 : i32
      %dma_start3A_569 = arith.constant 7 : i32
      %dma_start3A_570 = arith.constant 0 : i32
      %dma_start3A_571 = arith.constant 0 : i32
      %dma_start3A_572 = tpu.memref_slice %arg9[%dma_start3A_569, %dma_start3A_570, %dma_start3A_571] : memref<8x8x128xf32, #tpu.memory_space<vmem>> -> memref<1x8x128xf32, #tpu.memory_space<vmem>>
      %dma_start3A_573 = tpu.memref_squeeze %dma_start3A_572 : memref<1x8x128xf32, #tpu.memory_space<vmem>> -> memref<8x128xf32, #tpu.memory_space<vmem>>
      %dma_start3A_574 = arith.constant 0 : i32
      %dma_start3A_575 = arith.constant 0 : i32
      %dma_start3A_576 = tpu.memref_slice %arg4[%add3A_568, %dma_start3A_574, %dma_start3A_575] : memref<51200x8x128xf32, #tpu.memory_space<hbm>> -> memref<1x8x128xf32, #tpu.memory_space<hbm>>
      %dma_start3A_577 = tpu.memref_squeeze %dma_start3A_576 : memref<1x8x128xf32, #tpu.memory_space<hbm>> -> memref<8x128xf32, #tpu.memory_space<hbm>>
      %dma_start3A_578 = arith.constant 0 : i32
      %dma_start3A_579 = arith.constant 0 : i32
      %dma_start3A_580 = tpu.memref_slice %arg4[%add3A_568, %dma_start3A_578, %dma_start3A_579] : memref<51200x8x128xf32, #tpu.memory_space<hbm>> -> memref<1x8x128xf32, #tpu.memory_space<hbm>>
      %dma_start3A_581 = tpu.memref_squeeze %dma_start3A_580 : memref<1x8x128xf32, #tpu.memory_space<hbm>> -> memref<8x128xf32, #tpu.memory_space<hbm>>
      %dma_start3A_582 = arith.constant 0 : i32
      %dma_start3A_583 = arith.constant 0 : i32
      %dma_start3A_584 = tpu.memref_slice %arg9[%dma_start3A_569, %dma_start3A_582, %dma_start3A_583] : memref<8x8x128xf32, #tpu.memory_space<vmem>> -> memref<1x8x128xf32, #tpu.memory_space<vmem>>
      %dma_start3A_585 = tpu.memref_squeeze %dma_start3A_584 : memref<1x8x128xf32, #tpu.memory_space<vmem>> -> memref<8x128xf32, #tpu.memory_space<vmem>>
      tpu.enqueue_dma source(%dma_start3A_585 : memref<8x128xf32, #tpu.memory_space<vmem>>) target(%dma_start3A_581 : memref<8x128xf32, #tpu.memory_space<hbm>>) target_semaphore(%arg15 : memref<!tpu.dma_semaphore, #tpu.memory_space<semaphore_mem>>)
      %add3A_586 = arith.constant 1 : i32
      %add3A_587 = arith.addi %mul3A_339, %add3A_586 : i32
      %dma_wait3A_588 = arith.constant 0 : i32
      %dma_wait3A_589 = arith.constant 0 : i32
      %dma_wait3A_590 = tpu.memref_slice %arg3[%dma_wait3A_588, %dma_wait3A_589] : memref<1000000x64xf32, #tpu.memory_space<hbm>> -> memref<1000000x64xf32, #tpu.memory_space<hbm>>
      tpu.wait_indirect_dma semaphore(%arg14 : memref<!tpu.dma_semaphore, #tpu.memory_space<semaphore_mem>>) src(%dma_wait3A_590 : memref<1000000x64xf32, #tpu.memory_space<hbm>>) dst(%arg8 : memref<128x64xf32, #tpu.memory_space<vmem>>)
      %add3A_591 = arith.constant 1 : i32
      %add3A_592 = arith.addi %add3A_587, %add3A_591 : i32
      %lt3A_593 = arith.constant 200 : i32
      %lt3A_594 = arith.cmpi slt, %add3A_592, %lt3A_593 : i32
      %convert_element_type3A_595 = arith.extui %lt3A_594 : i1 to i32
      %cond3A_596 = arith.constant 0 : i32
      %cond3A_597 = arith.cmpi ne, %convert_element_type3A_595, %cond3A_596 : i32
      scf.if %cond3A_597 {
        %dma_wait3A_848 = arith.constant 0 : i32
        %dma_wait3A_849 = tpu.memref_slice %arg2[%dma_wait3A_848] : memref<819200xi32, #tpu.memory_space<hbm>> -> memref<128xi32, #tpu.memory_space<hbm>>
        %dma_wait3A_850 = arith.constant 0 : i32
        %dma_wait3A_851 = tpu.memref_slice %arg2[%dma_wait3A_850] : memref<819200xi32, #tpu.memory_space<hbm>> -> memref<128xi32, #tpu.memory_space<hbm>>
        tpu.wait_dma2 semaphore(%arg11 : memref<!tpu.dma_semaphore, #tpu.memory_space<semaphore_mem>>) src(%dma_wait3A_851 : memref<128xi32, #tpu.memory_space<hbm>>) dst(%arg5 : memref<128xi32, #tpu.memory_space<vmem>>)
        %dma_start3A_852 = arith.constant 0 : i32
        %dma_start3A_853 = arith.constant 0 : i32
        %dma_start3A_854 = tpu.memref_slice %arg3[%dma_start3A_852, %dma_start3A_853] : memref<1000000x64xf32, #tpu.memory_space<hbm>> -> memref<1000000x64xf32, #tpu.memory_space<hbm>>
        tpu.enqueue_indirect_dma source(%dma_start3A_854 : memref<1000000x64xf32, #tpu.memory_space<hbm>>) target(%arg7 : memref<128x64xf32, #tpu.memory_space<vmem>>) offsets(%arg5 : memref<128xi32, #tpu.memory_space<vmem>>) semaphore(%arg13 : memref<!tpu.dma_semaphore, #tpu.memory_space<semaphore_mem>>)
      } else {
      }
      %add3A_598 = arith.constant 2 : i32
      %add3A_599 = arith.addi %add3A_587, %add3A_598 : i32
      %lt3A_600 = arith.constant 200 : i32
      %lt3A_601 = arith.cmpi slt, %add3A_599, %lt3A_600 : i32
      %convert_element_type3A_602 = arith.extui %lt3A_601 : i1 to i32
      %cond3A_603 = arith.constant 0 : i32
      %cond3A_604 = arith.cmpi ne, %convert_element_type3A_602, %cond3A_603 : i32
      scf.if %cond3A_604 {
        %add3A_848 = arith.constant 2 : i32
        %add3A_849 = arith.addi %add3A_587, %add3A_848 : i32
        %jit3A_850 = arith.constant 4 : i32
        %div3A_851 = arith.divsi %add3A_849, %jit3A_850 : i32
        %sign3A_852 = arith.constant 0 : i32
        %sign3A_853 = arith.cmpi sgt, %add3A_849, %sign3A_852 : i32
        %sign3A_854 = arith.extui %sign3A_853 : i1 to i32
        %sign3A_855 = arith.constant 0 : i32
        %sign3A_856 = arith.cmpi slt, %add3A_849, %sign3A_855 : i32
        %sign3A_857 = arith.extui %sign3A_856 : i1 to i32
        %sign3A_858 = arith.subi %sign3A_854, %sign3A_857 : i32
        %sign3A_859 = arith.constant 0 : i32
        %sign3A_860 = arith.cmpi sgt, %jit3A_850, %sign3A_859 : i32
        %sign3A_861 = arith.extui %sign3A_860 : i1 to i32
        %sign3A_862 = arith.constant 0 : i32
        %sign3A_863 = arith.cmpi slt, %jit3A_850, %sign3A_862 : i32
        %sign3A_864 = arith.extui %sign3A_863 : i1 to i32
        %sign3A_865 = arith.subi %sign3A_861, %sign3A_864 : i32
        %ne3A_866 = arith.cmpi ne, %sign3A_858, %sign3A_865 : i32
        %rem3A_867 = arith.remsi %add3A_849, %jit3A_850 : i32
        %ne3A_868 = arith.constant 0 : i32
        %ne3A_869 = arith.cmpi ne, %rem3A_867, %ne3A_868 : i32
        %and3A_870 = arith.andi %ne3A_866, %ne3A_869 : i1
        %sub3A_871 = arith.constant 1 : i32
        %sub3A_872 = arith.subi %div3A_851, %sub3A_871 : i32
        %select_n3A_873 = arith.select %and3A_870, %sub3A_872, %div3A_851 : i32
        %mul3A_874 = arith.constant 16384 : i32
        %mul3A_875 = arith.muli %select_n3A_873, %mul3A_874 : i32
        %add3A_876 = arith.addi %mul3A_875, %mul3A_2 : i32
        %jit3A_877 = arith.constant 4 : i32
        %eq3A_878 = arith.constant 0 : i32
        %eq3A_879 = arith.cmpi eq, %jit3A_877, %eq3A_878 : i32
        %jit3A_880 = arith.constant 1 : i32
        %select_n3A_881 = arith.select %eq3A_879, %jit3A_880, %jit3A_877 : i32
        %rem3A_882 = arith.remsi %add3A_849, %select_n3A_881 : i32
        %ne3A_883 = arith.constant 0 : i32
        %ne3A_884 = arith.cmpi ne, %rem3A_882, %ne3A_883 : i32
        %lt3A_885 = arith.constant 0 : i32
        %lt3A_886 = arith.cmpi slt, %rem3A_882, %lt3A_885 : i32
        %lt3A_887 = arith.constant 0 : i32
        %lt3A_888 = arith.cmpi slt, %select_n3A_881, %lt3A_887 : i32
        %ne3A_889 = arith.xori %lt3A_886, %lt3A_888 : i1
        %and3A_890 = arith.andi %ne3A_889, %ne3A_884 : i1
        %add3A_891 = arith.addi %rem3A_882, %select_n3A_881 : i32
        %select_n3A_892 = arith.select %and3A_890, %add3A_891, %rem3A_882 : i32
        %mul3A_893 = arith.constant 128 : i32
        %mul3A_894 = arith.muli %select_n3A_892, %mul3A_893 : i32
        %add3A_895 = arith.addi %add3A_876, %mul3A_894 : i32
        %dma_start3A_896 = tpu.memref_slice %arg2[%add3A_895] : memref<819200xi32, #tpu.memory_space<hbm>> -> memref<128xi32, #tpu.memory_space<hbm>>
        %dma_start3A_897 = tpu.memref_slice %arg2[%add3A_895] : memref<819200xi32, #tpu.memory_space<hbm>> -> memref<128xi32, #tpu.memory_space<hbm>>
        tpu.enqueue_dma source(%dma_start3A_897 : memref<128xi32, #tpu.memory_space<hbm>>) target(%arg6 : memref<128xi32, #tpu.memory_space<vmem>>) target_semaphore(%arg12 : memref<!tpu.dma_semaphore, #tpu.memory_space<semaphore_mem>>)
      } else {
      }
      %ge3A_605 = arith.constant 2 : i32
      %ge3A_606 = arith.cmpi sge, %add3A_587, %ge3A_605 : i32
      %convert_element_type3A_607 = arith.extui %ge3A_606 : i1 to i32
      %cond3A_608 = arith.constant 0 : i32
      %cond3A_609 = arith.cmpi ne, %convert_element_type3A_607, %cond3A_608 : i32
      scf.if %cond3A_609 {
        %dma_wait3A_848 = arith.constant 0 : i32
        %dma_wait3A_849 = arith.constant 0 : i32
        %dma_wait3A_850 = arith.constant 0 : i32
        %dma_wait3A_851 = arith.constant 0 : i32
        %dma_wait3A_852 = tpu.memref_slice %arg10[%dma_wait3A_848, %dma_wait3A_850, %dma_wait3A_851] : memref<8x8x128xf32, #tpu.memory_space<vmem>> -> memref<1x8x128xf32, #tpu.memory_space<vmem>>
        %dma_wait3A_853 = tpu.memref_squeeze %dma_wait3A_852 : memref<1x8x128xf32, #tpu.memory_space<vmem>> -> memref<8x128xf32, #tpu.memory_space<vmem>>
        %dma_wait3A_854 = arith.constant 0 : i32
        %dma_wait3A_855 = arith.constant 0 : i32
        %dma_wait3A_856 = tpu.memref_slice %arg4[%dma_wait3A_849, %dma_wait3A_854, %dma_wait3A_855] : memref<51200x8x128xf32, #tpu.memory_space<hbm>> -> memref<1x8x128xf32, #tpu.memory_space<hbm>>
        %dma_wait3A_857 = tpu.memref_squeeze %dma_wait3A_856 : memref<1x8x128xf32, #tpu.memory_space<hbm>> -> memref<8x128xf32, #tpu.memory_space<hbm>>
        %dma_wait3A_858 = arith.constant 0 : i32
        %dma_wait3A_859 = arith.constant 0 : i32
        %dma_wait3A_860 = tpu.memref_slice %arg4[%dma_wait3A_849, %dma_wait3A_858, %dma_wait3A_859] : memref<51200x8x128xf32, #tpu.memory_space<hbm>> -> memref<1x8x128xf32, #tpu.memory_space<hbm>>
        %dma_wait3A_861 = tpu.memref_squeeze %dma_wait3A_860 : memref<1x8x128xf32, #tpu.memory_space<hbm>> -> memref<8x128xf32, #tpu.memory_space<hbm>>
        %dma_wait3A_862 = arith.constant 0 : i32
        %dma_wait3A_863 = arith.constant 0 : i32
        %dma_wait3A_864 = tpu.memref_slice %arg10[%dma_wait3A_848, %dma_wait3A_862, %dma_wait3A_863] : memref<8x8x128xf32, #tpu.memory_space<vmem>> -> memref<1x8x128xf32, #tpu.memory_space<vmem>>
        %dma_wait3A_865 = tpu.memref_squeeze %dma_wait3A_864 : memref<1x8x128xf32, #tpu.memory_space<vmem>> -> memref<8x128xf32, #tpu.memory_space<vmem>>
        tpu.wait_dma2 semaphore(%arg16 : memref<!tpu.dma_semaphore, #tpu.memory_space<semaphore_mem>>) src(%dma_wait3A_865 : memref<8x128xf32, #tpu.memory_space<vmem>>) dst(%dma_wait3A_861 : memref<8x128xf32, #tpu.memory_space<hbm>>)
        %dma_wait3A_866 = arith.constant 1 : i32
        %dma_wait3A_867 = arith.constant 0 : i32
        %dma_wait3A_868 = arith.constant 0 : i32
        %dma_wait3A_869 = arith.constant 0 : i32
        %dma_wait3A_870 = tpu.memref_slice %arg10[%dma_wait3A_866, %dma_wait3A_868, %dma_wait3A_869] : memref<8x8x128xf32, #tpu.memory_space<vmem>> -> memref<1x8x128xf32, #tpu.memory_space<vmem>>
        %dma_wait3A_871 = tpu.memref_squeeze %dma_wait3A_870 : memref<1x8x128xf32, #tpu.memory_space<vmem>> -> memref<8x128xf32, #tpu.memory_space<vmem>>
        %dma_wait3A_872 = arith.constant 0 : i32
        %dma_wait3A_873 = arith.constant 0 : i32
        %dma_wait3A_874 = tpu.memref_slice %arg4[%dma_wait3A_867, %dma_wait3A_872, %dma_wait3A_873] : memref<51200x8x128xf32, #tpu.memory_space<hbm>> -> memref<1x8x128xf32, #tpu.memory_space<hbm>>
        %dma_wait3A_875 = tpu.memref_squeeze %dma_wait3A_874 : memref<1x8x128xf32, #tpu.memory_space<hbm>> -> memref<8x128xf32, #tpu.memory_space<hbm>>
        %dma_wait3A_876 = arith.constant 0 : i32
        %dma_wait3A_877 = arith.constant 0 : i32
        %dma_wait3A_878 = tpu.memref_slice %arg4[%dma_wait3A_867, %dma_wait3A_876, %dma_wait3A_877] : memref<51200x8x128xf32, #tpu.memory_space<hbm>> -> memref<1x8x128xf32, #tpu.memory_space<hbm>>
        %dma_wait3A_879 = tpu.memref_squeeze %dma_wait3A_878 : memref<1x8x128xf32, #tpu.memory_space<hbm>> -> memref<8x128xf32, #tpu.memory_space<hbm>>
        %dma_wait3A_880 = arith.constant 0 : i32
        %dma_wait3A_881 = arith.constant 0 : i32
        %dma_wait3A_882 = tpu.memref_slice %arg10[%dma_wait3A_866, %dma_wait3A_880, %dma_wait3A_881] : memref<8x8x128xf32, #tpu.memory_space<vmem>> -> memref<1x8x128xf32, #tpu.memory_space<vmem>>
        %dma_wait3A_883 = tpu.memref_squeeze %dma_wait3A_882 : memref<1x8x128xf32, #tpu.memory_space<vmem>> -> memref<8x128xf32, #tpu.memory_space<vmem>>
        tpu.wait_dma2 semaphore(%arg16 : memref<!tpu.dma_semaphore, #tpu.memory_space<semaphore_mem>>) src(%dma_wait3A_883 : memref<8x128xf32, #tpu.memory_space<vmem>>) dst(%dma_wait3A_879 : memref<8x128xf32, #tpu.memory_space<hbm>>)
        %dma_wait3A_884 = arith.constant 2 : i32
        %dma_wait3A_885 = arith.constant 0 : i32
        %dma_wait3A_886 = arith.constant 0 : i32
        %dma_wait3A_887 = arith.constant 0 : i32
        %dma_wait3A_888 = tpu.memref_slice %arg10[%dma_wait3A_884, %dma_wait3A_886, %dma_wait3A_887] : memref<8x8x128xf32, #tpu.memory_space<vmem>> -> memref<1x8x128xf32, #tpu.memory_space<vmem>>
        %dma_wait3A_889 = tpu.memref_squeeze %dma_wait3A_888 : memref<1x8x128xf32, #tpu.memory_space<vmem>> -> memref<8x128xf32, #tpu.memory_space<vmem>>
        %dma_wait3A_890 = arith.constant 0 : i32
        %dma_wait3A_891 = arith.constant 0 : i32
        %dma_wait3A_892 = tpu.memref_slice %arg4[%dma_wait3A_885, %dma_wait3A_890, %dma_wait3A_891] : memref<51200x8x128xf32, #tpu.memory_space<hbm>> -> memref<1x8x128xf32, #tpu.memory_space<hbm>>
        %dma_wait3A_893 = tpu.memref_squeeze %dma_wait3A_892 : memref<1x8x128xf32, #tpu.memory_space<hbm>> -> memref<8x128xf32, #tpu.memory_space<hbm>>
        %dma_wait3A_894 = arith.constant 0 : i32
        %dma_wait3A_895 = arith.constant 0 : i32
        %dma_wait3A_896 = tpu.memref_slice %arg4[%dma_wait3A_885, %dma_wait3A_894, %dma_wait3A_895] : memref<51200x8x128xf32, #tpu.memory_space<hbm>> -> memref<1x8x128xf32, #tpu.memory_space<hbm>>
        %dma_wait3A_897 = tpu.memref_squeeze %dma_wait3A_896 : memref<1x8x128xf32, #tpu.memory_space<hbm>> -> memref<8x128xf32, #tpu.memory_space<hbm>>
        %dma_wait3A_898 = arith.constant 0 : i32
        %dma_wait3A_899 = arith.constant 0 : i32
        %dma_wait3A_900 = tpu.memref_slice %arg10[%dma_wait3A_884, %dma_wait3A_898, %dma_wait3A_899] : memref<8x8x128xf32, #tpu.memory_space<vmem>> -> memref<1x8x128xf32, #tpu.memory_space<vmem>>
        %dma_wait3A_901 = tpu.memref_squeeze %dma_wait3A_900 : memref<1x8x128xf32, #tpu.memory_space<vmem>> -> memref<8x128xf32, #tpu.memory_space<vmem>>
        tpu.wait_dma2 semaphore(%arg16 : memref<!tpu.dma_semaphore, #tpu.memory_space<semaphore_mem>>) src(%dma_wait3A_901 : memref<8x128xf32, #tpu.memory_space<vmem>>) dst(%dma_wait3A_897 : memref<8x128xf32, #tpu.memory_space<hbm>>)
        %dma_wait3A_902 = arith.constant 3 : i32
        %dma_wait3A_903 = arith.constant 0 : i32
        %dma_wait3A_904 = arith.constant 0 : i32
        %dma_wait3A_905 = arith.constant 0 : i32
        %dma_wait3A_906 = tpu.memref_slice %arg10[%dma_wait3A_902, %dma_wait3A_904, %dma_wait3A_905] : memref<8x8x128xf32, #tpu.memory_space<vmem>> -> memref<1x8x128xf32, #tpu.memory_space<vmem>>
        %dma_wait3A_907 = tpu.memref_squeeze %dma_wait3A_906 : memref<1x8x128xf32, #tpu.memory_space<vmem>> -> memref<8x128xf32, #tpu.memory_space<vmem>>
        %dma_wait3A_908 = arith.constant 0 : i32
        %dma_wait3A_909 = arith.constant 0 : i32
        %dma_wait3A_910 = tpu.memref_slice %arg4[%dma_wait3A_903, %dma_wait3A_908, %dma_wait3A_909] : memref<51200x8x128xf32, #tpu.memory_space<hbm>> -> memref<1x8x128xf32, #tpu.memory_space<hbm>>
        %dma_wait3A_911 = tpu.memref_squeeze %dma_wait3A_910 : memref<1x8x128xf32, #tpu.memory_space<hbm>> -> memref<8x128xf32, #tpu.memory_space<hbm>>
        %dma_wait3A_912 = arith.constant 0 : i32
        %dma_wait3A_913 = arith.constant 0 : i32
        %dma_wait3A_914 = tpu.memref_slice %arg4[%dma_wait3A_903, %dma_wait3A_912, %dma_wait3A_913] : memref<51200x8x128xf32, #tpu.memory_space<hbm>> -> memref<1x8x128xf32, #tpu.memory_space<hbm>>
        %dma_wait3A_915 = tpu.memref_squeeze %dma_wait3A_914 : memref<1x8x128xf32, #tpu.memory_space<hbm>> -> memref<8x128xf32, #tpu.memory_space<hbm>>
        %dma_wait3A_916 = arith.constant 0 : i32
        %dma_wait3A_917 = arith.constant 0 : i32
        %dma_wait3A_918 = tpu.memref_slice %arg10[%dma_wait3A_902, %dma_wait3A_916, %dma_wait3A_917] : memref<8x8x128xf32, #tpu.memory_space<vmem>> -> memref<1x8x128xf32, #tpu.memory_space<vmem>>
        %dma_wait3A_919 = tpu.memref_squeeze %dma_wait3A_918 : memref<1x8x128xf32, #tpu.memory_space<vmem>> -> memref<8x128xf32, #tpu.memory_space<vmem>>
        tpu.wait_dma2 semaphore(%arg16 : memref<!tpu.dma_semaphore, #tpu.memory_space<semaphore_mem>>) src(%dma_wait3A_919 : memref<8x128xf32, #tpu.memory_space<vmem>>) dst(%dma_wait3A_915 : memref<8x128xf32, #tpu.memory_space<hbm>>)
        %dma_wait3A_920 = arith.constant 4 : i32
        %dma_wait3A_921 = arith.constant 0 : i32
        %dma_wait3A_922 = arith.constant 0 : i32
        %dma_wait3A_923 = arith.constant 0 : i32
        %dma_wait3A_924 = tpu.memref_slice %arg10[%dma_wait3A_920, %dma_wait3A_922, %dma_wait3A_923] : memref<8x8x128xf32, #tpu.memory_space<vmem>> -> memref<1x8x128xf32, #tpu.memory_space<vmem>>
        %dma_wait3A_925 = tpu.memref_squeeze %dma_wait3A_924 : memref<1x8x128xf32, #tpu.memory_space<vmem>> -> memref<8x128xf32, #tpu.memory_space<vmem>>
        %dma_wait3A_926 = arith.constant 0 : i32
        %dma_wait3A_927 = arith.constant 0 : i32
        %dma_wait3A_928 = tpu.memref_slice %arg4[%dma_wait3A_921, %dma_wait3A_926, %dma_wait3A_927] : memref<51200x8x128xf32, #tpu.memory_space<hbm>> -> memref<1x8x128xf32, #tpu.memory_space<hbm>>
        %dma_wait3A_929 = tpu.memref_squeeze %dma_wait3A_928 : memref<1x8x128xf32, #tpu.memory_space<hbm>> -> memref<8x128xf32, #tpu.memory_space<hbm>>
        %dma_wait3A_930 = arith.constant 0 : i32
        %dma_wait3A_931 = arith.constant 0 : i32
        %dma_wait3A_932 = tpu.memref_slice %arg4[%dma_wait3A_921, %dma_wait3A_930, %dma_wait3A_931] : memref<51200x8x128xf32, #tpu.memory_space<hbm>> -> memref<1x8x128xf32, #tpu.memory_space<hbm>>
        %dma_wait3A_933 = tpu.memref_squeeze %dma_wait3A_932 : memref<1x8x128xf32, #tpu.memory_space<hbm>> -> memref<8x128xf32, #tpu.memory_space<hbm>>
        %dma_wait3A_934 = arith.constant 0 : i32
        %dma_wait3A_935 = arith.constant 0 : i32
        %dma_wait3A_936 = tpu.memref_slice %arg10[%dma_wait3A_920, %dma_wait3A_934, %dma_wait3A_935] : memref<8x8x128xf32, #tpu.memory_space<vmem>> -> memref<1x8x128xf32, #tpu.memory_space<vmem>>
        %dma_wait3A_937 = tpu.memref_squeeze %dma_wait3A_936 : memref<1x8x128xf32, #tpu.memory_space<vmem>> -> memref<8x128xf32, #tpu.memory_space<vmem>>
        tpu.wait_dma2 semaphore(%arg16 : memref<!tpu.dma_semaphore, #tpu.memory_space<semaphore_mem>>) src(%dma_wait3A_937 : memref<8x128xf32, #tpu.memory_space<vmem>>) dst(%dma_wait3A_933 : memref<8x128xf32, #tpu.memory_space<hbm>>)
        %dma_wait3A_938 = arith.constant 5 : i32
        %dma_wait3A_939 = arith.constant 0 : i32
        %dma_wait3A_940 = arith.constant 0 : i32
        %dma_wait3A_941 = arith.constant 0 : i32
        %dma_wait3A_942 = tpu.memref_slice %arg10[%dma_wait3A_938, %dma_wait3A_940, %dma_wait3A_941] : memref<8x8x128xf32, #tpu.memory_space<vmem>> -> memref<1x8x128xf32, #tpu.memory_space<vmem>>
        %dma_wait3A_943 = tpu.memref_squeeze %dma_wait3A_942 : memref<1x8x128xf32, #tpu.memory_space<vmem>> -> memref<8x128xf32, #tpu.memory_space<vmem>>
        %dma_wait3A_944 = arith.constant 0 : i32
        %dma_wait3A_945 = arith.constant 0 : i32
        %dma_wait3A_946 = tpu.memref_slice %arg4[%dma_wait3A_939, %dma_wait3A_944, %dma_wait3A_945] : memref<51200x8x128xf32, #tpu.memory_space<hbm>> -> memref<1x8x128xf32, #tpu.memory_space<hbm>>
        %dma_wait3A_947 = tpu.memref_squeeze %dma_wait3A_946 : memref<1x8x128xf32, #tpu.memory_space<hbm>> -> memref<8x128xf32, #tpu.memory_space<hbm>>
        %dma_wait3A_948 = arith.constant 0 : i32
        %dma_wait3A_949 = arith.constant 0 : i32
        %dma_wait3A_950 = tpu.memref_slice %arg4[%dma_wait3A_939, %dma_wait3A_948, %dma_wait3A_949] : memref<51200x8x128xf32, #tpu.memory_space<hbm>> -> memref<1x8x128xf32, #tpu.memory_space<hbm>>
        %dma_wait3A_951 = tpu.memref_squeeze %dma_wait3A_950 : memref<1x8x128xf32, #tpu.memory_space<hbm>> -> memref<8x128xf32, #tpu.memory_space<hbm>>
        %dma_wait3A_952 = arith.constant 0 : i32
        %dma_wait3A_953 = arith.constant 0 : i32
        %dma_wait3A_954 = tpu.memref_slice %arg10[%dma_wait3A_938, %dma_wait3A_952, %dma_wait3A_953] : memref<8x8x128xf32, #tpu.memory_space<vmem>> -> memref<1x8x128xf32, #tpu.memory_space<vmem>>
        %dma_wait3A_955 = tpu.memref_squeeze %dma_wait3A_954 : memref<1x8x128xf32, #tpu.memory_space<vmem>> -> memref<8x128xf32, #tpu.memory_space<vmem>>
        tpu.wait_dma2 semaphore(%arg16 : memref<!tpu.dma_semaphore, #tpu.memory_space<semaphore_mem>>) src(%dma_wait3A_955 : memref<8x128xf32, #tpu.memory_space<vmem>>) dst(%dma_wait3A_951 : memref<8x128xf32, #tpu.memory_space<hbm>>)
        %dma_wait3A_956 = arith.constant 6 : i32
        %dma_wait3A_957 = arith.constant 0 : i32
        %dma_wait3A_958 = arith.constant 0 : i32
        %dma_wait3A_959 = arith.constant 0 : i32
        %dma_wait3A_960 = tpu.memref_slice %arg10[%dma_wait3A_956, %dma_wait3A_958, %dma_wait3A_959] : memref<8x8x128xf32, #tpu.memory_space<vmem>> -> memref<1x8x128xf32, #tpu.memory_space<vmem>>
        %dma_wait3A_961 = tpu.memref_squeeze %dma_wait3A_960 : memref<1x8x128xf32, #tpu.memory_space<vmem>> -> memref<8x128xf32, #tpu.memory_space<vmem>>
        %dma_wait3A_962 = arith.constant 0 : i32
        %dma_wait3A_963 = arith.constant 0 : i32
        %dma_wait3A_964 = tpu.memref_slice %arg4[%dma_wait3A_957, %dma_wait3A_962, %dma_wait3A_963] : memref<51200x8x128xf32, #tpu.memory_space<hbm>> -> memref<1x8x128xf32, #tpu.memory_space<hbm>>
        %dma_wait3A_965 = tpu.memref_squeeze %dma_wait3A_964 : memref<1x8x128xf32, #tpu.memory_space<hbm>> -> memref<8x128xf32, #tpu.memory_space<hbm>>
        %dma_wait3A_966 = arith.constant 0 : i32
        %dma_wait3A_967 = arith.constant 0 : i32
        %dma_wait3A_968 = tpu.memref_slice %arg4[%dma_wait3A_957, %dma_wait3A_966, %dma_wait3A_967] : memref<51200x8x128xf32, #tpu.memory_space<hbm>> -> memref<1x8x128xf32, #tpu.memory_space<hbm>>
        %dma_wait3A_969 = tpu.memref_squeeze %dma_wait3A_968 : memref<1x8x128xf32, #tpu.memory_space<hbm>> -> memref<8x128xf32, #tpu.memory_space<hbm>>
        %dma_wait3A_970 = arith.constant 0 : i32
        %dma_wait3A_971 = arith.constant 0 : i32
        %dma_wait3A_972 = tpu.memref_slice %arg10[%dma_wait3A_956, %dma_wait3A_970, %dma_wait3A_971] : memref<8x8x128xf32, #tpu.memory_space<vmem>> -> memref<1x8x128xf32, #tpu.memory_space<vmem>>
        %dma_wait3A_973 = tpu.memref_squeeze %dma_wait3A_972 : memref<1x8x128xf32, #tpu.memory_space<vmem>> -> memref<8x128xf32, #tpu.memory_space<vmem>>
        tpu.wait_dma2 semaphore(%arg16 : memref<!tpu.dma_semaphore, #tpu.memory_space<semaphore_mem>>) src(%dma_wait3A_973 : memref<8x128xf32, #tpu.memory_space<vmem>>) dst(%dma_wait3A_969 : memref<8x128xf32, #tpu.memory_space<hbm>>)
        %dma_wait3A_974 = arith.constant 7 : i32
        %dma_wait3A_975 = arith.constant 0 : i32
        %dma_wait3A_976 = arith.constant 0 : i32
        %dma_wait3A_977 = arith.constant 0 : i32
        %dma_wait3A_978 = tpu.memref_slice %arg10[%dma_wait3A_974, %dma_wait3A_976, %dma_wait3A_977] : memref<8x8x128xf32, #tpu.memory_space<vmem>> -> memref<1x8x128xf32, #tpu.memory_space<vmem>>
        %dma_wait3A_979 = tpu.memref_squeeze %dma_wait3A_978 : memref<1x8x128xf32, #tpu.memory_space<vmem>> -> memref<8x128xf32, #tpu.memory_space<vmem>>
        %dma_wait3A_980 = arith.constant 0 : i32
        %dma_wait3A_981 = arith.constant 0 : i32
        %dma_wait3A_982 = tpu.memref_slice %arg4[%dma_wait3A_975, %dma_wait3A_980, %dma_wait3A_981] : memref<51200x8x128xf32, #tpu.memory_space<hbm>> -> memref<1x8x128xf32, #tpu.memory_space<hbm>>
        %dma_wait3A_983 = tpu.memref_squeeze %dma_wait3A_982 : memref<1x8x128xf32, #tpu.memory_space<hbm>> -> memref<8x128xf32, #tpu.memory_space<hbm>>
        %dma_wait3A_984 = arith.constant 0 : i32
        %dma_wait3A_985 = arith.constant 0 : i32
        %dma_wait3A_986 = tpu.memref_slice %arg4[%dma_wait3A_975, %dma_wait3A_984, %dma_wait3A_985] : memref<51200x8x128xf32, #tpu.memory_space<hbm>> -> memref<1x8x128xf32, #tpu.memory_space<hbm>>
        %dma_wait3A_987 = tpu.memref_squeeze %dma_wait3A_986 : memref<1x8x128xf32, #tpu.memory_space<hbm>> -> memref<8x128xf32, #tpu.memory_space<hbm>>
        %dma_wait3A_988 = arith.constant 0 : i32
        %dma_wait3A_989 = arith.constant 0 : i32
        %dma_wait3A_990 = tpu.memref_slice %arg10[%dma_wait3A_974, %dma_wait3A_988, %dma_wait3A_989] : memref<8x8x128xf32, #tpu.memory_space<vmem>> -> memref<1x8x128xf32, #tpu.memory_space<vmem>>
        %dma_wait3A_991 = tpu.memref_squeeze %dma_wait3A_990 : memref<1x8x128xf32, #tpu.memory_space<vmem>> -> memref<8x128xf32, #tpu.memory_space<vmem>>
        tpu.wait_dma2 semaphore(%arg16 : memref<!tpu.dma_semaphore, #tpu.memory_space<semaphore_mem>>) src(%dma_wait3A_991 : memref<8x128xf32, #tpu.memory_space<vmem>>) dst(%dma_wait3A_987 : memref<8x128xf32, #tpu.memory_space<hbm>>)
      } else {
      }
      %parallel_loop3A_610 = arith.constant 0 : i32
      %parallel_loop3A_611 = arith.constant 64 : i32
      %parallel_loop3A_612 = arith.constant 1 : i32
      scf.for %parallel_loop3A_848 = %parallel_loop3A_610 to %parallel_loop3A_611 step %parallel_loop3A_612  : i32 {
        %parallel_loop3A_849 = vector.broadcast %parallel_loop3A_848 : i32 to vector<16xi32>
        %parallel_loop3A_850 = arith.addi %parallel_loop3A_849, %iota3A : vector<16xi32>
        %parallel_loop3A_851 = arith.constant 63 : i32
        %parallel_loop3A_852 = vector.broadcast %parallel_loop3A_851 : i32 to vector<16xi32>
        %parallel_loop3A_853 = arith.andi %parallel_loop3A_850, %parallel_loop3A_852 : vector<16xi32>
        %parallel_loop3A_854 = arith.constant 3 : i32
        %parallel_loop3A_855 = vector.broadcast %parallel_loop3A_854 : i32 to vector<16xi32>
        %parallel_loop3A_856 = arith.shrsi %parallel_loop3A_853, %parallel_loop3A_855 : vector<16xi32>
        %parallel_loop3A_857 = arith.constant 7 : i32
        %parallel_loop3A_858 = vector.broadcast %parallel_loop3A_857 : i32 to vector<16xi32>
        %parallel_loop3A_859 = arith.andi %parallel_loop3A_853, %parallel_loop3A_858 : vector<16xi32>
        %parallel_loop3A_860 = tpu.vector_load_idx %arg8[%add3A_5, %parallel_loop3A_853] : memref<128x64xf32, #tpu.memory_space<vmem>>[vector<16xi32>, vector<16xi32>], vector<16xf32>,
        tpu.vector_store_idx %arg10[%parallel_loop3A_856, %parallel_loop3A_859, %add3A_5], %parallel_loop3A_860 : memref<8x8x128xf32, #tpu.memory_space<vmem>>[vector<16xi32>, vector<16xi32>, vector<16xi32>], vector<16xf32>,
        %parallel_loop3A_861 = tpu.vector_load_idx %arg8[%add3A_8, %parallel_loop3A_853] : memref<128x64xf32, #tpu.memory_space<vmem>>[vector<16xi32>, vector<16xi32>], vector<16xf32>,
        tpu.vector_store_idx %arg10[%parallel_loop3A_856, %parallel_loop3A_859, %add3A_8], %parallel_loop3A_861 : memref<8x8x128xf32, #tpu.memory_space<vmem>>[vector<16xi32>, vector<16xi32>, vector<16xi32>], vector<16xf32>,
        %parallel_loop3A_862 = tpu.vector_load_idx %arg8[%add3A_11, %parallel_loop3A_853] : memref<128x64xf32, #tpu.memory_space<vmem>>[vector<16xi32>, vector<16xi32>], vector<16xf32>,
        tpu.vector_store_idx %arg10[%parallel_loop3A_856, %parallel_loop3A_859, %add3A_11], %parallel_loop3A_862 : memref<8x8x128xf32, #tpu.memory_space<vmem>>[vector<16xi32>, vector<16xi32>, vector<16xi32>], vector<16xf32>,
        %parallel_loop3A_863 = tpu.vector_load_idx %arg8[%add3A_14, %parallel_loop3A_853] : memref<128x64xf32, #tpu.memory_space<vmem>>[vector<16xi32>, vector<16xi32>], vector<16xf32>,
        tpu.vector_store_idx %arg10[%parallel_loop3A_856, %parallel_loop3A_859, %add3A_14], %parallel_loop3A_863 : memref<8x8x128xf32, #tpu.memory_space<vmem>>[vector<16xi32>, vector<16xi32>, vector<16xi32>], vector<16xf32>,
        %parallel_loop3A_864 = tpu.vector_load_idx %arg8[%add3A_17, %parallel_loop3A_853] : memref<128x64xf32, #tpu.memory_space<vmem>>[vector<16xi32>, vector<16xi32>], vector<16xf32>,
        tpu.vector_store_idx %arg10[%parallel_loop3A_856, %parallel_loop3A_859, %add3A_17], %parallel_loop3A_864 : memref<8x8x128xf32, #tpu.memory_space<vmem>>[vector<16xi32>, vector<16xi32>, vector<16xi32>], vector<16xf32>,
        %parallel_loop3A_865 = tpu.vector_load_idx %arg8[%add3A_20, %parallel_loop3A_853] : memref<128x64xf32, #tpu.memory_space<vmem>>[vector<16xi32>, vector<16xi32>], vector<16xf32>,
        tpu.vector_store_idx %arg10[%parallel_loop3A_856, %parallel_loop3A_859, %add3A_20], %parallel_loop3A_865 : memref<8x8x128xf32, #tpu.memory_space<vmem>>[vector<16xi32>, vector<16xi32>, vector<16xi32>], vector<16xf32>,
        %parallel_loop3A_866 = tpu.vector_load_idx %arg8[%add3A_23, %parallel_loop3A_853] : memref<128x64xf32, #tpu.memory_space<vmem>>[vector<16xi32>, vector<16xi32>], vector<16xf32>,
        tpu.vector_store_idx %arg10[%parallel_loop3A_856, %parallel_loop3A_859, %add3A_23], %parallel_loop3A_866 : memref<8x8x128xf32, #tpu.memory_space<vmem>>[vector<16xi32>, vector<16xi32>, vector<16xi32>], vector<16xf32>,
        %parallel_loop3A_867 = tpu.vector_load_idx %arg8[%add3A_26, %parallel_loop3A_853] : memref<128x64xf32, #tpu.memory_space<vmem>>[vector<16xi32>, vector<16xi32>], vector<16xf32>,
        tpu.vector_store_idx %arg10[%parallel_loop3A_856, %parallel_loop3A_859, %add3A_26], %parallel_loop3A_867 : memref<8x8x128xf32, #tpu.memory_space<vmem>>[vector<16xi32>, vector<16xi32>, vector<16xi32>], vector<16xf32>,
      } {sc.loop_unroll_factor = 4 : i64, sc.parallel_access}
      %jit3A_613 = arith.constant 4 : i32
      %div3A_614 = arith.divsi %add3A_587, %jit3A_613 : i32
      %sign3A_615 = arith.constant 0 : i32
      %sign3A_616 = arith.cmpi sgt, %add3A_587, %sign3A_615 : i32
      %sign3A_617 = arith.extui %sign3A_616 : i1 to i32
      %sign3A_618 = arith.constant 0 : i32
      %sign3A_619 = arith.cmpi slt, %add3A_587, %sign3A_618 : i32
      %sign3A_620 = arith.extui %sign3A_619 : i1 to i32
      %sign3A_621 = arith.subi %sign3A_617, %sign3A_620 : i32
      %sign3A_622 = arith.constant 0 : i32
      %sign3A_623 = arith.cmpi sgt, %jit3A_613, %sign3A_622 : i32
      %sign3A_624 = arith.extui %sign3A_623 : i1 to i32
      %sign3A_625 = arith.constant 0 : i32
      %sign3A_626 = arith.cmpi slt, %jit3A_613, %sign3A_625 : i32
      %sign3A_627 = arith.extui %sign3A_626 : i1 to i32
      %sign3A_628 = arith.subi %sign3A_624, %sign3A_627 : i32
      %ne3A_629 = arith.cmpi ne, %sign3A_621, %sign3A_628 : i32
      %rem3A_630 = arith.remsi %add3A_587, %jit3A_613 : i32
      %ne3A_631 = arith.constant 0 : i32
      %ne3A_632 = arith.cmpi ne, %rem3A_630, %ne3A_631 : i32
      %and3A_633 = arith.andi %ne3A_629, %ne3A_632 : i1
      %sub3A_634 = arith.constant 1 : i32
      %sub3A_635 = arith.subi %div3A_614, %sub3A_634 : i32
      %select_n3A_636 = arith.select %and3A_633, %sub3A_635, %div3A_614 : i32
      %mul3A_637 = arith.constant 4 : i32
      %mul3A_638 = arith.muli %add3A, %mul3A_637 : i32
      %jit3A_639 = arith.constant 4 : i32
      %eq3A_640 = arith.constant 0 : i32
      %eq3A_641 = arith.cmpi eq, %jit3A_639, %eq3A_640 : i32
      %jit3A_642 = arith.constant 1 : i32
      %select_n3A_643 = arith.select %eq3A_641, %jit3A_642, %jit3A_639 : i32
      %rem3A_644 = arith.remsi %add3A_587, %select_n3A_643 : i32
      %ne3A_645 = arith.constant 0 : i32
      %ne3A_646 = arith.cmpi ne, %rem3A_644, %ne3A_645 : i32
      %lt3A_647 = arith.constant 0 : i32
      %lt3A_648 = arith.cmpi slt, %rem3A_644, %lt3A_647 : i32
      %lt3A_649 = arith.constant 0 : i32
      %lt3A_650 = arith.cmpi slt, %select_n3A_643, %lt3A_649 : i32
      %ne3A_651 = arith.xori %lt3A_648, %lt3A_650 : i1
      %and3A_652 = arith.andi %ne3A_651, %ne3A_646 : i1
      %add3A_653 = arith.addi %rem3A_644, %select_n3A_643 : i32
      %select_n3A_654 = arith.select %and3A_652, %add3A_653, %rem3A_644 : i32
      %add3A_655 = arith.addi %mul3A_638, %select_n3A_654 : i32
      %mul3A_656 = arith.constant 8 : i32
      %mul3A_657 = arith.muli %select_n3A_636, %mul3A_656 : i32
      %add3A_658 = arith.constant 0 : i32
      %add3A_659 = arith.addi %mul3A_657, %add3A_658 : i32
      %mul3A_660 = arith.constant 128 : i32
      %mul3A_661 = arith.muli %add3A_659, %mul3A_660 : i32
      %add3A_662 = arith.addi %mul3A_661, %add3A_655 : i32
      %dma_start3A_663 = arith.constant 0 : i32
      %dma_start3A_664 = arith.constant 0 : i32
      %dma_start3A_665 = arith.constant 0 : i32
      %dma_start3A_666 = tpu.memref_slice %arg10[%dma_start3A_663, %dma_start3A_664, %dma_start3A_665] : memref<8x8x128xf32, #tpu.memory_space<vmem>> -> memref<1x8x128xf32, #tpu.memory_space<vmem>>
      %dma_start3A_667 = tpu.memref_squeeze %dma_start3A_666 : memref<1x8x128xf32, #tpu.memory_space<vmem>> -> memref<8x128xf32, #tpu.memory_space<vmem>>
      %dma_start3A_668 = arith.constant 0 : i32
      %dma_start3A_669 = arith.constant 0 : i32
      %dma_start3A_670 = tpu.memref_slice %arg4[%add3A_662, %dma_start3A_668, %dma_start3A_669] : memref<51200x8x128xf32, #tpu.memory_space<hbm>> -> memref<1x8x128xf32, #tpu.memory_space<hbm>>
      %dma_start3A_671 = tpu.memref_squeeze %dma_start3A_670 : memref<1x8x128xf32, #tpu.memory_space<hbm>> -> memref<8x128xf32, #tpu.memory_space<hbm>>
      %dma_start3A_672 = arith.constant 0 : i32
      %dma_start3A_673 = arith.constant 0 : i32
      %dma_start3A_674 = tpu.memref_slice %arg4[%add3A_662, %dma_start3A_672, %dma_start3A_673] : memref<51200x8x128xf32, #tpu.memory_space<hbm>> -> memref<1x8x128xf32, #tpu.memory_space<hbm>>
      %dma_start3A_675 = tpu.memref_squeeze %dma_start3A_674 : memref<1x8x128xf32, #tpu.memory_space<hbm>> -> memref<8x128xf32, #tpu.memory_space<hbm>>
      %dma_start3A_676 = arith.constant 0 : i32
      %dma_start3A_677 = arith.constant 0 : i32
      %dma_start3A_678 = tpu.memref_slice %arg10[%dma_start3A_663, %dma_start3A_676, %dma_start3A_677] : memref<8x8x128xf32, #tpu.memory_space<vmem>> -> memref<1x8x128xf32, #tpu.memory_space<vmem>>
      %dma_start3A_679 = tpu.memref_squeeze %dma_start3A_678 : memref<1x8x128xf32, #tpu.memory_space<vmem>> -> memref<8x128xf32, #tpu.memory_space<vmem>>
      tpu.enqueue_dma source(%dma_start3A_679 : memref<8x128xf32, #tpu.memory_space<vmem>>) target(%dma_start3A_675 : memref<8x128xf32, #tpu.memory_space<hbm>>) target_semaphore(%arg16 : memref<!tpu.dma_semaphore, #tpu.memory_space<semaphore_mem>>)
      %mul3A_680 = arith.constant 8 : i32
      %mul3A_681 = arith.muli %select_n3A_636, %mul3A_680 : i32
      %add3A_682 = arith.constant 1 : i32
      %add3A_683 = arith.addi %mul3A_681, %add3A_682 : i32
      %mul3A_684 = arith.constant 128 : i32
      %mul3A_685 = arith.muli %add3A_683, %mul3A_684 : i32
      %add3A_686 = arith.addi %mul3A_685, %add3A_655 : i32
      %dma_start3A_687 = arith.constant 1 : i32
      %dma_start3A_688 = arith.constant 0 : i32
      %dma_start3A_689 = arith.constant 0 : i32
      %dma_start3A_690 = tpu.memref_slice %arg10[%dma_start3A_687, %dma_start3A_688, %dma_start3A_689] : memref<8x8x128xf32, #tpu.memory_space<vmem>> -> memref<1x8x128xf32, #tpu.memory_space<vmem>>
      %dma_start3A_691 = tpu.memref_squeeze %dma_start3A_690 : memref<1x8x128xf32, #tpu.memory_space<vmem>> -> memref<8x128xf32, #tpu.memory_space<vmem>>
      %dma_start3A_692 = arith.constant 0 : i32
      %dma_start3A_693 = arith.constant 0 : i32
      %dma_start3A_694 = tpu.memref_slice %arg4[%add3A_686, %dma_start3A_692, %dma_start3A_693] : memref<51200x8x128xf32, #tpu.memory_space<hbm>> -> memref<1x8x128xf32, #tpu.memory_space<hbm>>
      %dma_start3A_695 = tpu.memref_squeeze %dma_start3A_694 : memref<1x8x128xf32, #tpu.memory_space<hbm>> -> memref<8x128xf32, #tpu.memory_space<hbm>>
      %dma_start3A_696 = arith.constant 0 : i32
      %dma_start3A_697 = arith.constant 0 : i32
      %dma_start3A_698 = tpu.memref_slice %arg4[%add3A_686, %dma_start3A_696, %dma_start3A_697] : memref<51200x8x128xf32, #tpu.memory_space<hbm>> -> memref<1x8x128xf32, #tpu.memory_space<hbm>>
      %dma_start3A_699 = tpu.memref_squeeze %dma_start3A_698 : memref<1x8x128xf32, #tpu.memory_space<hbm>> -> memref<8x128xf32, #tpu.memory_space<hbm>>
      %dma_start3A_700 = arith.constant 0 : i32
      %dma_start3A_701 = arith.constant 0 : i32
      %dma_start3A_702 = tpu.memref_slice %arg10[%dma_start3A_687, %dma_start3A_700, %dma_start3A_701] : memref<8x8x128xf32, #tpu.memory_space<vmem>> -> memref<1x8x128xf32, #tpu.memory_space<vmem>>
      %dma_start3A_703 = tpu.memref_squeeze %dma_start3A_702 : memref<1x8x128xf32, #tpu.memory_space<vmem>> -> memref<8x128xf32, #tpu.memory_space<vmem>>
      tpu.enqueue_dma source(%dma_start3A_703 : memref<8x128xf32, #tpu.memory_space<vmem>>) target(%dma_start3A_699 : memref<8x128xf32, #tpu.memory_space<hbm>>) target_semaphore(%arg16 : memref<!tpu.dma_semaphore, #tpu.memory_space<semaphore_mem>>)
      %mul3A_704 = arith.constant 8 : i32
      %mul3A_705 = arith.muli %select_n3A_636, %mul3A_704 : i32
      %add3A_706 = arith.constant 2 : i32
      %add3A_707 = arith.addi %mul3A_705, %add3A_706 : i32
      %mul3A_708 = arith.constant 128 : i32
      %mul3A_709 = arith.muli %add3A_707, %mul3A_708 : i32
      %add3A_710 = arith.addi %mul3A_709, %add3A_655 : i32
      %dma_start3A_711 = arith.constant 2 : i32
      %dma_start3A_712 = arith.constant 0 : i32
      %dma_start3A_713 = arith.constant 0 : i32
      %dma_start3A_714 = tpu.memref_slice %arg10[%dma_start3A_711, %dma_start3A_712, %dma_start3A_713] : memref<8x8x128xf32, #tpu.memory_space<vmem>> -> memref<1x8x128xf32, #tpu.memory_space<vmem>>
      %dma_start3A_715 = tpu.memref_squeeze %dma_start3A_714 : memref<1x8x128xf32, #tpu.memory_space<vmem>> -> memref<8x128xf32, #tpu.memory_space<vmem>>
      %dma_start3A_716 = arith.constant 0 : i32
      %dma_start3A_717 = arith.constant 0 : i32
      %dma_start3A_718 = tpu.memref_slice %arg4[%add3A_710, %dma_start3A_716, %dma_start3A_717] : memref<51200x8x128xf32, #tpu.memory_space<hbm>> -> memref<1x8x128xf32, #tpu.memory_space<hbm>>
      %dma_start3A_719 = tpu.memref_squeeze %dma_start3A_718 : memref<1x8x128xf32, #tpu.memory_space<hbm>> -> memref<8x128xf32, #tpu.memory_space<hbm>>
      %dma_start3A_720 = arith.constant 0 : i32
      %dma_start3A_721 = arith.constant 0 : i32
      %dma_start3A_722 = tpu.memref_slice %arg4[%add3A_710, %dma_start3A_720, %dma_start3A_721] : memref<51200x8x128xf32, #tpu.memory_space<hbm>> -> memref<1x8x128xf32, #tpu.memory_space<hbm>>
      %dma_start3A_723 = tpu.memref_squeeze %dma_start3A_722 : memref<1x8x128xf32, #tpu.memory_space<hbm>> -> memref<8x128xf32, #tpu.memory_space<hbm>>
      %dma_start3A_724 = arith.constant 0 : i32
      %dma_start3A_725 = arith.constant 0 : i32
      %dma_start3A_726 = tpu.memref_slice %arg10[%dma_start3A_711, %dma_start3A_724, %dma_start3A_725] : memref<8x8x128xf32, #tpu.memory_space<vmem>> -> memref<1x8x128xf32, #tpu.memory_space<vmem>>
      %dma_start3A_727 = tpu.memref_squeeze %dma_start3A_726 : memref<1x8x128xf32, #tpu.memory_space<vmem>> -> memref<8x128xf32, #tpu.memory_space<vmem>>
      tpu.enqueue_dma source(%dma_start3A_727 : memref<8x128xf32, #tpu.memory_space<vmem>>) target(%dma_start3A_723 : memref<8x128xf32, #tpu.memory_space<hbm>>) target_semaphore(%arg16 : memref<!tpu.dma_semaphore, #tpu.memory_space<semaphore_mem>>)
      %mul3A_728 = arith.constant 8 : i32
      %mul3A_729 = arith.muli %select_n3A_636, %mul3A_728 : i32
      %add3A_730 = arith.constant 3 : i32
      %add3A_731 = arith.addi %mul3A_729, %add3A_730 : i32
      %mul3A_732 = arith.constant 128 : i32
      %mul3A_733 = arith.muli %add3A_731, %mul3A_732 : i32
      %add3A_734 = arith.addi %mul3A_733, %add3A_655 : i32
      %dma_start3A_735 = arith.constant 3 : i32
      %dma_start3A_736 = arith.constant 0 : i32
      %dma_start3A_737 = arith.constant 0 : i32
      %dma_start3A_738 = tpu.memref_slice %arg10[%dma_start3A_735, %dma_start3A_736, %dma_start3A_737] : memref<8x8x128xf32, #tpu.memory_space<vmem>> -> memref<1x8x128xf32, #tpu.memory_space<vmem>>
      %dma_start3A_739 = tpu.memref_squeeze %dma_start3A_738 : memref<1x8x128xf32, #tpu.memory_space<vmem>> -> memref<8x128xf32, #tpu.memory_space<vmem>>
      %dma_start3A_740 = arith.constant 0 : i32
      %dma_start3A_741 = arith.constant 0 : i32
      %dma_start3A_742 = tpu.memref_slice %arg4[%add3A_734, %dma_start3A_740, %dma_start3A_741] : memref<51200x8x128xf32, #tpu.memory_space<hbm>> -> memref<1x8x128xf32, #tpu.memory_space<hbm>>
      %dma_start3A_743 = tpu.memref_squeeze %dma_start3A_742 : memref<1x8x128xf32, #tpu.memory_space<hbm>> -> memref<8x128xf32, #tpu.memory_space<hbm>>
      %dma_start3A_744 = arith.constant 0 : i32
      %dma_start3A_745 = arith.constant 0 : i32
      %dma_start3A_746 = tpu.memref_slice %arg4[%add3A_734, %dma_start3A_744, %dma_start3A_745] : memref<51200x8x128xf32, #tpu.memory_space<hbm>> -> memref<1x8x128xf32, #tpu.memory_space<hbm>>
      %dma_start3A_747 = tpu.memref_squeeze %dma_start3A_746 : memref<1x8x128xf32, #tpu.memory_space<hbm>> -> memref<8x128xf32, #tpu.memory_space<hbm>>
      %dma_start3A_748 = arith.constant 0 : i32
      %dma_start3A_749 = arith.constant 0 : i32
      %dma_start3A_750 = tpu.memref_slice %arg10[%dma_start3A_735, %dma_start3A_748, %dma_start3A_749] : memref<8x8x128xf32, #tpu.memory_space<vmem>> -> memref<1x8x128xf32, #tpu.memory_space<vmem>>
      %dma_start3A_751 = tpu.memref_squeeze %dma_start3A_750 : memref<1x8x128xf32, #tpu.memory_space<vmem>> -> memref<8x128xf32, #tpu.memory_space<vmem>>
      tpu.enqueue_dma source(%dma_start3A_751 : memref<8x128xf32, #tpu.memory_space<vmem>>) target(%dma_start3A_747 : memref<8x128xf32, #tpu.memory_space<hbm>>) target_semaphore(%arg16 : memref<!tpu.dma_semaphore, #tpu.memory_space<semaphore_mem>>)
      %mul3A_752 = arith.constant 8 : i32
      %mul3A_753 = arith.muli %select_n3A_636, %mul3A_752 : i32
      %add3A_754 = arith.constant 4 : i32
      %add3A_755 = arith.addi %mul3A_753, %add3A_754 : i32
      %mul3A_756 = arith.constant 128 : i32
      %mul3A_757 = arith.muli %add3A_755, %mul3A_756 : i32
      %add3A_758 = arith.addi %mul3A_757, %add3A_655 : i32
      %dma_start3A_759 = arith.constant 4 : i32
      %dma_start3A_760 = arith.constant 0 : i32
      %dma_start3A_761 = arith.constant 0 : i32
      %dma_start3A_762 = tpu.memref_slice %arg10[%dma_start3A_759, %dma_start3A_760, %dma_start3A_761] : memref<8x8x128xf32, #tpu.memory_space<vmem>> -> memref<1x8x128xf32, #tpu.memory_space<vmem>>
      %dma_start3A_763 = tpu.memref_squeeze %dma_start3A_762 : memref<1x8x128xf32, #tpu.memory_space<vmem>> -> memref<8x128xf32, #tpu.memory_space<vmem>>
      %dma_start3A_764 = arith.constant 0 : i32
      %dma_start3A_765 = arith.constant 0 : i32
      %dma_start3A_766 = tpu.memref_slice %arg4[%add3A_758, %dma_start3A_764, %dma_start3A_765] : memref<51200x8x128xf32, #tpu.memory_space<hbm>> -> memref<1x8x128xf32, #tpu.memory_space<hbm>>
      %dma_start3A_767 = tpu.memref_squeeze %dma_start3A_766 : memref<1x8x128xf32, #tpu.memory_space<hbm>> -> memref<8x128xf32, #tpu.memory_space<hbm>>
      %dma_start3A_768 = arith.constant 0 : i32
      %dma_start3A_769 = arith.constant 0 : i32
      %dma_start3A_770 = tpu.memref_slice %arg4[%add3A_758, %dma_start3A_768, %dma_start3A_769] : memref<51200x8x128xf32, #tpu.memory_space<hbm>> -> memref<1x8x128xf32, #tpu.memory_space<hbm>>
      %dma_start3A_771 = tpu.memref_squeeze %dma_start3A_770 : memref<1x8x128xf32, #tpu.memory_space<hbm>> -> memref<8x128xf32, #tpu.memory_space<hbm>>
      %dma_start3A_772 = arith.constant 0 : i32
      %dma_start3A_773 = arith.constant 0 : i32
      %dma_start3A_774 = tpu.memref_slice %arg10[%dma_start3A_759, %dma_start3A_772, %dma_start3A_773] : memref<8x8x128xf32, #tpu.memory_space<vmem>> -> memref<1x8x128xf32, #tpu.memory_space<vmem>>
      %dma_start3A_775 = tpu.memref_squeeze %dma_start3A_774 : memref<1x8x128xf32, #tpu.memory_space<vmem>> -> memref<8x128xf32, #tpu.memory_space<vmem>>
      tpu.enqueue_dma source(%dma_start3A_775 : memref<8x128xf32, #tpu.memory_space<vmem>>) target(%dma_start3A_771 : memref<8x128xf32, #tpu.memory_space<hbm>>) target_semaphore(%arg16 : memref<!tpu.dma_semaphore, #tpu.memory_space<semaphore_mem>>)
      %mul3A_776 = arith.constant 8 : i32
      %mul3A_777 = arith.muli %select_n3A_636, %mul3A_776 : i32
      %add3A_778 = arith.constant 5 : i32
      %add3A_779 = arith.addi %mul3A_777, %add3A_778 : i32
      %mul3A_780 = arith.constant 128 : i32
      %mul3A_781 = arith.muli %add3A_779, %mul3A_780 : i32
      %add3A_782 = arith.addi %mul3A_781, %add3A_655 : i32
      %dma_start3A_783 = arith.constant 5 : i32
      %dma_start3A_784 = arith.constant 0 : i32
      %dma_start3A_785 = arith.constant 0 : i32
      %dma_start3A_786 = tpu.memref_slice %arg10[%dma_start3A_783, %dma_start3A_784, %dma_start3A_785] : memref<8x8x128xf32, #tpu.memory_space<vmem>> -> memref<1x8x128xf32, #tpu.memory_space<vmem>>
      %dma_start3A_787 = tpu.memref_squeeze %dma_start3A_786 : memref<1x8x128xf32, #tpu.memory_space<vmem>> -> memref<8x128xf32, #tpu.memory_space<vmem>>
      %dma_start3A_788 = arith.constant 0 : i32
      %dma_start3A_789 = arith.constant 0 : i32
      %dma_start3A_790 = tpu.memref_slice %arg4[%add3A_782, %dma_start3A_788, %dma_start3A_789] : memref<51200x8x128xf32, #tpu.memory_space<hbm>> -> memref<1x8x128xf32, #tpu.memory_space<hbm>>
      %dma_start3A_791 = tpu.memref_squeeze %dma_start3A_790 : memref<1x8x128xf32, #tpu.memory_space<hbm>> -> memref<8x128xf32, #tpu.memory_space<hbm>>
      %dma_start3A_792 = arith.constant 0 : i32
      %dma_start3A_793 = arith.constant 0 : i32
      %dma_start3A_794 = tpu.memref_slice %arg4[%add3A_782, %dma_start3A_792, %dma_start3A_793] : memref<51200x8x128xf32, #tpu.memory_space<hbm>> -> memref<1x8x128xf32, #tpu.memory_space<hbm>>
      %dma_start3A_795 = tpu.memref_squeeze %dma_start3A_794 : memref<1x8x128xf32, #tpu.memory_space<hbm>> -> memref<8x128xf32, #tpu.memory_space<hbm>>
      %dma_start3A_796 = arith.constant 0 : i32
      %dma_start3A_797 = arith.constant 0 : i32
      %dma_start3A_798 = tpu.memref_slice %arg10[%dma_start3A_783, %dma_start3A_796, %dma_start3A_797] : memref<8x8x128xf32, #tpu.memory_space<vmem>> -> memref<1x8x128xf32, #tpu.memory_space<vmem>>
      %dma_start3A_799 = tpu.memref_squeeze %dma_start3A_798 : memref<1x8x128xf32, #tpu.memory_space<vmem>> -> memref<8x128xf32, #tpu.memory_space<vmem>>
      tpu.enqueue_dma source(%dma_start3A_799 : memref<8x128xf32, #tpu.memory_space<vmem>>) target(%dma_start3A_795 : memref<8x128xf32, #tpu.memory_space<hbm>>) target_semaphore(%arg16 : memref<!tpu.dma_semaphore, #tpu.memory_space<semaphore_mem>>)
      %mul3A_800 = arith.constant 8 : i32
      %mul3A_801 = arith.muli %select_n3A_636, %mul3A_800 : i32
      %add3A_802 = arith.constant 6 : i32
      %add3A_803 = arith.addi %mul3A_801, %add3A_802 : i32
      %mul3A_804 = arith.constant 128 : i32
      %mul3A_805 = arith.muli %add3A_803, %mul3A_804 : i32
      %add3A_806 = arith.addi %mul3A_805, %add3A_655 : i32
      %dma_start3A_807 = arith.constant 6 : i32
      %dma_start3A_808 = arith.constant 0 : i32
      %dma_start3A_809 = arith.constant 0 : i32
      %dma_start3A_810 = tpu.memref_slice %arg10[%dma_start3A_807, %dma_start3A_808, %dma_start3A_809] : memref<8x8x128xf32, #tpu.memory_space<vmem>> -> memref<1x8x128xf32, #tpu.memory_space<vmem>>
      %dma_start3A_811 = tpu.memref_squeeze %dma_start3A_810 : memref<1x8x128xf32, #tpu.memory_space<vmem>> -> memref<8x128xf32, #tpu.memory_space<vmem>>
      %dma_start3A_812 = arith.constant 0 : i32
      %dma_start3A_813 = arith.constant 0 : i32
      %dma_start3A_814 = tpu.memref_slice %arg4[%add3A_806, %dma_start3A_812, %dma_start3A_813] : memref<51200x8x128xf32, #tpu.memory_space<hbm>> -> memref<1x8x128xf32, #tpu.memory_space<hbm>>
      %dma_start3A_815 = tpu.memref_squeeze %dma_start3A_814 : memref<1x8x128xf32, #tpu.memory_space<hbm>> -> memref<8x128xf32, #tpu.memory_space<hbm>>
      %dma_start3A_816 = arith.constant 0 : i32
      %dma_start3A_817 = arith.constant 0 : i32
      %dma_start3A_818 = tpu.memref_slice %arg4[%add3A_806, %dma_start3A_816, %dma_start3A_817] : memref<51200x8x128xf32, #tpu.memory_space<hbm>> -> memref<1x8x128xf32, #tpu.memory_space<hbm>>
      %dma_start3A_819 = tpu.memref_squeeze %dma_start3A_818 : memref<1x8x128xf32, #tpu.memory_space<hbm>> -> memref<8x128xf32, #tpu.memory_space<hbm>>
      %dma_start3A_820 = arith.constant 0 : i32
      %dma_start3A_821 = arith.constant 0 : i32
      %dma_start3A_822 = tpu.memref_slice %arg10[%dma_start3A_807, %dma_start3A_820, %dma_start3A_821] : memref<8x8x128xf32, #tpu.memory_space<vmem>> -> memref<1x8x128xf32, #tpu.memory_space<vmem>>
      %dma_start3A_823 = tpu.memref_squeeze %dma_start3A_822 : memref<1x8x128xf32, #tpu.memory_space<vmem>> -> memref<8x128xf32, #tpu.memory_space<vmem>>
      tpu.enqueue_dma source(%dma_start3A_823 : memref<8x128xf32, #tpu.memory_space<vmem>>) target(%dma_start3A_819 : memref<8x128xf32, #tpu.memory_space<hbm>>) target_semaphore(%arg16 : memref<!tpu.dma_semaphore, #tpu.memory_space<semaphore_mem>>)
      %mul3A_824 = arith.constant 8 : i32
      %mul3A_825 = arith.muli %select_n3A_636, %mul3A_824 : i32
      %add3A_826 = arith.constant 7 : i32
      %add3A_827 = arith.addi %mul3A_825, %add3A_826 : i32
      %mul3A_828 = arith.constant 128 : i32
      %mul3A_829 = arith.muli %add3A_827, %mul3A_828 : i32
      %add3A_830 = arith.addi %mul3A_829, %add3A_655 : i32
      %dma_start3A_831 = arith.constant 7 : i32
      %dma_start3A_832 = arith.constant 0 : i32
      %dma_start3A_833 = arith.constant 0 : i32
      %dma_start3A_834 = tpu.memref_slice %arg10[%dma_start3A_831, %dma_start3A_832, %dma_start3A_833] : memref<8x8x128xf32, #tpu.memory_space<vmem>> -> memref<1x8x128xf32, #tpu.memory_space<vmem>>
      %dma_start3A_835 = tpu.memref_squeeze %dma_start3A_834 : memref<1x8x128xf32, #tpu.memory_space<vmem>> -> memref<8x128xf32, #tpu.memory_space<vmem>>
      %dma_start3A_836 = arith.constant 0 : i32
      %dma_start3A_837 = arith.constant 0 : i32
      %dma_start3A_838 = tpu.memref_slice %arg4[%add3A_830, %dma_start3A_836, %dma_start3A_837] : memref<51200x8x128xf32, #tpu.memory_space<hbm>> -> memref<1x8x128xf32, #tpu.memory_space<hbm>>
      %dma_start3A_839 = tpu.memref_squeeze %dma_start3A_838 : memref<1x8x128xf32, #tpu.memory_space<hbm>> -> memref<8x128xf32, #tpu.memory_space<hbm>>
      %dma_start3A_840 = arith.constant 0 : i32
      %dma_start3A_841 = arith.constant 0 : i32
      %dma_start3A_842 = tpu.memref_slice %arg4[%add3A_830, %dma_start3A_840, %dma_start3A_841] : memref<51200x8x128xf32, #tpu.memory_space<hbm>> -> memref<1x8x128xf32, #tpu.memory_space<hbm>>
      %dma_start3A_843 = tpu.memref_squeeze %dma_start3A_842 : memref<1x8x128xf32, #tpu.memory_space<hbm>> -> memref<8x128xf32, #tpu.memory_space<hbm>>
      %dma_start3A_844 = arith.constant 0 : i32
      %dma_start3A_845 = arith.constant 0 : i32
      %dma_start3A_846 = tpu.memref_slice %arg10[%dma_start3A_831, %dma_start3A_844, %dma_start3A_845] : memref<8x8x128xf32, #tpu.memory_space<vmem>> -> memref<1x8x128xf32, #tpu.memory_space<vmem>>
      %dma_start3A_847 = tpu.memref_squeeze %dma_start3A_846 : memref<1x8x128xf32, #tpu.memory_space<vmem>> -> memref<8x128xf32, #tpu.memory_space<vmem>>
      tpu.enqueue_dma source(%dma_start3A_847 : memref<8x128xf32, #tpu.memory_space<vmem>>) target(%dma_start3A_843 : memref<8x128xf32, #tpu.memory_space<hbm>>) target_semaphore(%arg16 : memref<!tpu.dma_semaphore, #tpu.memory_space<semaphore_mem>>)
    }
    %scan3A_48 = arith.constant 100 : i32
    %dma_wait3A_49 = arith.constant 0 : i32
    %dma_wait3A_50 = arith.constant 0 : i32
    %dma_wait3A_51 = arith.constant 0 : i32
    %dma_wait3A_52 = arith.constant 0 : i32
    %dma_wait3A_53 = tpu.memref_slice %arg9[%dma_wait3A_49, %dma_wait3A_51, %dma_wait3A_52] : memref<8x8x128xf32, #tpu.memory_space<vmem>> -> memref<1x8x128xf32, #tpu.memory_space<vmem>>
    %dma_wait3A_54 = tpu.memref_squeeze %dma_wait3A_53 : memref<1x8x128xf32, #tpu.memory_space<vmem>> -> memref<8x128xf32, #tpu.memory_space<vmem>>
    %dma_wait3A_55 = arith.constant 0 : i32
    %dma_wait3A_56 = arith.constant 0 : i32
    %dma_wait3A_57 = tpu.memref_slice %arg4[%dma_wait3A_50, %dma_wait3A_55, %dma_wait3A_56] : memref<51200x8x128xf32, #tpu.memory_space<hbm>> -> memref<1x8x128xf32, #tpu.memory_space<hbm>>
    %dma_wait3A_58 = tpu.memref_squeeze %dma_wait3A_57 : memref<1x8x128xf32, #tpu.memory_space<hbm>> -> memref<8x128xf32, #tpu.memory_space<hbm>>
    %dma_wait3A_59 = arith.constant 0 : i32
    %dma_wait3A_60 = arith.constant 0 : i32
    %dma_wait3A_61 = tpu.memref_slice %arg4[%dma_wait3A_50, %dma_wait3A_59, %dma_wait3A_60] : memref<51200x8x128xf32, #tpu.memory_space<hbm>> -> memref<1x8x128xf32, #tpu.memory_space<hbm>>
    %dma_wait3A_62 = tpu.memref_squeeze %dma_wait3A_61 : memref<1x8x128xf32, #tpu.memory_space<hbm>> -> memref<8x128xf32, #tpu.memory_space<hbm>>
    %dma_wait3A_63 = arith.constant 0 : i32
    %dma_wait3A_64 = arith.constant 0 : i32
    %dma_wait3A_65 = tpu.memref_slice %arg9[%dma_wait3A_49, %dma_wait3A_63, %dma_wait3A_64] : memref<8x8x128xf32, #tpu.memory_space<vmem>> -> memref<1x8x128xf32, #tpu.memory_space<vmem>>
    %dma_wait3A_66 = tpu.memref_squeeze %dma_wait3A_65 : memref<1x8x128xf32, #tpu.memory_space<vmem>> -> memref<8x128xf32, #tpu.memory_space<vmem>>
    tpu.wait_dma2 semaphore(%arg15 : memref<!tpu.dma_semaphore, #tpu.memory_space<semaphore_mem>>) src(%dma_wait3A_66 : memref<8x128xf32, #tpu.memory_space<vmem>>) dst(%dma_wait3A_62 : memref<8x128xf32, #tpu.memory_space<hbm>>)
    %dma_wait3A_67 = arith.constant 1 : i32
    %dma_wait3A_68 = arith.constant 0 : i32
    %dma_wait3A_69 = arith.constant 0 : i32
    %dma_wait3A_70 = arith.constant 0 : i32
    %dma_wait3A_71 = tpu.memref_slice %arg9[%dma_wait3A_67, %dma_wait3A_69, %dma_wait3A_70] : memref<8x8x128xf32, #tpu.memory_space<vmem>> -> memref<1x8x128xf32, #tpu.memory_space<vmem>>
    %dma_wait3A_72 = tpu.memref_squeeze %dma_wait3A_71 : memref<1x8x128xf32, #tpu.memory_space<vmem>> -> memref<8x128xf32, #tpu.memory_space<vmem>>
    %dma_wait3A_73 = arith.constant 0 : i32
    %dma_wait3A_74 = arith.constant 0 : i32
    %dma_wait3A_75 = tpu.memref_slice %arg4[%dma_wait3A_68, %dma_wait3A_73, %dma_wait3A_74] : memref<51200x8x128xf32, #tpu.memory_space<hbm>> -> memref<1x8x128xf32, #tpu.memory_space<hbm>>
    %dma_wait3A_76 = tpu.memref_squeeze %dma_wait3A_75 : memref<1x8x128xf32, #tpu.memory_space<hbm>> -> memref<8x128xf32, #tpu.memory_space<hbm>>
    %dma_wait3A_77 = arith.constant 0 : i32
    %dma_wait3A_78 = arith.constant 0 : i32
    %dma_wait3A_79 = tpu.memref_slice %arg4[%dma_wait3A_68, %dma_wait3A_77, %dma_wait3A_78] : memref<51200x8x128xf32, #tpu.memory_space<hbm>> -> memref<1x8x128xf32, #tpu.memory_space<hbm>>
    %dma_wait3A_80 = tpu.memref_squeeze %dma_wait3A_79 : memref<1x8x128xf32, #tpu.memory_space<hbm>> -> memref<8x128xf32, #tpu.memory_space<hbm>>
    %dma_wait3A_81 = arith.constant 0 : i32
    %dma_wait3A_82 = arith.constant 0 : i32
    %dma_wait3A_83 = tpu.memref_slice %arg9[%dma_wait3A_67, %dma_wait3A_81, %dma_wait3A_82] : memref<8x8x128xf32, #tpu.memory_space<vmem>> -> memref<1x8x128xf32, #tpu.memory_space<vmem>>
    %dma_wait3A_84 = tpu.memref_squeeze %dma_wait3A_83 : memref<1x8x128xf32, #tpu.memory_space<vmem>> -> memref<8x128xf32, #tpu.memory_space<vmem>>
    tpu.wait_dma2 semaphore(%arg15 : memref<!tpu.dma_semaphore, #tpu.memory_space<semaphore_mem>>) src(%dma_wait3A_84 : memref<8x128xf32, #tpu.memory_space<vmem>>) dst(%dma_wait3A_80 : memref<8x128xf32, #tpu.memory_space<hbm>>)
    %dma_wait3A_85 = arith.constant 2 : i32
    %dma_wait3A_86 = arith.constant 0 : i32
    %dma_wait3A_87 = arith.constant 0 : i32
    %dma_wait3A_88 = arith.constant 0 : i32
    %dma_wait3A_89 = tpu.memref_slice %arg9[%dma_wait3A_85, %dma_wait3A_87, %dma_wait3A_88] : memref<8x8x128xf32, #tpu.memory_space<vmem>> -> memref<1x8x128xf32, #tpu.memory_space<vmem>>
    %dma_wait3A_90 = tpu.memref_squeeze %dma_wait3A_89 : memref<1x8x128xf32, #tpu.memory_space<vmem>> -> memref<8x128xf32, #tpu.memory_space<vmem>>
    %dma_wait3A_91 = arith.constant 0 : i32
    %dma_wait3A_92 = arith.constant 0 : i32
    %dma_wait3A_93 = tpu.memref_slice %arg4[%dma_wait3A_86, %dma_wait3A_91, %dma_wait3A_92] : memref<51200x8x128xf32, #tpu.memory_space<hbm>> -> memref<1x8x128xf32, #tpu.memory_space<hbm>>
    %dma_wait3A_94 = tpu.memref_squeeze %dma_wait3A_93 : memref<1x8x128xf32, #tpu.memory_space<hbm>> -> memref<8x128xf32, #tpu.memory_space<hbm>>
    %dma_wait3A_95 = arith.constant 0 : i32
    %dma_wait3A_96 = arith.constant 0 : i32
    %dma_wait3A_97 = tpu.memref_slice %arg4[%dma_wait3A_86, %dma_wait3A_95, %dma_wait3A_96] : memref<51200x8x128xf32, #tpu.memory_space<hbm>> -> memref<1x8x128xf32, #tpu.memory_space<hbm>>
    %dma_wait3A_98 = tpu.memref_squeeze %dma_wait3A_97 : memref<1x8x128xf32, #tpu.memory_space<hbm>> -> memref<8x128xf32, #tpu.memory_space<hbm>>
    %dma_wait3A_99 = arith.constant 0 : i32
    %dma_wait3A_100 = arith.constant 0 : i32
    %dma_wait3A_101 = tpu.memref_slice %arg9[%dma_wait3A_85, %dma_wait3A_99, %dma_wait3A_100] : memref<8x8x128xf32, #tpu.memory_space<vmem>> -> memref<1x8x128xf32, #tpu.memory_space<vmem>>
    %dma_wait3A_102 = tpu.memref_squeeze %dma_wait3A_101 : memref<1x8x128xf32, #tpu.memory_space<vmem>> -> memref<8x128xf32, #tpu.memory_space<vmem>>
    tpu.wait_dma2 semaphore(%arg15 : memref<!tpu.dma_semaphore, #tpu.memory_space<semaphore_mem>>) src(%dma_wait3A_102 : memref<8x128xf32, #tpu.memory_space<vmem>>) dst(%dma_wait3A_98 : memref<8x128xf32, #tpu.memory_space<hbm>>)
    %dma_wait3A_103 = arith.constant 3 : i32
    %dma_wait3A_104 = arith.constant 0 : i32
    %dma_wait3A_105 = arith.constant 0 : i32
    %dma_wait3A_106 = arith.constant 0 : i32
    %dma_wait3A_107 = tpu.memref_slice %arg9[%dma_wait3A_103, %dma_wait3A_105, %dma_wait3A_106] : memref<8x8x128xf32, #tpu.memory_space<vmem>> -> memref<1x8x128xf32, #tpu.memory_space<vmem>>
    %dma_wait3A_108 = tpu.memref_squeeze %dma_wait3A_107 : memref<1x8x128xf32, #tpu.memory_space<vmem>> -> memref<8x128xf32, #tpu.memory_space<vmem>>
    %dma_wait3A_109 = arith.constant 0 : i32
    %dma_wait3A_110 = arith.constant 0 : i32
    %dma_wait3A_111 = tpu.memref_slice %arg4[%dma_wait3A_104, %dma_wait3A_109, %dma_wait3A_110] : memref<51200x8x128xf32, #tpu.memory_space<hbm>> -> memref<1x8x128xf32, #tpu.memory_space<hbm>>
    %dma_wait3A_112 = tpu.memref_squeeze %dma_wait3A_111 : memref<1x8x128xf32, #tpu.memory_space<hbm>> -> memref<8x128xf32, #tpu.memory_space<hbm>>
    %dma_wait3A_113 = arith.constant 0 : i32
    %dma_wait3A_114 = arith.constant 0 : i32
    %dma_wait3A_115 = tpu.memref_slice %arg4[%dma_wait3A_104, %dma_wait3A_113, %dma_wait3A_114] : memref<51200x8x128xf32, #tpu.memory_space<hbm>> -> memref<1x8x128xf32, #tpu.memory_space<hbm>>
    %dma_wait3A_116 = tpu.memref_squeeze %dma_wait3A_115 : memref<1x8x128xf32, #tpu.memory_space<hbm>> -> memref<8x128xf32, #tpu.memory_space<hbm>>
    %dma_wait3A_117 = arith.constant 0 : i32
    %dma_wait3A_118 = arith.constant 0 : i32
    %dma_wait3A_119 = tpu.memref_slice %arg9[%dma_wait3A_103, %dma_wait3A_117, %dma_wait3A_118] : memref<8x8x128xf32, #tpu.memory_space<vmem>> -> memref<1x8x128xf32, #tpu.memory_space<vmem>>
    %dma_wait3A_120 = tpu.memref_squeeze %dma_wait3A_119 : memref<1x8x128xf32, #tpu.memory_space<vmem>> -> memref<8x128xf32, #tpu.memory_space<vmem>>
    tpu.wait_dma2 semaphore(%arg15 : memref<!tpu.dma_semaphore, #tpu.memory_space<semaphore_mem>>) src(%dma_wait3A_120 : memref<8x128xf32, #tpu.memory_space<vmem>>) dst(%dma_wait3A_116 : memref<8x128xf32, #tpu.memory_space<hbm>>)
    %dma_wait3A_121 = arith.constant 4 : i32
    %dma_wait3A_122 = arith.constant 0 : i32
    %dma_wait3A_123 = arith.constant 0 : i32
    %dma_wait3A_124 = arith.constant 0 : i32
    %dma_wait3A_125 = tpu.memref_slice %arg9[%dma_wait3A_121, %dma_wait3A_123, %dma_wait3A_124] : memref<8x8x128xf32, #tpu.memory_space<vmem>> -> memref<1x8x128xf32, #tpu.memory_space<vmem>>
    %dma_wait3A_126 = tpu.memref_squeeze %dma_wait3A_125 : memref<1x8x128xf32, #tpu.memory_space<vmem>> -> memref<8x128xf32, #tpu.memory_space<vmem>>
    %dma_wait3A_127 = arith.constant 0 : i32
    %dma_wait3A_128 = arith.constant 0 : i32
    %dma_wait3A_129 = tpu.memref_slice %arg4[%dma_wait3A_122, %dma_wait3A_127, %dma_wait3A_128] : memref<51200x8x128xf32, #tpu.memory_space<hbm>> -> memref<1x8x128xf32, #tpu.memory_space<hbm>>
    %dma_wait3A_130 = tpu.memref_squeeze %dma_wait3A_129 : memref<1x8x128xf32, #tpu.memory_space<hbm>> -> memref<8x128xf32, #tpu.memory_space<hbm>>
    %dma_wait3A_131 = arith.constant 0 : i32
    %dma_wait3A_132 = arith.constant 0 : i32
    %dma_wait3A_133 = tpu.memref_slice %arg4[%dma_wait3A_122, %dma_wait3A_131, %dma_wait3A_132] : memref<51200x8x128xf32, #tpu.memory_space<hbm>> -> memref<1x8x128xf32, #tpu.memory_space<hbm>>
    %dma_wait3A_134 = tpu.memref_squeeze %dma_wait3A_133 : memref<1x8x128xf32, #tpu.memory_space<hbm>> -> memref<8x128xf32, #tpu.memory_space<hbm>>
    %dma_wait3A_135 = arith.constant 0 : i32
    %dma_wait3A_136 = arith.constant 0 : i32
    %dma_wait3A_137 = tpu.memref_slice %arg9[%dma_wait3A_121, %dma_wait3A_135, %dma_wait3A_136] : memref<8x8x128xf32, #tpu.memory_space<vmem>> -> memref<1x8x128xf32, #tpu.memory_space<vmem>>
    %dma_wait3A_138 = tpu.memref_squeeze %dma_wait3A_137 : memref<1x8x128xf32, #tpu.memory_space<vmem>> -> memref<8x128xf32, #tpu.memory_space<vmem>>
    tpu.wait_dma2 semaphore(%arg15 : memref<!tpu.dma_semaphore, #tpu.memory_space<semaphore_mem>>) src(%dma_wait3A_138 : memref<8x128xf32, #tpu.memory_space<vmem>>) dst(%dma_wait3A_134 : memref<8x128xf32, #tpu.memory_space<hbm>>)
    %dma_wait3A_139 = arith.constant 5 : i32
    %dma_wait3A_140 = arith.constant 0 : i32
    %dma_wait3A_141 = arith.constant 0 : i32
    %dma_wait3A_142 = arith.constant 0 : i32
    %dma_wait3A_143 = tpu.memref_slice %arg9[%dma_wait3A_139, %dma_wait3A_141, %dma_wait3A_142] : memref<8x8x128xf32, #tpu.memory_space<vmem>> -> memref<1x8x128xf32, #tpu.memory_space<vmem>>
    %dma_wait3A_144 = tpu.memref_squeeze %dma_wait3A_143 : memref<1x8x128xf32, #tpu.memory_space<vmem>> -> memref<8x128xf32, #tpu.memory_space<vmem>>
    %dma_wait3A_145 = arith.constant 0 : i32
    %dma_wait3A_146 = arith.constant 0 : i32
    %dma_wait3A_147 = tpu.memref_slice %arg4[%dma_wait3A_140, %dma_wait3A_145, %dma_wait3A_146] : memref<51200x8x128xf32, #tpu.memory_space<hbm>> -> memref<1x8x128xf32, #tpu.memory_space<hbm>>
    %dma_wait3A_148 = tpu.memref_squeeze %dma_wait3A_147 : memref<1x8x128xf32, #tpu.memory_space<hbm>> -> memref<8x128xf32, #tpu.memory_space<hbm>>
    %dma_wait3A_149 = arith.constant 0 : i32
    %dma_wait3A_150 = arith.constant 0 : i32
    %dma_wait3A_151 = tpu.memref_slice %arg4[%dma_wait3A_140, %dma_wait3A_149, %dma_wait3A_150] : memref<51200x8x128xf32, #tpu.memory_space<hbm>> -> memref<1x8x128xf32, #tpu.memory_space<hbm>>
    %dma_wait3A_152 = tpu.memref_squeeze %dma_wait3A_151 : memref<1x8x128xf32, #tpu.memory_space<hbm>> -> memref<8x128xf32, #tpu.memory_space<hbm>>
    %dma_wait3A_153 = arith.constant 0 : i32
    %dma_wait3A_154 = arith.constant 0 : i32
    %dma_wait3A_155 = tpu.memref_slice %arg9[%dma_wait3A_139, %dma_wait3A_153, %dma_wait3A_154] : memref<8x8x128xf32, #tpu.memory_space<vmem>> -> memref<1x8x128xf32, #tpu.memory_space<vmem>>
    %dma_wait3A_156 = tpu.memref_squeeze %dma_wait3A_155 : memref<1x8x128xf32, #tpu.memory_space<vmem>> -> memref<8x128xf32, #tpu.memory_space<vmem>>
    tpu.wait_dma2 semaphore(%arg15 : memref<!tpu.dma_semaphore, #tpu.memory_space<semaphore_mem>>) src(%dma_wait3A_156 : memref<8x128xf32, #tpu.memory_space<vmem>>) dst(%dma_wait3A_152 : memref<8x128xf32, #tpu.memory_space<hbm>>)
    %dma_wait3A_157 = arith.constant 6 : i32
    %dma_wait3A_158 = arith.constant 0 : i32
    %dma_wait3A_159 = arith.constant 0 : i32
    %dma_wait3A_160 = arith.constant 0 : i32
    %dma_wait3A_161 = tpu.memref_slice %arg9[%dma_wait3A_157, %dma_wait3A_159, %dma_wait3A_160] : memref<8x8x128xf32, #tpu.memory_space<vmem>> -> memref<1x8x128xf32, #tpu.memory_space<vmem>>
    %dma_wait3A_162 = tpu.memref_squeeze %dma_wait3A_161 : memref<1x8x128xf32, #tpu.memory_space<vmem>> -> memref<8x128xf32, #tpu.memory_space<vmem>>
    %dma_wait3A_163 = arith.constant 0 : i32
    %dma_wait3A_164 = arith.constant 0 : i32
    %dma_wait3A_165 = tpu.memref_slice %arg4[%dma_wait3A_158, %dma_wait3A_163, %dma_wait3A_164] : memref<51200x8x128xf32, #tpu.memory_space<hbm>> -> memref<1x8x128xf32, #tpu.memory_space<hbm>>
    %dma_wait3A_166 = tpu.memref_squeeze %dma_wait3A_165 : memref<1x8x128xf32, #tpu.memory_space<hbm>> -> memref<8x128xf32, #tpu.memory_space<hbm>>
    %dma_wait3A_167 = arith.constant 0 : i32
    %dma_wait3A_168 = arith.constant 0 : i32
    %dma_wait3A_169 = tpu.memref_slice %arg4[%dma_wait3A_158, %dma_wait3A_167, %dma_wait3A_168] : memref<51200x8x128xf32, #tpu.memory_space<hbm>> -> memref<1x8x128xf32, #tpu.memory_space<hbm>>
    %dma_wait3A_170 = tpu.memref_squeeze %dma_wait3A_169 : memref<1x8x128xf32, #tpu.memory_space<hbm>> -> memref<8x128xf32, #tpu.memory_space<hbm>>
    %dma_wait3A_171 = arith.constant 0 : i32
    %dma_wait3A_172 = arith.constant 0 : i32
    %dma_wait3A_173 = tpu.memref_slice %arg9[%dma_wait3A_157, %dma_wait3A_171, %dma_wait3A_172] : memref<8x8x128xf32, #tpu.memory_space<vmem>> -> memref<1x8x128xf32, #tpu.memory_space<vmem>>
    %dma_wait3A_174 = tpu.memref_squeeze %dma_wait3A_173 : memref<1x8x128xf32, #tpu.memory_space<vmem>> -> memref<8x128xf32, #tpu.memory_space<vmem>>
    tpu.wait_dma2 semaphore(%arg15 : memref<!tpu.dma_semaphore, #tpu.memory_space<semaphore_mem>>) src(%dma_wait3A_174 : memref<8x128xf32, #tpu.memory_space<vmem>>) dst(%dma_wait3A_170 : memref<8x128xf32, #tpu.memory_space<hbm>>)
    %dma_wait3A_175 = arith.constant 7 : i32
    %dma_wait3A_176 = arith.constant 0 : i32
    %dma_wait3A_177 = arith.constant 0 : i32
    %dma_wait3A_178 = arith.constant 0 : i32
    %dma_wait3A_179 = tpu.memref_slice %arg9[%dma_wait3A_175, %dma_wait3A_177, %dma_wait3A_178] : memref<8x8x128xf32, #tpu.memory_space<vmem>> -> memref<1x8x128xf32, #tpu.memory_space<vmem>>
    %dma_wait3A_180 = tpu.memref_squeeze %dma_wait3A_179 : memref<1x8x128xf32, #tpu.memory_space<vmem>> -> memref<8x128xf32, #tpu.memory_space<vmem>>
    %dma_wait3A_181 = arith.constant 0 : i32
    %dma_wait3A_182 = arith.constant 0 : i32
    %dma_wait3A_183 = tpu.memref_slice %arg4[%dma_wait3A_176, %dma_wait3A_181, %dma_wait3A_182] : memref<51200x8x128xf32, #tpu.memory_space<hbm>> -> memref<1x8x128xf32, #tpu.memory_space<hbm>>
    %dma_wait3A_184 = tpu.memref_squeeze %dma_wait3A_183 : memref<1x8x128xf32, #tpu.memory_space<hbm>> -> memref<8x128xf32, #tpu.memory_space<hbm>>
    %dma_wait3A_185 = arith.constant 0 : i32
    %dma_wait3A_186 = arith.constant 0 : i32
    %dma_wait3A_187 = tpu.memref_slice %arg4[%dma_wait3A_176, %dma_wait3A_185, %dma_wait3A_186] : memref<51200x8x128xf32, #tpu.memory_space<hbm>> -> memref<1x8x128xf32, #tpu.memory_space<hbm>>
    %dma_wait3A_188 = tpu.memref_squeeze %dma_wait3A_187 : memref<1x8x128xf32, #tpu.memory_space<hbm>> -> memref<8x128xf32, #tpu.memory_space<hbm>>
    %dma_wait3A_189 = arith.constant 0 : i32
    %dma_wait3A_190 = arith.constant 0 : i32
    %dma_wait3A_191 = tpu.memref_slice %arg9[%dma_wait3A_175, %dma_wait3A_189, %dma_wait3A_190] : memref<8x8x128xf32, #tpu.memory_space<vmem>> -> memref<1x8x128xf32, #tpu.memory_space<vmem>>
    %dma_wait3A_192 = tpu.memref_squeeze %dma_wait3A_191 : memref<1x8x128xf32, #tpu.memory_space<vmem>> -> memref<8x128xf32, #tpu.memory_space<vmem>>
    tpu.wait_dma2 semaphore(%arg15 : memref<!tpu.dma_semaphore, #tpu.memory_space<semaphore_mem>>) src(%dma_wait3A_192 : memref<8x128xf32, #tpu.memory_space<vmem>>) dst(%dma_wait3A_188 : memref<8x128xf32, #tpu.memory_space<hbm>>)
    %dma_wait3A_193 = arith.constant 0 : i32
    %dma_wait3A_194 = arith.constant 0 : i32
    %dma_wait3A_195 = arith.constant 0 : i32
    %dma_wait3A_196 = arith.constant 0 : i32
    %dma_wait3A_197 = tpu.memref_slice %arg10[%dma_wait3A_193, %dma_wait3A_195, %dma_wait3A_196] : memref<8x8x128xf32, #tpu.memory_space<vmem>> -> memref<1x8x128xf32, #tpu.memory_space<vmem>>
    %dma_wait3A_198 = tpu.memref_squeeze %dma_wait3A_197 : memref<1x8x128xf32, #tpu.memory_space<vmem>> -> memref<8x128xf32, #tpu.memory_space<vmem>>
    %dma_wait3A_199 = arith.constant 0 : i32
    %dma_wait3A_200 = arith.constant 0 : i32
    %dma_wait3A_201 = tpu.memref_slice %arg4[%dma_wait3A_194, %dma_wait3A_199, %dma_wait3A_200] : memref<51200x8x128xf32, #tpu.memory_space<hbm>> -> memref<1x8x128xf32, #tpu.memory_space<hbm>>
    %dma_wait3A_202 = tpu.memref_squeeze %dma_wait3A_201 : memref<1x8x128xf32, #tpu.memory_space<hbm>> -> memref<8x128xf32, #tpu.memory_space<hbm>>
    %dma_wait3A_203 = arith.constant 0 : i32
    %dma_wait3A_204 = arith.constant 0 : i32
    %dma_wait3A_205 = tpu.memref_slice %arg4[%dma_wait3A_194, %dma_wait3A_203, %dma_wait3A_204] : memref<51200x8x128xf32, #tpu.memory_space<hbm>> -> memref<1x8x128xf32, #tpu.memory_space<hbm>>
    %dma_wait3A_206 = tpu.memref_squeeze %dma_wait3A_205 : memref<1x8x128xf32, #tpu.memory_space<hbm>> -> memref<8x128xf32, #tpu.memory_space<hbm>>
    %dma_wait3A_207 = arith.constant 0 : i32
    %dma_wait3A_208 = arith.constant 0 : i32
    %dma_wait3A_209 = tpu.memref_slice %arg10[%dma_wait3A_193, %dma_wait3A_207, %dma_wait3A_208] : memref<8x8x128xf32, #tpu.memory_space<vmem>> -> memref<1x8x128xf32, #tpu.memory_space<vmem>>
    %dma_wait3A_210 = tpu.memref_squeeze %dma_wait3A_209 : memref<1x8x128xf32, #tpu.memory_space<vmem>> -> memref<8x128xf32, #tpu.memory_space<vmem>>
    tpu.wait_dma2 semaphore(%arg16 : memref<!tpu.dma_semaphore, #tpu.memory_space<semaphore_mem>>) src(%dma_wait3A_210 : memref<8x128xf32, #tpu.memory_space<vmem>>) dst(%dma_wait3A_206 : memref<8x128xf32, #tpu.memory_space<hbm>>)
    %dma_wait3A_211 = arith.constant 1 : i32
    %dma_wait3A_212 = arith.constant 0 : i32
    %dma_wait3A_213 = arith.constant 0 : i32
    %dma_wait3A_214 = arith.constant 0 : i32
    %dma_wait3A_215 = tpu.memref_slice %arg10[%dma_wait3A_211, %dma_wait3A_213, %dma_wait3A_214] : memref<8x8x128xf32, #tpu.memory_space<vmem>> -> memref<1x8x128xf32, #tpu.memory_space<vmem>>
    %dma_wait3A_216 = tpu.memref_squeeze %dma_wait3A_215 : memref<1x8x128xf32, #tpu.memory_space<vmem>> -> memref<8x128xf32, #tpu.memory_space<vmem>>
    %dma_wait3A_217 = arith.constant 0 : i32
    %dma_wait3A_218 = arith.constant 0 : i32
    %dma_wait3A_219 = tpu.memref_slice %arg4[%dma_wait3A_212, %dma_wait3A_217, %dma_wait3A_218] : memref<51200x8x128xf32, #tpu.memory_space<hbm>> -> memref<1x8x128xf32, #tpu.memory_space<hbm>>
    %dma_wait3A_220 = tpu.memref_squeeze %dma_wait3A_219 : memref<1x8x128xf32, #tpu.memory_space<hbm>> -> memref<8x128xf32, #tpu.memory_space<hbm>>
    %dma_wait3A_221 = arith.constant 0 : i32
    %dma_wait3A_222 = arith.constant 0 : i32
    %dma_wait3A_223 = tpu.memref_slice %arg4[%dma_wait3A_212, %dma_wait3A_221, %dma_wait3A_222] : memref<51200x8x128xf32, #tpu.memory_space<hbm>> -> memref<1x8x128xf32, #tpu.memory_space<hbm>>
    %dma_wait3A_224 = tpu.memref_squeeze %dma_wait3A_223 : memref<1x8x128xf32, #tpu.memory_space<hbm>> -> memref<8x128xf32, #tpu.memory_space<hbm>>
    %dma_wait3A_225 = arith.constant 0 : i32
    %dma_wait3A_226 = arith.constant 0 : i32
    %dma_wait3A_227 = tpu.memref_slice %arg10[%dma_wait3A_211, %dma_wait3A_225, %dma_wait3A_226] : memref<8x8x128xf32, #tpu.memory_space<vmem>> -> memref<1x8x128xf32, #tpu.memory_space<vmem>>
    %dma_wait3A_228 = tpu.memref_squeeze %dma_wait3A_227 : memref<1x8x128xf32, #tpu.memory_space<vmem>> -> memref<8x128xf32, #tpu.memory_space<vmem>>
    tpu.wait_dma2 semaphore(%arg16 : memref<!tpu.dma_semaphore, #tpu.memory_space<semaphore_mem>>) src(%dma_wait3A_228 : memref<8x128xf32, #tpu.memory_space<vmem>>) dst(%dma_wait3A_224 : memref<8x128xf32, #tpu.memory_space<hbm>>)
    %dma_wait3A_229 = arith.constant 2 : i32
    %dma_wait3A_230 = arith.constant 0 : i32
    %dma_wait3A_231 = arith.constant 0 : i32
    %dma_wait3A_232 = arith.constant 0 : i32
    %dma_wait3A_233 = tpu.memref_slice %arg10[%dma_wait3A_229, %dma_wait3A_231, %dma_wait3A_232] : memref<8x8x128xf32, #tpu.memory_space<vmem>> -> memref<1x8x128xf32, #tpu.memory_space<vmem>>
    %dma_wait3A_234 = tpu.memref_squeeze %dma_wait3A_233 : memref<1x8x128xf32, #tpu.memory_space<vmem>> -> memref<8x128xf32, #tpu.memory_space<vmem>>
    %dma_wait3A_235 = arith.constant 0 : i32
    %dma_wait3A_236 = arith.constant 0 : i32
    %dma_wait3A_237 = tpu.memref_slice %arg4[%dma_wait3A_230, %dma_wait3A_235, %dma_wait3A_236] : memref<51200x8x128xf32, #tpu.memory_space<hbm>> -> memref<1x8x128xf32, #tpu.memory_space<hbm>>
    %dma_wait3A_238 = tpu.memref_squeeze %dma_wait3A_237 : memref<1x8x128xf32, #tpu.memory_space<hbm>> -> memref<8x128xf32, #tpu.memory_space<hbm>>
    %dma_wait3A_239 = arith.constant 0 : i32
    %dma_wait3A_240 = arith.constant 0 : i32
    %dma_wait3A_241 = tpu.memref_slice %arg4[%dma_wait3A_230, %dma_wait3A_239, %dma_wait3A_240] : memref<51200x8x128xf32, #tpu.memory_space<hbm>> -> memref<1x8x128xf32, #tpu.memory_space<hbm>>
    %dma_wait3A_242 = tpu.memref_squeeze %dma_wait3A_241 : memref<1x8x128xf32, #tpu.memory_space<hbm>> -> memref<8x128xf32, #tpu.memory_space<hbm>>
    %dma_wait3A_243 = arith.constant 0 : i32
    %dma_wait3A_244 = arith.constant 0 : i32
    %dma_wait3A_245 = tpu.memref_slice %arg10[%dma_wait3A_229, %dma_wait3A_243, %dma_wait3A_244] : memref<8x8x128xf32, #tpu.memory_space<vmem>> -> memref<1x8x128xf32, #tpu.memory_space<vmem>>
    %dma_wait3A_246 = tpu.memref_squeeze %dma_wait3A_245 : memref<1x8x128xf32, #tpu.memory_space<vmem>> -> memref<8x128xf32, #tpu.memory_space<vmem>>
    tpu.wait_dma2 semaphore(%arg16 : memref<!tpu.dma_semaphore, #tpu.memory_space<semaphore_mem>>) src(%dma_wait3A_246 : memref<8x128xf32, #tpu.memory_space<vmem>>) dst(%dma_wait3A_242 : memref<8x128xf32, #tpu.memory_space<hbm>>)
    %dma_wait3A_247 = arith.constant 3 : i32
    %dma_wait3A_248 = arith.constant 0 : i32
    %dma_wait3A_249 = arith.constant 0 : i32
    %dma_wait3A_250 = arith.constant 0 : i32
    %dma_wait3A_251 = tpu.memref_slice %arg10[%dma_wait3A_247, %dma_wait3A_249, %dma_wait3A_250] : memref<8x8x128xf32, #tpu.memory_space<vmem>> -> memref<1x8x128xf32, #tpu.memory_space<vmem>>
    %dma_wait3A_252 = tpu.memref_squeeze %dma_wait3A_251 : memref<1x8x128xf32, #tpu.memory_space<vmem>> -> memref<8x128xf32, #tpu.memory_space<vmem>>
    %dma_wait3A_253 = arith.constant 0 : i32
    %dma_wait3A_254 = arith.constant 0 : i32
    %dma_wait3A_255 = tpu.memref_slice %arg4[%dma_wait3A_248, %dma_wait3A_253, %dma_wait3A_254] : memref<51200x8x128xf32, #tpu.memory_space<hbm>> -> memref<1x8x128xf32, #tpu.memory_space<hbm>>
    %dma_wait3A_256 = tpu.memref_squeeze %dma_wait3A_255 : memref<1x8x128xf32, #tpu.memory_space<hbm>> -> memref<8x128xf32, #tpu.memory_space<hbm>>
    %dma_wait3A_257 = arith.constant 0 : i32
    %dma_wait3A_258 = arith.constant 0 : i32
    %dma_wait3A_259 = tpu.memref_slice %arg4[%dma_wait3A_248, %dma_wait3A_257, %dma_wait3A_258] : memref<51200x8x128xf32, #tpu.memory_space<hbm>> -> memref<1x8x128xf32, #tpu.memory_space<hbm>>
    %dma_wait3A_260 = tpu.memref_squeeze %dma_wait3A_259 : memref<1x8x128xf32, #tpu.memory_space<hbm>> -> memref<8x128xf32, #tpu.memory_space<hbm>>
    %dma_wait3A_261 = arith.constant 0 : i32
    %dma_wait3A_262 = arith.constant 0 : i32
    %dma_wait3A_263 = tpu.memref_slice %arg10[%dma_wait3A_247, %dma_wait3A_261, %dma_wait3A_262] : memref<8x8x128xf32, #tpu.memory_space<vmem>> -> memref<1x8x128xf32, #tpu.memory_space<vmem>>
    %dma_wait3A_264 = tpu.memref_squeeze %dma_wait3A_263 : memref<1x8x128xf32, #tpu.memory_space<vmem>> -> memref<8x128xf32, #tpu.memory_space<vmem>>
    tpu.wait_dma2 semaphore(%arg16 : memref<!tpu.dma_semaphore, #tpu.memory_space<semaphore_mem>>) src(%dma_wait3A_264 : memref<8x128xf32, #tpu.memory_space<vmem>>) dst(%dma_wait3A_260 : memref<8x128xf32, #tpu.memory_space<hbm>>)
    %dma_wait3A_265 = arith.constant 4 : i32
    %dma_wait3A_266 = arith.constant 0 : i32
    %dma_wait3A_267 = arith.constant 0 : i32
    %dma_wait3A_268 = arith.constant 0 : i32
    %dma_wait3A_269 = tpu.memref_slice %arg10[%dma_wait3A_265, %dma_wait3A_267, %dma_wait3A_268] : memref<8x8x128xf32, #tpu.memory_space<vmem>> -> memref<1x8x128xf32, #tpu.memory_space<vmem>>
    %dma_wait3A_270 = tpu.memref_squeeze %dma_wait3A_269 : memref<1x8x128xf32, #tpu.memory_space<vmem>> -> memref<8x128xf32, #tpu.memory_space<vmem>>
    %dma_wait3A_271 = arith.constant 0 : i32
    %dma_wait3A_272 = arith.constant 0 : i32
    %dma_wait3A_273 = tpu.memref_slice %arg4[%dma_wait3A_266, %dma_wait3A_271, %dma_wait3A_272] : memref<51200x8x128xf32, #tpu.memory_space<hbm>> -> memref<1x8x128xf32, #tpu.memory_space<hbm>>
    %dma_wait3A_274 = tpu.memref_squeeze %dma_wait3A_273 : memref<1x8x128xf32, #tpu.memory_space<hbm>> -> memref<8x128xf32, #tpu.memory_space<hbm>>
    %dma_wait3A_275 = arith.constant 0 : i32
    %dma_wait3A_276 = arith.constant 0 : i32
    %dma_wait3A_277 = tpu.memref_slice %arg4[%dma_wait3A_266, %dma_wait3A_275, %dma_wait3A_276] : memref<51200x8x128xf32, #tpu.memory_space<hbm>> -> memref<1x8x128xf32, #tpu.memory_space<hbm>>
    %dma_wait3A_278 = tpu.memref_squeeze %dma_wait3A_277 : memref<1x8x128xf32, #tpu.memory_space<hbm>> -> memref<8x128xf32, #tpu.memory_space<hbm>>
    %dma_wait3A_279 = arith.constant 0 : i32
    %dma_wait3A_280 = arith.constant 0 : i32
    %dma_wait3A_281 = tpu.memref_slice %arg10[%dma_wait3A_265, %dma_wait3A_279, %dma_wait3A_280] : memref<8x8x128xf32, #tpu.memory_space<vmem>> -> memref<1x8x128xf32, #tpu.memory_space<vmem>>
    %dma_wait3A_282 = tpu.memref_squeeze %dma_wait3A_281 : memref<1x8x128xf32, #tpu.memory_space<vmem>> -> memref<8x128xf32, #tpu.memory_space<vmem>>
    tpu.wait_dma2 semaphore(%arg16 : memref<!tpu.dma_semaphore, #tpu.memory_space<semaphore_mem>>) src(%dma_wait3A_282 : memref<8x128xf32, #tpu.memory_space<vmem>>) dst(%dma_wait3A_278 : memref<8x128xf32, #tpu.memory_space<hbm>>)
    %dma_wait3A_283 = arith.constant 5 : i32
    %dma_wait3A_284 = arith.constant 0 : i32
    %dma_wait3A_285 = arith.constant 0 : i32
    %dma_wait3A_286 = arith.constant 0 : i32
    %dma_wait3A_287 = tpu.memref_slice %arg10[%dma_wait3A_283, %dma_wait3A_285, %dma_wait3A_286] : memref<8x8x128xf32, #tpu.memory_space<vmem>> -> memref<1x8x128xf32, #tpu.memory_space<vmem>>
    %dma_wait3A_288 = tpu.memref_squeeze %dma_wait3A_287 : memref<1x8x128xf32, #tpu.memory_space<vmem>> -> memref<8x128xf32, #tpu.memory_space<vmem>>
    %dma_wait3A_289 = arith.constant 0 : i32
    %dma_wait3A_290 = arith.constant 0 : i32
    %dma_wait3A_291 = tpu.memref_slice %arg4[%dma_wait3A_284, %dma_wait3A_289, %dma_wait3A_290] : memref<51200x8x128xf32, #tpu.memory_space<hbm>> -> memref<1x8x128xf32, #tpu.memory_space<hbm>>
    %dma_wait3A_292 = tpu.memref_squeeze %dma_wait3A_291 : memref<1x8x128xf32, #tpu.memory_space<hbm>> -> memref<8x128xf32, #tpu.memory_space<hbm>>
    %dma_wait3A_293 = arith.constant 0 : i32
    %dma_wait3A_294 = arith.constant 0 : i32
    %dma_wait3A_295 = tpu.memref_slice %arg4[%dma_wait3A_284, %dma_wait3A_293, %dma_wait3A_294] : memref<51200x8x128xf32, #tpu.memory_space<hbm>> -> memref<1x8x128xf32, #tpu.memory_space<hbm>>
    %dma_wait3A_296 = tpu.memref_squeeze %dma_wait3A_295 : memref<1x8x128xf32, #tpu.memory_space<hbm>> -> memref<8x128xf32, #tpu.memory_space<hbm>>
    %dma_wait3A_297 = arith.constant 0 : i32
    %dma_wait3A_298 = arith.constant 0 : i32
    %dma_wait3A_299 = tpu.memref_slice %arg10[%dma_wait3A_283, %dma_wait3A_297, %dma_wait3A_298] : memref<8x8x128xf32, #tpu.memory_space<vmem>> -> memref<1x8x128xf32, #tpu.memory_space<vmem>>
    %dma_wait3A_300 = tpu.memref_squeeze %dma_wait3A_299 : memref<1x8x128xf32, #tpu.memory_space<vmem>> -> memref<8x128xf32, #tpu.memory_space<vmem>>
    tpu.wait_dma2 semaphore(%arg16 : memref<!tpu.dma_semaphore, #tpu.memory_space<semaphore_mem>>) src(%dma_wait3A_300 : memref<8x128xf32, #tpu.memory_space<vmem>>) dst(%dma_wait3A_296 : memref<8x128xf32, #tpu.memory_space<hbm>>)
    %dma_wait3A_301 = arith.constant 6 : i32
    %dma_wait3A_302 = arith.constant 0 : i32
    %dma_wait3A_303 = arith.constant 0 : i32
    %dma_wait3A_304 = arith.constant 0 : i32
    %dma_wait3A_305 = tpu.memref_slice %arg10[%dma_wait3A_301, %dma_wait3A_303, %dma_wait3A_304] : memref<8x8x128xf32, #tpu.memory_space<vmem>> -> memref<1x8x128xf32, #tpu.memory_space<vmem>>
    %dma_wait3A_306 = tpu.memref_squeeze %dma_wait3A_305 : memref<1x8x128xf32, #tpu.memory_space<vmem>> -> memref<8x128xf32, #tpu.memory_space<vmem>>
    %dma_wait3A_307 = arith.constant 0 : i32
    %dma_wait3A_308 = arith.constant 0 : i32
    %dma_wait3A_309 = tpu.memref_slice %arg4[%dma_wait3A_302, %dma_wait3A_307, %dma_wait3A_308] : memref<51200x8x128xf32, #tpu.memory_space<hbm>> -> memref<1x8x128xf32, #tpu.memory_space<hbm>>
    %dma_wait3A_310 = tpu.memref_squeeze %dma_wait3A_309 : memref<1x8x128xf32, #tpu.memory_space<hbm>> -> memref<8x128xf32, #tpu.memory_space<hbm>>
    %dma_wait3A_311 = arith.constant 0 : i32
    %dma_wait3A_312 = arith.constant 0 : i32
    %dma_wait3A_313 = tpu.memref_slice %arg4[%dma_wait3A_302, %dma_wait3A_311, %dma_wait3A_312] : memref<51200x8x128xf32, #tpu.memory_space<hbm>> -> memref<1x8x128xf32, #tpu.memory_space<hbm>>
    %dma_wait3A_314 = tpu.memref_squeeze %dma_wait3A_313 : memref<1x8x128xf32, #tpu.memory_space<hbm>> -> memref<8x128xf32, #tpu.memory_space<hbm>>
    %dma_wait3A_315 = arith.constant 0 : i32
    %dma_wait3A_316 = arith.constant 0 : i32
    %dma_wait3A_317 = tpu.memref_slice %arg10[%dma_wait3A_301, %dma_wait3A_315, %dma_wait3A_316] : memref<8x8x128xf32, #tpu.memory_space<vmem>> -> memref<1x8x128xf32, #tpu.memory_space<vmem>>
    %dma_wait3A_318 = tpu.memref_squeeze %dma_wait3A_317 : memref<1x8x128xf32, #tpu.memory_space<vmem>> -> memref<8x128xf32, #tpu.memory_space<vmem>>
    tpu.wait_dma2 semaphore(%arg16 : memref<!tpu.dma_semaphore, #tpu.memory_space<semaphore_mem>>) src(%dma_wait3A_318 : memref<8x128xf32, #tpu.memory_space<vmem>>) dst(%dma_wait3A_314 : memref<8x128xf32, #tpu.memory_space<hbm>>)
    %dma_wait3A_319 = arith.constant 7 : i32
    %dma_wait3A_320 = arith.constant 0 : i32
    %dma_wait3A_321 = arith.constant 0 : i32
    %dma_wait3A_322 = arith.constant 0 : i32
    %dma_wait3A_323 = tpu.memref_slice %arg10[%dma_wait3A_319, %dma_wait3A_321, %dma_wait3A_322] : memref<8x8x128xf32, #tpu.memory_space<vmem>> -> memref<1x8x128xf32, #tpu.memory_space<vmem>>
    %dma_wait3A_324 = tpu.memref_squeeze %dma_wait3A_323 : memref<1x8x128xf32, #tpu.memory_space<vmem>> -> memref<8x128xf32, #tpu.memory_space<vmem>>
    %dma_wait3A_325 = arith.constant 0 : i32
    %dma_wait3A_326 = arith.constant 0 : i32
    %dma_wait3A_327 = tpu.memref_slice %arg4[%dma_wait3A_320, %dma_wait3A_325, %dma_wait3A_326] : memref<51200x8x128xf32, #tpu.memory_space<hbm>> -> memref<1x8x128xf32, #tpu.memory_space<hbm>>
    %dma_wait3A_328 = tpu.memref_squeeze %dma_wait3A_327 : memref<1x8x128xf32, #tpu.memory_space<hbm>> -> memref<8x128xf32, #tpu.memory_space<hbm>>
    %dma_wait3A_329 = arith.constant 0 : i32
    %dma_wait3A_330 = arith.constant 0 : i32
    %dma_wait3A_331 = tpu.memref_slice %arg4[%dma_wait3A_320, %dma_wait3A_329, %dma_wait3A_330] : memref<51200x8x128xf32, #tpu.memory_space<hbm>> -> memref<1x8x128xf32, #tpu.memory_space<hbm>>
    %dma_wait3A_332 = tpu.memref_squeeze %dma_wait3A_331 : memref<1x8x128xf32, #tpu.memory_space<hbm>> -> memref<8x128xf32, #tpu.memory_space<hbm>>
    %dma_wait3A_333 = arith.constant 0 : i32
    %dma_wait3A_334 = arith.constant 0 : i32
    %dma_wait3A_335 = tpu.memref_slice %arg10[%dma_wait3A_319, %dma_wait3A_333, %dma_wait3A_334] : memref<8x8x128xf32, #tpu.memory_space<vmem>> -> memref<1x8x128xf32, #tpu.memory_space<vmem>>
    %dma_wait3A_336 = tpu.memref_squeeze %dma_wait3A_335 : memref<1x8x128xf32, #tpu.memory_space<vmem>> -> memref<8x128xf32, #tpu.memory_space<vmem>>
    tpu.wait_dma2 semaphore(%arg16 : memref<!tpu.dma_semaphore, #tpu.memory_space<semaphore_mem>>) src(%dma_wait3A_336 : memref<8x128xf32, #tpu.memory_space<vmem>>) dst(%dma_wait3A_332 : memref<8x128xf32, #tpu.memory_space<hbm>>)
    return
  }
}

</mosaic_0001>

<sc_bundles>
// kernel: kernel.3.cloned.1.call-start
scs
__scs_entry_jumppad:
0x0: {  	(pc) =	sbr.rel $0x88, $3  }
0x1: {  	(tag) =	ssettag $0x0;
	lr =	simm.s32 $0x1  }
0x2: {  	[smem:$0x3F9F] =	sst lr;
	_ =	strace $0xD0000000  }
0x3: {  	_ = 	snop  }
0x4: {  	_ = 	snop  }
0x5: {  	_ = 	snop  }
0x6: {  	_ = 	snop  }
0x7: {  	_ = 	snop  }
__scs_overlays_trampoline_lowered:
0x8: {  	[smem:$0x3FAE] =	sst s0  }
0x9: {  	[smem:$0x3FAF] =	sst s1  }
0xa: {  	[smem:$0x3FB0] =	sst s2  }
0xb: {  	[smem:$0x3FB1] =	sst s3  }
0xc: {  	[smem:$0x3FB2] =	sst s4  }
0xd: {  	[smem:$0x3FB3] =	sst s5  }
0xe: {  	[smem:$0x3FB4] =	sst s6  }
0xf: {  	[smem:$0x3FB5] =	sst s7  }
0x10: {  	[smem:$0x3FB6] =	sst s8  }
0x11: {  	[smem:$0x3FB7] =	sst s9;
	s0 =	simm.s32 @!p0 $0x0  }
0x12: {  	s1 =	sld [smem:$0x3F9D];
	s0 =	simm.s32 @p0 $0x1  }
0x13: {  	[smem:$0x3FB8] =	sst s0;
	s0 =	simm.s32 @!p1 $0x0  }
0x14: {  	s2 =	sld [smem:$0x3F9C];
	s0 =	simm.s32 @p1 $0x1  }
0x15: {  	[smem:$0x3FB9] =	sst s0;
	s0 =	simm.s32 @!p2 $0x0  }
0x16: {  	s3 =	sld [smem:$0x3FDB];
	s0 =	simm.s32 @p2 $0x1  }
0x17: {  	s4 =	simm.s32 $0x1BF5;
	[smem:$0x3FBB] =	sst s0  }
0x18: {  	s0 =	sld [smem:$0x3F9E];
	_ =	swait.ge [sflag:s4], $0x0  }
0x19: {  	s7 =	sld [smem:$0x3F9F]  }
0x1a: {  	s8 =	sadd.s32 $0xFFFFE003, lr  }
0x1b: {  	s9 =	sadd.s32 $0xFFFFFEF7, lr;
	s5 =	simm.s32 $0xFFFFFFFF;
	p2 =	slt.u32 s8, $0xFFFFF086  }
0x1c: {  	p1 =	slt.u32 s9, $0xF7A;
	s5 =	simm.s32 @!p2 $0x0  }
0x1d: {  	s5 =	simm.s32 @p1 $0x1;
	p0 =	seq.s32 s7, s2  }
0x1e: {  	s7 =	smul.u32 @!p0 $0xF7A, s2;
	p2 =	seq.s32 @!p0 s5, $0x0  }
0x1f: {  	s9 =	smul.u32 $0xF7A, s1;
	s8 =	simm.s32 @!p0 $0x1BF5;
	p2 =	por !p2, p0  }
0x20: {  	[sflag:s8] =	ssyncset.s32 @!p0 $0xFFFFF086;
	s6 =	sadd.s32 @!p0 s3, s7;
	s7 =	simm.s32 @!p0 $0x108  }
0x21: {  	s3 =	sadd.s32 s3, s9;
	s6 =	sadd.s32 @!p0 $0x88, s6;
	s7 =	simm.s32 @p2 $0x1082  }
0x22: {  	[simem:s7], [sflag:s8] =	dma.local @!p0 [hbm:s6], $0xF7A  }
0x23: {  	s9 =	sor.u32 $0xD0000000, s2;
	s6 =	simm.s32 $0x108;
	_ =	swait.ge @!p0 [sflag:s8], $0x0  }
0x24: {  	s3 =	sadd.s32 $0x88, s3;
	s6 =	simm.s32 @!p1 $0x1082;
	[sflag:s4] =	ssyncset.s32 $0xFFFFF086  }
0x25: {  	[simem:s6], [sflag:s4] =	dma.local [hbm:s3], $0xF7A  }
0x26: {  	[smem:$0x3F9F] =	sst s1;
	(tag) =	ssettag s2;
	_ =	strace s9  }
0x27: {  	s1 =	sld [smem:$0x3FAF]  }
0x28: {  	s2 =	sld [smem:$0x3FB0]  }
0x29: {  	s4 =	sld [smem:$0x3FB2]  }
0x2a: {  	p0 =	seq.s32 s5, $0x0;
	s5 =	sld [smem:$0x3FB3]  }
0x2b: {  	s6 =	sld [smem:$0x3FB4]  }
0x2c: {  	s7 =	sld [smem:$0x3FB5]  }
0x2d: {  	s3 =	simm.s32 $0x108;
	s8 =	sld [smem:$0x3FB6]  }
0x2e: {  	s3 =	simm.s32 @!p0 $0x1082;
	s9 =	sld [smem:$0x3FB7]  }
0x2f: {  	lr =	sadd.s32 s0, s3;
	s0 =	sld [smem:$0x3FAE]  }
0x30: {  	s3 =	sld [smem:$0x3FB1]  }
0x31: {  	[smem:$0x3FBA] =	sst s10  }
0x32: {  	s10 =	sld [smem:$0x3FB8];
	_ =	sdelay $0x3  }
0x33: {  	p0 =	seq.s32 s10, $0x1;
	s10 =	sld [smem:$0x3FBA];
	_ =	sdelay $0x3  }
0x34: {  	[smem:$0x3FBA] =	sst s10  }
0x35: {  	s10 =	sld [smem:$0x3FB9];
	_ =	sdelay $0x3  }
0x36: {  	p1 =	seq.s32 s10, $0x1;
	s10 =	sld [smem:$0x3FBA];
	_ =	sdelay $0x3  }
0x37: {  	[smem:$0x3FBA] =	sst s10  }
0x38: {  	s10 =	sld [smem:$0x3FBB]  }
0x39: {  	_ = 	snop;
	(pc) =	sbr.ind lr, $3  }
0x3a: {  	_ = 	snop  }
0x3b: {  	_ = 	snop  }
0x3c: {  	p2 =	seq.s32 s10, $0x1;
	s10 =	sld [smem:$0x3FBA]  }
0x3d: {  	_ =	shalt  }
0x3e: {  	_ =	shalt  }
0x3f: {  	_ =	shalt  }
0x40: {  	_ =	shalt  }
0x41: {  	_ =	shalt  }
0x42: {  	_ =	shalt  }
0x43: {  	_ =	shalt  }
0x44: {  	_ =	shalt  }
0x45: {  	_ =	shalt  }
0x46: {  	_ =	shalt  }
0x47: {  	_ =	shalt  }
0x48: {  	_ =	shalt  }
0x49: {  	_ =	shalt  }
0x4a: {  	_ =	shalt  }
0x4b: {  	_ =	shalt  }
0x4c: {  	_ =	shalt  }
0x4d: {  	_ =	shalt  }
0x4e: {  	_ =	shalt  }
0x4f: {  	_ =	shalt  }
0x50: {  	_ =	shalt  }
0x51: {  	_ =	shalt  }
0x52: {  	_ =	shalt  }
0x53: {  	_ =	shalt  }
0x54: {  	_ =	shalt  }
0x55: {  	_ =	shalt  }
0x56: {  	_ =	shalt  }
0x57: {  	_ =	shalt  }
0x58: {  	_ =	shalt  }
0x59: {  	_ =	shalt  }
0x5a: {  	_ =	shalt  }
0x5b: {  	_ =	shalt  }
0x5c: {  	_ =	shalt  }
0x5d: {  	_ =	shalt  }
0x5e: {  	_ =	shalt  }
0x5f: {  	_ =	shalt  }
0x60: {  	_ =	shalt  }
0x61: {  	_ =	shalt  }
0x62: {  	_ =	shalt  }
0x63: {  	_ =	shalt  }
0x64: {  	_ =	shalt  }
0x65: {  	_ =	shalt  }
0x66: {  	_ =	shalt  }
0x67: {  	_ =	shalt  }
0x68: {  	_ =	shalt  }
0x69: {  	_ =	shalt  }
0x6a: {  	_ =	shalt  }
0x6b: {  	_ =	shalt  }
0x6c: {  	_ =	shalt  }
0x6d: {  	_ =	shalt  }
0x6e: {  	_ =	shalt  }
0x6f: {  	_ =	shalt  }
0x70: {  	_ =	shalt  }
0x71: {  	_ =	shalt  }
0x72: {  	_ =	shalt  }
0x73: {  	_ =	shalt  }
0x74: {  	_ =	shalt  }
0x75: {  	_ =	shalt  }
0x76: {  	_ =	shalt  }
0x77: {  	_ =	shalt  }
0x78: {  	_ =	shalt  }
0x79: {  	_ =	shalt  }
0x7a: {  	_ =	shalt  }
0x7b: {  	_ =	shalt  }
0x7c: {  	_ =	shalt  }
0x7d: {  	_ =	shalt  }
0x7e: {  	_ =	shalt  }
0x7f: {  	_ =	shalt  }
0x80: {  	_ =	shalt  }
0x81: {  	_ =	shalt  }
0x82: {  	_ =	shalt  }
0x83: {  	_ =	shalt  }
0x84: {  	_ =	shalt  }
0x85: {  	_ =	shalt  }
0x86: {  	_ =	shalt  }
0x87: {  	_ =	shalt  }
.Lfunc_end0:
.L_simem_size_0:
called_computation_lowered:
.L_overlay_start_0:
0x88: {  	s2 =	sld [smem:$0x3FD9]  }
0x89: {  	s3 =	sld [smem:$0x3FFE];
	_ =	sdelay $0x1  }
0x8a: {  	s1 =	srdreg.scid  }
0x8b: {  	s0 =	sand.u32 $0x1, s1  }
0x8c: {  	s17 =	sshll.u32 s0, $0xA;
	s2 =	sadd.s32 s3, s2  }
0x8d: {  	s2 =	sadd.s32 s2, s17  }
0x8e: {  	[smem:$0x3FC6] =	sst s2  }
0x8f: {  	_ = 	snop  }
0x90: {  	s2 =	sld [smem:$0x3FD0];
	(tm) =	ssettm $0x1  }
0x91: {  	s18 =	sld [smem:$0x3FFB];
	_ =	sdelay $0x3  }
0x92: {  	_ =	strace s18  }
0x93: {  	s3 =	sld [smem:$0x3FFC];
	_ =	sdelay $0x3  }
0x94: {  	_ =	strace s3  }
0x95: {  	s3 =	sld [smem:$0x3FFD];
	_ =	sdelay $0x3  }
0x96: {  	_ =	strace s3  }
0x97: {  	_ =	strace $0x8FFFFFFF  }
0x98: {  	s19 =	sld [smem:$0x3FDB];
	_ =	sdelay $0x1  }
0x99: {  	s4 =	simm.s32 $_scs_section_size  }
0x9a: {  	s5 =	simm.s32 $_size__tile_overlayer_lowered;
	s6 =	simm.s32 $_tile_overlayer_lowered  }
0x9b: {  	s22 =	simm.s32 $0x1BFF;
	s21 =	sshll.u32 s6, $0x1;
	s3 =	sadd.s32 s4, s19  }
0x9c: {  	s7 =	simm.s32 $0x0;
	s20 =	sshll.u32 s5, $0x1;
	s5 =	sadd.s32 s21, s3  }
0x9d: {  	[timem:s7], [sflag:s22] =	dma.local [hbm:s5], s20  }
0x9e: {  	_ =	swait.ge [sflag:s22], s20  }
0x9f: {  	s4 =	ssub.s32 $0x0, s20;
	[sflag:s22] =	ssyncset.done $0x0  }
0xa0: {  	[sflag:s22] =	ssyncadd.s32 s4;
	_ =	sdelay $0x1  }
0xa1: {  	s23 =	simm.s32 $0x1B8B  }
0xa2: {  	_ =	swait.ge [sflag:s23], $0x1  }
0xa3: {  	[sflag:s23] =	ssyncset.done $0x0  }
0xa4: {  	s25 =	simm.s32 $0x1B8E;
	s24 =	sld [smem:$0x3FFE];
	[sflag:s23] =	ssyncadd.s32 $0xFFFFFFFF  }
0xa5: {  	s26 =	simm.s32 $execute0_lowered;
	[smem:$0x3FD2] =	sst s25  }
0xa6: {  	s5 =	sshll.u32 s26, $0x1;
	_ =	strace $0x80000046;
	[dreg:$0x1] =	wrdreg $0xFFFFFFFF  }
0xa7: {  	s28 =	simm.s32 $_size_execute0_lowered;
	s3 =	sadd.s32 s3, s5;
	[dreg:$0x0] =	wrdreg $0x0  }
0xa8: {  	s5 =	sshll.u32 s28, $0x1;
	[dreg:$0x2] =	wrdreg s3  }
0xa9: {  	[dreg:$0x3] =	wrdreg s5  }
0xaa: {  	[dreg:$0x4] =	wrdreg $0xC0  }
0xab: {  	_ =	task [dreg:s7], $0x5FFFF  }
0xac: {  	[dreg:$0x1] =	wrdreg $0xFFFFFFFF  }
0xad: {  	[dreg:$0x0] =	wrdreg $0x60  }
0xae: {  	[dreg:$0x2] =	wrdreg s24  }
0xaf: {  	[dreg:$0x3] =	wrdreg s2  }
0xb0: {  	[dreg:$0x4] =	wrdreg $0x9  }
0xb1: {  	_ =	task.clear_ibuf [dreg:s7], $0x5FFFF;
	_ =	strace $0x90000046  }
0xb2: {  	s29 =	simm.s32 $0x9;
	_ =	strace $0x80000048  }
0xb3: {  	_ =	swait.ge [sflag:s29], $0x1  }
0xb4: {  	[sflag:s29] =	ssyncadd.s32 $0xFFFFFFFF  }
0xb5: {  	_ =	strace $0x90000048  }
0xb6: {  	_ =	sfence  }
0xb7: {  	s30 =	sld [smem:$0x0];
	_ =	sdelay $0x2  }
0xb8: {  	s31 =	sshll.u32 s1, $0xD;
	s1 =	sshrl.u32 s1, $0x2  }
0xb9: {  	s3 =	sand.u32 $0x4000, s31;
	s1 =	sadd.s32 s1, s30  }
0xba: {  	s0 =	sor.u32 s3, s0;
	s1 =	sshll.u32 s1, $0x11  }
0xbb: {  	s0 =	sor.u32 s1, s0  }
0xbc: {  	s0 =	sadd.s32 $0x8F2B, s0  }
0xbd: {  	[sflag:s0] =	ssyncadd.remote.s32 $0x1  }
0xbe: {  	_ =	sfence.sel $0xFFFF  }
0xbf: {  	[dreg:$0x0] =	wrdreg $0xFFFFFFFF;
	(pc) =	sbr.abs _section_cstart, $3  }
0xc0: {  	[dreg:$0x1] =	wrdreg $0xFFFFFFFF  }
0xc1: {  	_ =	task.clear_ibuf [dreg:s7], $0x2FFFF;
	_ =	strace $0x9FFFFFFF  }
0xc2: {  	(tm) =	ssettm $0x7FFFFFFF  }
0xc3: {  	_ =	shalt  }
tec
execute0_lowered:
.L_overlay_start_1:
0x0: {  	(tag) =	ssettag $0x1  }
0x1: {  	s0 =	rddreg [dreg:$0x0]  }
0x2: {  	s1 =	rddreg [dreg:$0x1];
	s3 =	simm.s32 $0x0;
	s2 =	srdreg.scid  }
0x3: {  	s4 =	stileid.u32;
	s15 =	simm.s32 $0x80;
	s17 =	simm.s32 $0x100  }
0x4: {  	s18 =	simm.s32 $0x3;
	s19 =	simm.s32 $0x2;
	s20 =	simm.s32 $0x2100  }
0x5: {  	s21 =	simm.s32 $0x4100;
	s30 =	simm.s32 $0x4;
	s31 =	simm.s32 $0x6100  }
0x6: {  	s22 =	simm.s32 $0x7D00;
	s23 =	simm.s32 $0x5;
	s24 =	simm.s32 $0x6  }
0x7: {  	[smem:$0x7FF] =	sst s3;
	s2 =	sand.u32 $0x1, s2;
	s5 =	sshll.u32 s4, $0x1  }
0x8: {  	v0 =	vlaneseq.u32;
	s4 =	sadd.s32 $0x600, s0;
	s10 =	sadd.s32 $0x4000, s1;
	s11 =	sadd.s32 $0x8000, s1  }
0x9: {  	s12 =	sadd.s32 $0xC000, s1;
	v1 =	vmul.u32 $0x40, v0;
	s6 =	ssub.s32 $0x2, s2;
	s2 =	sor.u32 s2, s5  }
0xa: {  	v3 =	vor.u32 $0x10, v0;
	v5 =	vor.u32 $0x20, v0;
	_ =	strace $0x80000047;
	s5 =	sadd.s32 $0xF42A00, s0;
	s7 =	sshll.u32 s2, $0x6  }
0xb: {  	v7 =	vor.u32 $0x30, v0;
	v9 =	vor.u32 $0x40, v0;
	v11 =	vor.u32 $0x50, v0;
	s29 =	sshrl.u32 s6, $0x1;
	s9 =	sshll.u32 s2, $0x2;
	s7 =	sadd.s32 s4, s7  }
0xc: {  	v13 =	vor.u32 $0x60, v0;
	v15 =	vor.u32 $0x70, v0;
	v2 =	vor.u32 $0x400, v1;
	s0 =	ssub.s32 s6, s29;
	[dreg:$0x3] =	wrdreg s7;
	s7 =	sadd.s32 $0x10, s7  }
0xd: {  	v4 =	vor.u32 $0x800, v1;
	v6 =	vor.u32 $0xC00, v1;
	v8 =	vor.u32 $0x1000, v1;
	s6 =	sshll.u32 s2, $0x9;
	s0 =	smax.u32 s0, $0x1;
	[dreg:$0x4] =	wrdreg s7  }
0xe: {  	v10 =	vor.u32 $0x1400, v1;
	v12 =	vor.u32 $0x1800, v1;
	v14 =	vor.u32 $0x1C00, v1;
	s13 =	sor.u32 $0x1, s9;
	s2 =	simm.s32 $0x0;
	[dreg:$0x5] =	wrdreg s0  }
.LBB2_1:
0xf: {  	[dreg:$0x6] =	wrdreg s2  }
0x10: {  	s0 =	rddreg [dreg:$0x3]  }
0x11: {  	[tilespmem:s3], [sflag:$0x1] =	stream.linear.gather [hbm4b:s0+s3], $0x80, $0x38;
	[tilespmem:$0x8100] =	vst v63  }
0x12: {  	s28 =	rddreg [dreg:$0x4];
	s29 =	simm.s32 $0x1  }
0x13: {  	[tilespmem:s15], [sflag:$0x2] =	stream.linear.gather [hbm4b:s28+s3], $0x80, $0x38;
	[tilespmem:$0x8100] =	vst v63  }
0x14: {  	_ =	swait.ge [sflag:s29], $0x80  }
0x15: {  	[sflag:s29] =	ssyncset.done $0x0  }
0x16: {  	s25 =	simm.s32 $0x0;
	[sflag:s29] =	ssyncadd.s32 $0xFFFFFF80  }
0x17: {  	[tilespmem:s17], [sflag:$0x3] =	stream.indirect.gather [hbm4b:s5+s15], $0x40, s3, s15, $0xb8;
	[tilespmem:$0x8100] =	vst v63  }
.LBB2_2:
0x18: {  	_ =	swait.ge [sflag:s18], $0x2000;
	s28 =	sshll.u32 s25, $0x1;
	p0 =	seq.s32 s25, $0x63  }
0x19: {  	[sflag:s18] =	ssyncset.done $0x0;
	s0 =	sadd.s32 @!p0 $0x2, s28;
	p1 =	seq.s32 @!p0 s25, $0x0  }
0x1a: {  	[sflag:s18] =	ssyncadd.s32 $0xFFFFE000;
	s2 =	sshll.u32 @!p0 s0, $0x7;
	s0 =	sshll.u32 @!p0 s0, $0xC  }
0x1b: {  	_ =	swait.ge [sflag:s19], $0x80;
	s2 =	sand.u32 @!p0 $0x100, s2;
	s0 =	sand.u32 @!p0 $0x1FC000, s0  }
0x1c: {  	p1 =	por p0, !p1;
	[sflag:s19] =	ssyncset.done $0x0;
	s0 =	sor.u32 @!p0 s0, s2  }
.Ltmp0:
0x1d: {  	[sflag:s19] =	ssyncadd.s32 $0xFFFFFF80;
	s0 =	sor.u32 @!p0 s6, s0;
	(pc) =	sbr.rel @!p1 .LBB2_3-.Ltmp0, $4  }
0x1e: {  	[tilespmem:s20], [sflag:$0x4] =	stream.indirect.gather [hbm4b:s5+s15], $0x40, s15, s15, $0xb8;
	[tilespmem:$0x8100] =	vst v63  }
0x1f: {  	s0 =	sshrl.u32 @!p0 s0, $0x3  }
0x20: {  	s2 =	simm.s32 @!p0 $0x0;
	s0 =	sadd.s32 @!p0 s4, s0  }
0x21: {  	[tilespmem:s2], [sflag:$0x1] =	stream.linear.gather @!p0 [hbm4b:s0+s2], $0x80, $0x38;
	[tilespmem:$0x8100] =	vst v63  }
0x22: {  	_ =	swait.ge [sflag:s23], $0x400  }
0x23: {  	[sflag:s23] =	ssyncset.done $0x0  }
0x24: {  	[sflag:s23] =	ssyncadd.s32 $0xFFFFFC00  }
0x25: {  	_ =	swait.ge [sflag:s23], $0x400  }
0x26: {  	[sflag:s23] =	ssyncset.done $0x0  }
0x27: {  	[sflag:s23] =	ssyncadd.s32 $0xFFFFFC00  }
0x28: {  	_ =	swait.ge [sflag:s23], $0x400  }
0x29: {  	[sflag:s23] =	ssyncset.done $0x0  }
0x2a: {  	[sflag:s23] =	ssyncadd.s32 $0xFFFFFC00  }
0x2b: {  	_ =	swait.ge [sflag:s23], $0x400  }
0x2c: {  	[sflag:s23] =	ssyncset.done $0x0  }
0x2d: {  	[sflag:s23] =	ssyncadd.s32 $0xFFFFFC00  }
0x2e: {  	_ =	swait.ge [sflag:s23], $0x400  }
0x2f: {  	[sflag:s23] =	ssyncset.done $0x0  }
0x30: {  	[sflag:s23] =	ssyncadd.s32 $0xFFFFFC00  }
0x31: {  	_ =	swait.ge [sflag:s23], $0x400  }
0x32: {  	[sflag:s23] =	ssyncset.done $0x0  }
0x33: {  	[sflag:s23] =	ssyncadd.s32 $0xFFFFFC00  }
0x34: {  	_ =	swait.ge [sflag:s23], $0x400  }
.Ltmp1:
0x35: {  	[sflag:s23] =	ssyncset.done $0x0;
	(pc) =	sbr.rel .LBB2_5-.Ltmp1, $4  }
0x36: {  	[sflag:s23] =	ssyncadd.s32 $0xFFFFFC00  }
0x37: {  	_ =	swait.ge [sflag:s23], $0x400  }
0x38: {  	[sflag:s23] =	ssyncset.done $0x0  }
0x39: {  	p1 =	por $0x0, $0x0;
	[sflag:s23] =	ssyncadd.s32 $0xFFFFFC00  }
.LBB2_3:
0x3a: {  	p1 =	por @!p0 $0x1, $0x1  }
.LBB2_5:
0x3b: {  	s0 =	simm.s32 $0x0  }
0x3c: {  	s7 =	simm.s32 $0x3;
	v16 =	vadd.s32 s0, v0  }
0x3d: {  	s8 =	simm.s32 $0x2;
	v17 =	vadd.s32 s7, v0;
	v31 =	vand.u32 $0x3F, v16  }
0x3e: {  	s2 =	simm.s32 $0x1;
	v19 =	vadd.s32 s8, v0;
	v32 =	vand.u32 $0x3F, v17;
	v18 =	vor.u32 v1, v31  }
0x3f: {  	v22 =	vadd.s32 s2, v0;
	v37 =	vand.u32 $0x3F, v19;
	v21 =	vor.u32 v1, v32  }
0x40: {  	v33 =	vand.u32 $0x3F, v22;
	v23 =	vor.u32 v1, v37  }
0x41: {  	v16 =	vshll.u32 v16, $0x7;
	v24 =	vor.u32 v1, v33  }
0x42: {  	v17 =	vshll.u32 v17, $0x7;
	v22 =	vshll.u32 v22, $0x7;
	v20 =	vand.u32 $0x1F80, v16  }
0x43: {  	v36 =	vand.u32 $0x1F80, v17;
	v16 =	vor.u32 v0, v20;
	v17 =	vld.idx.msk [tilespmem:v18+s17+$0x0], $0xffff;
	v18 =	vshll.u32 v19, $0x7  }
0x44: {  	v25 =	vor.u32 v2, v31;
	v19 =	vor.u32 v0, v36;
	v21 =	vld.idx.msk [tilespmem:v21+s17+$0x0], $0xffff;
	v35 =	vand.u32 $0x1F80, v18  }
0x45: {  	v34 =	vand.u32 $0x1F80, v22;
	v23 =	vld.idx.msk [tilespmem:v23+s17+$0x0], $0xffff;
	v18 =	vor.u32 v2, v32;
	v22 =	vor.u32 v0, v35  }
0x46: {  	v26 =	vor.u32 v2, v37;
	v27 =	vor.u32 v0, v34;
	v24 =	vld.idx.msk [tilespmem:v24+s17+$0x0], $0xffff  }
0x47: {  	v28 =	vor.u32 v2, v33  }
0x48: {  	[tilespmem:v16+s21+$0x0] =	vst.idx.msk $0xffff, v17  }
0x49: {  	[tilespmem:v19+s21+$0x0] =	vst.idx.msk $0xffff, v21;
	v17 =	vor.u32 v3, v20;
	v16 =	vld.idx.msk [tilespmem:v25+s17+$0x0], $0xffff  }
0x4a: {  	v19 =	vor.u32 v4, v31;
	v21 =	vor.u32 v3, v36;
	v18 =	vld.idx.msk [tilespmem:v18+s17+$0x0], $0xffff;
	[tilespmem:v22+s21+$0x0] =	vst.idx.msk $0xffff, v23  }
0x4b: {  	[tilespmem:v27+s21+$0x0] =	vst.idx.msk $0xffff, v24;
	v24 =	vor.u32 v3, v35;
	v22 =	vor.u32 v4, v32;
	v23 =	vld.idx.msk [tilespmem:v26+s17+$0x0], $0xffff  }
0x4c: {  	v25 =	vld.idx.msk [tilespmem:v28+s17+$0x0], $0xffff;
	v28 =	vor.u32 v4, v37  }
0x4d: {  	v26 =	vor.u32 v3, v34  }
0x4e: {  	s14 =	simm.s32 $0x5;
	[tilespmem:v17+s21+$0x0] =	vst.idx.msk $0xffff, v16;
	v16 =	vor.u32 v4, v33  }
0x4f: {  	v44 =	vadd.s32 s14, v0;
	[tilespmem:v21+s21+$0x0] =	vst.idx.msk $0xffff, v18;
	v18 =	vor.u32 v5, v20;
	v17 =	vld.idx.msk [tilespmem:v19+s17+$0x0], $0xffff  }
0x50: {  	v21 =	vor.u32 v6, v31;
	v19 =	vld.idx.msk [tilespmem:v22+s17+$0x0], $0xffff;
	v22 =	vor.u32 v5, v36;
	[tilespmem:v24+s21+$0x0] =	vst.idx.msk $0xffff, v23  }
0x51: {  	s16 =	simm.s32 $0x4;
	v29 =	vor.u32 v6, v32;
	v38 =	vor.u32 v10, v31;
	v24 =	vor.u32 v5, v35;
	v23 =	vld.idx.msk [tilespmem:v28+s17+$0x0], $0xffff  }
0x52: {  	v45 =	vadd.s32 s16, v0;
	v39 =	vor.u32 v10, v37;
	[tilespmem:v26+s21+$0x0] =	vst.idx.msk $0xffff, v25;
	v26 =	vor.u32 v6, v37  }
0x53: {  	s26 =	simm.s32 $0x6;
	v41 =	vor.u32 v8, v33;
	v42 =	vor.u32 v8, v37;
	v25 =	vor.u32 v5, v34;
	v16 =	vld.idx.msk [tilespmem:v16+s17+$0x0], $0xffff  }
0x54: {  	v47 =	vadd.s32 s26, v0;
	v50 =	vor.u32 v10, v32;
	[tilespmem:v18+s21+$0x0] =	vst.idx.msk $0xffff, v17;
	v17 =	vor.u32 v6, v33  }
0x55: {  	v61 =	vor.u32 v12, v32;
	[tilespmem:v22+s21+$0x0] =	vst.idx.msk $0xffff, v19;
	v19 =	vor.u32 v7, v20;
	v18 =	vld.idx.msk [tilespmem:v21+s17+$0x0], $0xffff  }
0x56: {  	v30 =	vor.u32 v7, v36;
	v21 =	vld.idx.msk [tilespmem:v29+s17+$0x0], $0xffff;
	v29 =	vor.u32 v8, v31;
	[tilespmem:v24+s21+$0x0] =	vst.idx.msk $0xffff, v23  }
0x57: {  	v56 =	vor.u32 v12, v33;
	v23 =	vor.u32 v8, v32;
	v24 =	vld.idx.msk [tilespmem:v26+s17+$0x0], $0xffff;
	v26 =	vor.u32 v7, v35  }
0x58: {  	v40 =	vor.u32 v9, v34;
	v43 =	vor.u32 v7, v34;
	[tilespmem:v25+s21+$0x0] =	vst.idx.msk $0xffff, v16;
	v16 =	vand.u32 $0x3F, v45  }
0x59: {  	v46 =	vor.u32 v9, v20;
	v60 =	vor.u32 v11, v36;
	v17 =	vld.idx.msk [tilespmem:v17+s17+$0x0], $0xffff;
	v49 =	vor.u32 v1, v16  }
0x5a: {  	v57 =	vor.u32 v9, v35;
	v22 =	vand.u32 $0x3F, v44;
	v25 =	vor.u32 v9, v36;
	[tilespmem:v19+s21+$0x0] =	vst.idx.msk $0xffff, v18  }
0x5b: {  	s29 =	simm.s32 $0x7;
	[tilespmem:v30+s21+$0x0] =	vst.idx.msk $0xffff, v21;
	v21 =	vor.u32 v1, v22;
	v18 =	vand.u32 $0x3F, v47;
	v29 =	vld.idx.msk [tilespmem:v29+s17+$0x0], $0xffff  }
0x5c: {  	v58 =	vshll.u32 v47, $0x7;
	v19 =	vadd.s32 s29, v0;
	v48 =	vld.idx.msk [tilespmem:v23+s17+$0x0], $0xffff;
	v51 =	vor.u32 v1, v18;
	[tilespmem:v26+s21+$0x0] =	vst.idx.msk $0xffff, v24  }
0x5d: {  	v27 =	vor.u32 v15, v36;
	v28 =	vor.u32 v10, v33;
	v23 =	vand.u32 $0x3F, v19;
	v42 =	vld.idx.msk [tilespmem:v42+s17+$0x0], $0xffff  }
0x5e: {  	v24 =	vshll.u32 v19, $0x7;
	v19 =	vshll.u32 v44, $0x7;
	v26 =	vor.u32 v1, v23;
	[tilespmem:v43+s21+$0x0] =	vst.idx.msk $0xffff, v17;
	v62 =	vld.idx.msk [tilespmem:v49+s17+$0x0], $0xffff  }
0x5f: {  	v33 =	vor.u32 v14, v33;
	v19 =	vand.u32 $0x1F80, v19;
	v17 =	vshll.u32 v45, $0x7;
	v41 =	vld.idx.msk [tilespmem:v41+s17+$0x0], $0xffff  }
0x60: {  	v55 =	vor.u32 v2, v22;
	v53 =	vor.u32 v0, v19;
	v17 =	vand.u32 $0x1F80, v17;
	v45 =	vld.idx.msk [tilespmem:v21+s17+$0x0], $0xffff  }
0x61: {  	v21 =	vand.u32 $0x1F80, v58;
	v59 =	vor.u32 v0, v17;
	[tilespmem:v25+s21+$0x0] =	vst.idx.msk $0xffff, v48;
	v51 =	vld.idx.msk [tilespmem:v51+s17+$0x0], $0xffff  }
0x62: {  	v24 =	vand.u32 $0x1F80, v24;
	[tilespmem:v46+s21+$0x0] =	vst.idx.msk $0xffff, v29;
	v47 =	vor.u32 v0, v21;
	v50 =	vld.idx.msk [tilespmem:v50+s17+$0x0], $0xffff  }
0x63: {  	v49 =	vor.u32 v2, v16;
	v48 =	vor.u32 v0, v24;
	v54 =	vld.idx.msk [tilespmem:v26+s17+$0x0], $0xffff;
	[tilespmem:v57+s21+$0x0] =	vst.idx.msk $0xffff, v42  }
0x64: {  	v52 =	vor.u32 v2, v18;
	v30 =	vor.u32 v6, v23;
	v44 =	vld.idx.msk [tilespmem:v38+s17+$0x0], $0xffff;
	[tilespmem:v40+s21+$0x0] =	vst.idx.msk $0xffff, v41  }
0x65: {  	v63 =	vor.u32 v2, v23;
	v58 =	vor.u32 v4, v23;
	v39 =	vld.idx.msk [tilespmem:v39+s17+$0x0], $0xffff;
	[tilespmem:v53+s21+$0x0] =	vst.idx.msk $0xffff, v45  }
0x66: {  	v25 =	vor.u32 v15, v24;
	v41 =	vld.idx.msk [tilespmem:v28+s17+$0x0], $0xffff;
	[tilespmem:v59+s21+$0x0] =	vst.idx.msk $0xffff, v62;
	v62 =	vor.u32 v11, v34  }
0x67: {  	v29 =	vor.u32 v14, v31;
	v45 =	vor.u32 v11, v20;
	v38 =	vld.idx.msk [tilespmem:v55+s17+$0x0], $0xffff;
	[tilespmem:v47+s21+$0x0] =	vst.idx.msk $0xffff, v51  }
0x68: {  	v53 =	vor.u32 v11, v35;
	v49 =	vld.idx.msk [tilespmem:v49+s17+$0x0], $0xffff;
	[tilespmem:v48+s21+$0x0] =	vst.idx.msk $0xffff, v54;
	v48 =	vor.u32 v12, v31  }
0x69: {  	v43 =	vor.u32 v5, v17;
	v55 =	vor.u32 v3, v17;
	v54 =	vor.u32 v12, v37;
	v52 =	vld.idx.msk [tilespmem:v52+s17+$0x0], $0xffff  }
0x6a: {  	v40 =	vor.u32 v4, v16;
	[tilespmem:v60+s21+$0x0] =	vst.idx.msk $0xffff, v50;
	v50 =	vor.u32 v3, v24;
	v57 =	vld.idx.msk [tilespmem:v63+s17+$0x0], $0xffff  }
0x6b: {  	v59 =	vor.u32 v13, v36;
	v47 =	vor.u32 v3, v19;
	v51 =	vld.idx.msk [tilespmem:v61+s17+$0x0], $0xffff;
	[tilespmem:v62+s21+$0x0] =	vst.idx.msk $0xffff, v41  }
0x6c: {  	v60 =	vor.u32 v3, v21;
	v63 =	vor.u32 v14, v32;
	[tilespmem:v45+s21+$0x0] =	vst.idx.msk $0xffff, v44;
	v36 =	vld.idx.msk [tilespmem:v56+s17+$0x0], $0xffff  }
0x6d: {  	v31 =	vor.u32 v14, v37;
	v45 =	vor.u32 v4, v18;
	[tilespmem:v53+s21+$0x0] =	vst.idx.msk $0xffff, v39;
	v32 =	vld.idx.msk [tilespmem:v48+s17+$0x0], $0xffff  }
0x6e: {  	v41 =	vor.u32 v13, v34;
	[tilespmem:v55+s21+$0x0] =	vst.idx.msk $0xffff, v49;
	v48 =	vor.u32 v4, v22;
	v37 =	vld.idx.msk [tilespmem:v54+s17+$0x0], $0xffff  }
0x6f: {  	v26 =	vor.u32 v15, v20;
	v42 =	vld.idx.msk [tilespmem:v40+s17+$0x0], $0xffff;
	[tilespmem:v50+s21+$0x0] =	vst.idx.msk $0xffff, v57;
	v40 =	vor.u32 v13, v35  }
0x70: {  	v28 =	vor.u32 v15, v35;
	v44 =	vor.u32 v6, v16;
	[tilespmem:v59+s21+$0x0] =	vst.idx.msk $0xffff, v51;
	v46 =	vld.idx.msk [tilespmem:v58+s17+$0x0], $0xffff  }
0x71: {  	s0 =	simm.s32 $0x8;
	v34 =	vor.u32 v15, v34;
	[tilespmem:v60+s21+$0x0] =	vst.idx.msk $0xffff, v52;
	v49 =	vor.u32 v5, v24;
	v39 =	vld.idx.msk [tilespmem:v63+s17+$0x0], $0xffff  }
.LBB2_6:
0x72: {  	p2 =	slt.u32 s0, $0x3C;
	v35 =	vor.u32 v10, v16;
	[tilespmem:v47+s21+$0x0] =	vst.idx.msk $0xffff, v38;
	v38 =	vld.idx.msk [tilespmem:v45+s17+$0x0], $0xffff;
	v20 =	vor.u32 v13, v20;
	s2 =	smov.u32 s0;
	s0 =	sadd.s32 $0x4, s0  }
0x73: {  	v47 =	vor.u32 v10, v22;
	v45 =	vld.idx.msk [tilespmem:v48+s17+$0x0], $0xffff;
	v48 =	vor.u32 v5, v21;
	[tilespmem:v41+s21+$0x0] =	vst.idx.msk $0xffff, v36  }
0x74: {  	v36 =	vor.u32 v5, v19;
	v41 =	vor.u32 v6, v18;
	v50 =	vld.idx.msk [tilespmem:v33+s17+$0x0], $0xffff;
	[tilespmem:v40+s21+$0x0] =	vst.idx.msk $0xffff, v37  }
0x75: {  	v37 =	vor.u32 v6, v22;
	v40 =	vor.u32 v10, v18;
	[tilespmem:v43+s21+$0x0] =	vst.idx.msk $0xffff, v42;
	v31 =	vld.idx.msk [tilespmem:v31+s17+$0x0], $0xffff  }
0x76: {  	v43 =	vor.u32 v9, v19;
	v42 =	vld.idx.msk [tilespmem:v44+s17+$0x0], $0xffff;
	[tilespmem:v49+s21+$0x0] =	vst.idx.msk $0xffff, v46;
	v44 =	vor.u32 v10, v23  }
0x77: {  	v46 =	vor.u32 v7, v17;
	v49 =	vor.u32 v8, v22;
	v30 =	vld.idx.msk [tilespmem:v30+s17+$0x0], $0xffff;
	[tilespmem:v27+s21+$0x0] =	vst.idx.msk $0xffff, v39  }
0x78: {  	v33 =	vmov v22;
	v27 =	vor.u32 v8, v16;
	[tilespmem:v48+s21+$0x0] =	vst.idx.msk $0xffff, v38;
	v38 =	vor.u32 v7, v24  }
0x79: {  	v39 =	vor.u32 v8, v23;
	[tilespmem:v36+s21+$0x0] =	vst.idx.msk $0xffff, v45;
	v36 =	vld.idx.msk [tilespmem:v41+s17+$0x0], $0xffff;
	v41 =	vor.u32 v9, v24  }
0x7a: {  	v48 =	vor.u32 v8, v18;
	v45 =	vor.u32 v7, v21;
	v37 =	vld.idx.msk [tilespmem:v37+s17+$0x0], $0xffff;
	[tilespmem:v34+s21+$0x0] =	vst.idx.msk $0xffff, v50  }
0x7b: {  	v51 =	vor.u32 v7, v19;
	s26 =	sadd.s32 $0x1, s2;
	s29 =	sadd.s32 $0x2, s2;
	v34 =	vadd.s32 s2, v0;
	s2 =	sadd.s32 $0x3, s2;
	v50 =	vor.u32 v9, v17;
	[tilespmem:v20+s21+$0x0] =	vst.idx.msk $0xffff, v32  }
0x7c: {  	v20 =	vadd.s32 s26, v0;
	v32 =	vadd.s32 s29, v0;
	v52 =	vadd.s32 s2, v0;
	[tilespmem:v46+s21+$0x0] =	vst.idx.msk $0xffff, v42;
	v42 =	vmovc v18;
	v46 =	vmovc v16  }
0x7d: {  	v55 =	vmovc v23;
	v22 =	vand.u32 $0x3F, v20;
	v18 =	vand.u32 $0x3F, v32;
	v53 =	vshll.u32 v52, $0x7;
	v54 =	vld.idx.msk [tilespmem:v27+s17+$0x0], $0xffff;
	[tilespmem:v38+s21+$0x0] =	vst.idx.msk $0xffff, v30  }
0x7e: {  	v57 =	vmovc v19;
	v16 =	vand.u32 $0x3F, v34;
	v38 =	vor.u32 v1, v22;
	v56 =	vor.u32 v1, v18;
	v39 =	vld.idx.msk [tilespmem:v39+s17+$0x0], $0xffff  }
0x7f: {  	v19 =	vshll.u32 v20, $0x7;
	v23 =	vand.u32 $0x3F, v52;
	v58 =	vor.u32 v1, v16;
	[tilespmem:v45+s21+$0x0] =	vst.idx.msk $0xffff, v36;
	v29 =	vld.idx.msk [tilespmem:v29+s17+$0x0], $0xffff  }
0x80: {  	v19 =	vand.u32 $0x1F80, v19;
	v36 =	vor.u32 v1, v23;
	[tilespmem:v51+s21+$0x0] =	vst.idx.msk $0xffff, v37;
	v37 =	vmovc v24;
	v24 =	vand.u32 $0x1F80, v53  }
0x81: {  	v30 =	vor.u32 v6, v23;
	v20 =	vmov v17;
	v45 =	vshll.u32 v34, $0x7;
	v34 =	vld.idx.msk [tilespmem:v48+s17+$0x0], $0xffff;
	[tilespmem:v28+s21+$0x0] =	vst.idx.msk $0xffff, v31  }
0x82: {  	v27 =	vmovc v25;
	v17 =	vand.u32 $0x1F80, v45;
	v28 =	vshll.u32 v32, $0x7;
	v32 =	vor.u32 v9, v21;
	v31 =	vld.idx.msk [tilespmem:v49+s17+$0x0], $0xffff;
	v49 =	vmovc v21  }
0x83: {  	v45 =	vor.u32 v0, v17;
	v21 =	vand.u32 $0x1F80, v28;
	v38 =	vld.idx.msk [tilespmem:v38+s17+$0x0], $0xffff;
	[tilespmem:v50+s21+$0x0] =	vst.idx.msk $0xffff, v54  }
0x84: {  	v51 =	vor.u32 v0, v24;
	v50 =	vor.u32 v0, v21;
	v48 =	vld.idx.msk [tilespmem:v58+s17+$0x0], $0xffff;
	[tilespmem:v41+s21+$0x0] =	vst.idx.msk $0xffff, v39  }
0x85: {  	v39 =	vor.u32 v2, v16;
	v41 =	vor.u32 v2, v18;
	v44 =	vld.idx.msk [tilespmem:v44+s17+$0x0], $0xffff;
	[tilespmem:v26+s21+$0x0] =	vst.idx.msk $0xffff, v29  }
0x86: {  	v52 =	vor.u32 v0, v19;
	v25 =	vor.u32 v15, v24;
	v36 =	vld.idx.msk [tilespmem:v36+s17+$0x0], $0xffff  }
0x87: {  	v53 =	vor.u32 v2, v22;
	v29 =	vor.u32 v14, v46;
	v54 =	vld.idx.msk [tilespmem:v56+s17+$0x0], $0xffff;
	[tilespmem:v32+s21+$0x0] =	vst.idx.msk $0xffff, v34  }
0x88: {  	v32 =	vor.u32 v2, v23;
	[tilespmem:v43+s21+$0x0] =	vst.idx.msk $0xffff, v31;
	v34 =	vld.idx.msk [tilespmem:v40+s17+$0x0], $0xffff;
	v40 =	vor.u32 v11, v37  }
0x89: {  	v28 =	vor.u32 v15, v49;
	v26 =	vor.u32 v15, v20;
	v43 =	vld.idx.msk [tilespmem:v47+s17+$0x0], $0xffff;
	v47 =	vor.u32 v12, v55  }
0x8a: {  	[tilespmem:v45+s21+$0x0] =	vst.idx.msk $0xffff, v48;
	v35 =	vld.idx.msk [tilespmem:v35+s17+$0x0], $0xffff;
	v45 =	vor.u32 v11, v57;
	v48 =	vor.u32 v12, v33  }
0x8b: {  	v56 =	vor.u32 v11, v49;
	v39 =	vld.idx.msk [tilespmem:v39+s17+$0x0], $0xffff;
	[tilespmem:v52+s21+$0x0] =	vst.idx.msk $0xffff, v38;
	v52 =	vor.u32 v11, v20  }
0x8c: {  	v46 =	vor.u32 v12, v46;
	v38 =	vld.idx.msk [tilespmem:v53+s17+$0x0], $0xffff;
	[tilespmem:v51+s21+$0x0] =	vst.idx.msk $0xffff, v36;
	v51 =	vor.u32 v12, v42  }
0x8d: {  	v31 =	vor.u32 v14, v42;
	v53 =	vor.u32 v3, v17;
	v58 =	vld.idx.msk [tilespmem:v32+s17+$0x0], $0xffff;
	[tilespmem:v40+s21+$0x0] =	vst.idx.msk $0xffff, v44  }
0x8e: {  	v40 =	vor.u32 v4, v16;
	v44 =	vor.u32 v3, v24;
	[tilespmem:v50+s21+$0x0] =	vst.idx.msk $0xffff, v54;
	v50 =	vld.idx.msk [tilespmem:v47+s17+$0x0], $0xffff  }
0x8f: {  	v59 =	vor.u32 v4, v23;
	v60 =	vor.u32 v13, v37;
	v54 =	vld.idx.msk [tilespmem:v41+s17+$0x0], $0xffff;
	[tilespmem:v45+s21+$0x0] =	vst.idx.msk $0xffff, v43  }
0x90: {  	v61 =	vor.u32 v3, v21;
	[tilespmem:v52+s21+$0x0] =	vst.idx.msk $0xffff, v35;
	v36 =	vld.idx.msk [tilespmem:v48+s17+$0x0], $0xffff;
	v35 =	vor.u32 v14, v55  }
.Ltmp2:
0x91: {  	v47 =	vor.u32 v3, v19;
	v45 =	vor.u32 v4, v18;
	v32 =	vld.idx.msk [tilespmem:v46+s17+$0x0], $0xffff;
	[tilespmem:v56+s21+$0x0] =	vst.idx.msk $0xffff, v34;
	(pc) =	sbr.rel @p2 .LBB2_6-.Ltmp2, $4  }
0x92: {  	v41 =	vor.u32 v13, v57;
	v48 =	vor.u32 v4, v22;
	[tilespmem:v53+s21+$0x0] =	vst.idx.msk $0xffff, v39;
	v37 =	vld.idx.msk [tilespmem:v51+s17+$0x0], $0xffff  }
0x93: {  	v33 =	vor.u32 v14, v33;
	v42 =	vld.idx.msk [tilespmem:v40+s17+$0x0], $0xffff;
	[tilespmem:v44+s21+$0x0] =	vst.idx.msk $0xffff, v58;
	v40 =	vor.u32 v13, v49  }
0x94: {  	v43 =	vor.u32 v5, v17;
	v34 =	vor.u32 v15, v57;
	v46 =	vld.idx.msk [tilespmem:v59+s17+$0x0], $0xffff;
	[tilespmem:v60+s21+$0x0] =	vst.idx.msk $0xffff, v50  }
0x95: {  	v44 =	vor.u32 v6, v16;
	v49 =	vor.u32 v5, v24;
	[tilespmem:v61+s21+$0x0] =	vst.idx.msk $0xffff, v54;
	v39 =	vld.idx.msk [tilespmem:v35+s17+$0x0], $0xffff  }
0x96: {  	_ =	sdelay $0x3  }
0x97: {  	[tilespmem:v47+s21+$0x0] =	vst.idx.msk $0xffff, v38;
	v45 =	vld.idx.msk [tilespmem:v45+s17+$0x0], $0xffff;
	v52 =	vor.u32 v5, v21  }
0x98: {  	v63 =	vor.u32 v5, v19;
	v50 =	vor.u32 v6, v18;
	v35 =	vld.idx.msk [tilespmem:v48+s17+$0x0], $0xffff  }
0x99: {  	v53 =	vor.u32 v6, v22;
	_ =	sdelay $0x1  }
0x9a: {  	[tilespmem:v49+s21+$0x0] =	vst.idx.msk $0xffff, v46  }
0x9b: {  	v54 =	vor.u32 v7, v24;
	v30 =	vld.idx.msk [tilespmem:v30+s17+$0x0], $0xffff;
	[tilespmem:v52+s21+$0x0] =	vst.idx.msk $0xffff, v45  }
0x9c: {  	v55 =	vor.u32 v8, v23;
	v59 =	vor.u32 v7, v21;
	[tilespmem:v63+s21+$0x0] =	vst.idx.msk $0xffff, v35;
	v58 =	vld.idx.msk [tilespmem:v50+s17+$0x0], $0xffff  }
0x9d: {  	v56 =	vor.u32 v7, v19;
	v61 =	vor.u32 v8, v18;
	[tilespmem:v43+s21+$0x0] =	vst.idx.msk $0xffff, v42;
	v38 =	vld.idx.msk [tilespmem:v53+s17+$0x0], $0xffff  }
0x9e: {  	v57 =	vor.u32 v8, v22;
	v60 =	vor.u32 v7, v17;
	v44 =	vld.idx.msk [tilespmem:v44+s17+$0x0], $0xffff  }
0x9f: {  	v62 =	vor.u32 v8, v16  }
0xa0: {  	[tilespmem:v54+s21+$0x0] =	vst.idx.msk $0xffff, v30  }
0xa1: {  	v30 =	vor.u32 v9, v24;
	v35 =	vld.idx.msk [tilespmem:v55+s17+$0x0], $0xffff;
	[tilespmem:v59+s21+$0x0] =	vst.idx.msk $0xffff, v58  }
0xa2: {  	v52 =	vor.u32 v10, v23;
	v55 =	vor.u32 v9, v21;
	[tilespmem:v56+s21+$0x0] =	vst.idx.msk $0xffff, v38;
	v54 =	vld.idx.msk [tilespmem:v61+s17+$0x0], $0xffff  }
0xa3: {  	v63 =	vor.u32 v9, v19;
	[tilespmem:v60+s21+$0x0] =	vst.idx.msk $0xffff, v44;
	v56 =	vor.u32 v10, v18;
	v42 =	vld.idx.msk [tilespmem:v57+s17+$0x0], $0xffff  }
0xa4: {  	v53 =	vor.u32 v10, v22;
	v58 =	vld.idx.msk [tilespmem:v62+s17+$0x0], $0xffff;
	v57 =	vor.u32 v9, v17  }
0xa5: {  	[tilespmem:v41+s21+$0x0] =	vst.idx.msk $0xffff, v36;
	v59 =	vor.u32 v10, v16  }
0xa6: {  	[tilespmem:v30+s21+$0x0] =	vst.idx.msk $0xffff, v35  }
0xa7: {  	v60 =	vor.u32 v11, v24;
	v30 =	vld.idx.msk [tilespmem:v52+s17+$0x0], $0xffff;
	[tilespmem:v55+s21+$0x0] =	vst.idx.msk $0xffff, v54  }
0xa8: {  	v49 =	vor.u32 v11, v21;
	v61 =	vor.u32 v12, v23;
	[tilespmem:v63+s21+$0x0] =	vst.idx.msk $0xffff, v42;
	v63 =	vld.idx.msk [tilespmem:v56+s17+$0x0], $0xffff  }
0xa9: {  	v51 =	vor.u32 v12, v18;
	v62 =	vor.u32 v11, v19;
	[tilespmem:v57+s21+$0x0] =	vst.idx.msk $0xffff, v58;
	v38 =	vld.idx.msk [tilespmem:v53+s17+$0x0], $0xffff  }
0xaa: {  	v48 =	vor.u32 v12, v22;
	[tilespmem:v40+s21+$0x0] =	vst.idx.msk $0xffff, v37;
	v50 =	vor.u32 v11, v17;
	v36 =	vld.idx.msk [tilespmem:v59+s17+$0x0], $0xffff  }
0xab: {  	v20 =	vor.u32 v13, v20;
	[tilespmem:v27+s21+$0x0] =	vst.idx.msk $0xffff, v39;
	v27 =	vor.u32 v12, v16  }
0xac: {  	v33 =	vld.idx.msk [tilespmem:v33+s17+$0x0], $0xffff;
	[tilespmem:v60+s21+$0x0] =	vst.idx.msk $0xffff, v30  }
0xad: {  	v24 =	vor.u32 v13, v24;
	v30 =	vld.idx.msk [tilespmem:v61+s17+$0x0], $0xffff;
	[tilespmem:v49+s21+$0x0] =	vst.idx.msk $0xffff, v63  }
0xae: {  	v23 =	vor.u32 v14, v23;
	v55 =	vor.u32 v13, v21;
	[tilespmem:v62+s21+$0x0] =	vst.idx.msk $0xffff, v38;
	v54 =	vld.idx.msk [tilespmem:v51+s17+$0x0], $0xffff  }
0xaf: {  	v18 =	vor.u32 v14, v18;
	v53 =	vor.u32 v13, v19;
	[tilespmem:v50+s21+$0x0] =	vst.idx.msk $0xffff, v36;
	v52 =	vld.idx.msk [tilespmem:v48+s17+$0x0], $0xffff  }
0xb0: {  	[tilespmem:v20+s21+$0x0] =	vst.idx.msk $0xffff, v32;
	v22 =	vor.u32 v14, v22;
	v56 =	vor.u32 v13, v17;
	v27 =	vld.idx.msk [tilespmem:v27+s17+$0x0], $0xffff  }
0xb1: {  	v31 =	vld.idx.msk [tilespmem:v31+s17+$0x0], $0xffff;
	[tilespmem:v34+s21+$0x0] =	vst.idx.msk $0xffff, v33;
	v16 =	vor.u32 v14, v16  }
0xb2: {  	v20 =	vld.idx.msk [tilespmem:v29+s17+$0x0], $0xffff;
	[tilespmem:v24+s21+$0x0] =	vst.idx.msk $0xffff, v30  }
0xb3: {  	v23 =	vld.idx.msk [tilespmem:v23+s17+$0x0], $0xffff;
	[tilespmem:v55+s21+$0x0] =	vst.idx.msk $0xffff, v54  }
0xb4: {  	v21 =	vor.u32 v15, v21;
	[tilespmem:v53+s21+$0x0] =	vst.idx.msk $0xffff, v52;
	v18 =	vld.idx.msk [tilespmem:v18+s17+$0x0], $0xffff  }
0xb5: {  	v19 =	vor.u32 v15, v19;
	[tilespmem:v56+s21+$0x0] =	vst.idx.msk $0xffff, v27;
	v22 =	vld.idx.msk [tilespmem:v22+s17+$0x0], $0xffff  }
0xb6: {  	[tilespmem:v28+s21+$0x0] =	vst.idx.msk $0xffff, v31;
	v17 =	vor.u32 v15, v17;
	v16 =	vld.idx.msk [tilespmem:v16+s17+$0x0], $0xffff  }
0xb7: {  	[tilespmem:v26+s21+$0x0] =	vst.idx.msk $0xffff, v20  }
0xb8: {  	s0 =	sand.u32 $0x2, s28;
	s26 =	sshll.u32 s25, $0x10;
	[tilespmem:v25+s21+$0x0] =	vst.idx.msk $0xffff, v23  }
0xb9: {  	s2 =	sor.u32 s9, s0;
	s29 =	sand.u32 $0x7E0000, s26;
	[tilespmem:v21+s21+$0x0] =	vst.idx.msk $0xffff, v18  }
0xba: {  	s8 =	sshll.u32 s2, $0x7;
	s2 =	sadd.s32 s1, s29;
	[tilespmem:v19+s21+$0x0] =	vst.idx.msk $0xffff, v22  }
0xbb: {  	s14 =	sadd.s32 s8, s2;
	s8 =	sand.u32 $0x3F00, s8;
	[tilespmem:v17+s21+$0x0] =	vst.idx.msk $0xffff, v16  }
0xbc: {  	[hbm4b:s14+s3] =	stream.linear.scatter [tilespmem:s21], [sflag:$0x5], $0x400, $0x38;
	[tilespmem:$0x8100] =	vst v63  }
0xbd: {  	s14 =	sor.u32 s8, s29  }
0xbe: {  	s16 =	simm.s32 $0x4500;
	s7 =	sadd.s32 s14, s10  }
0xbf: {  	[hbm4b:s7+s3] =	stream.linear.scatter [tilespmem:s16], [sflag:$0x5], $0x400, $0x38;
	[tilespmem:$0x8100] =	vst v63  }
0xc0: {  	s7 =	sadd.s32 s14, s11;
	s16 =	simm.s32 $0x4900  }
0xc1: {  	[hbm4b:s7+s3] =	stream.linear.scatter [tilespmem:s16], [sflag:$0x5], $0x400, $0x38;
	[tilespmem:$0x8100] =	vst v63  }
0xc2: {  	s7 =	sor.u32 s8, s26  }
0xc3: {  	s14 =	sadd.s32 s14, s12;
	s16 =	simm.s32 $0x4D00;
	s8 =	sor.u32 $0x10000, s7  }
0xc4: {  	[hbm4b:s14+s3] =	stream.linear.scatter [tilespmem:s16], [sflag:$0x5], $0x400, $0x38;
	[tilespmem:$0x8100] =	vst v63  }
0xc5: {  	s8 =	sadd.s32 s1, s8;
	s16 =	simm.s32 $0x5100;
	s14 =	sor.u32 $0x14000, s7  }
0xc6: {  	[hbm4b:s8+s3] =	stream.linear.scatter [tilespmem:s16], [sflag:$0x5], $0x400, $0x38;
	[tilespmem:$0x8100] =	vst v63  }
0xc7: {  	s8 =	sadd.s32 s1, s14;
	s16 =	simm.s32 $0x5500;
	s14 =	sor.u32 $0x18000, s7  }
0xc8: {  	[hbm4b:s8+s3] =	stream.linear.scatter [tilespmem:s16], [sflag:$0x5], $0x400, $0x38;
	[tilespmem:$0x8100] =	vst v63  }
0xc9: {  	s7 =	sor.u32 $0x1C000, s7;
	s8 =	sadd.s32 s1, s14;
	s16 =	simm.s32 $0x5900  }
0xca: {  	[hbm4b:s8+s3] =	stream.linear.scatter [tilespmem:s16], [sflag:$0x5], $0x400, $0x38;
	[tilespmem:$0x8100] =	vst v63  }
0xcb: {  	s7 =	sadd.s32 s1, s7;
	s14 =	simm.s32 $0x5D00  }
0xcc: {  	[hbm4b:s7+s3] =	stream.linear.scatter [tilespmem:s14], [sflag:$0x5], $0x400, $0x38;
	[tilespmem:$0x8100] =	vst v63  }
0xcd: {  	_ =	swait.ge [sflag:s30], $0x2000  }
0xce: {  	[sflag:s30] =	ssyncset.done $0x0  }
0xcf: {  	s7 =	simm.s32 @!p0 $0x1;
	[sflag:s30] =	ssyncadd.s32 $0xFFFFE000  }
0xd0: {  	_ =	swait.ge @!p0 [sflag:s7], $0x80  }
0xd1: {  	s8 =	simm.s32 @!p0 $0x0;
	[sflag:s7] =	ssyncset.done @!p0 $0x0  }
0xd2: {  	s14 =	simm.s32 @!p0 $0x100;
	[sflag:s7] =	ssyncadd.s32 @!p0 $0xFFFFFF80;
	s7 =	simm.s32 @!p0 $0x80  }
0xd3: {  	[tilespmem:s14], [sflag:$0x3] =	stream.indirect.gather @!p0 [hbm4b:s5+s7], $0x40, s8, s7, $0xb8;
	[tilespmem:$0x8100] =	vst v63  }
0xd4: {  	s14 =	sadd.s32 @!p0 $0x3, s28  }
0xd5: {  	s28 =	sshll.u32 @!p0 s14, $0x7;
	s14 =	sshll.u32 @!p0 s14, $0xC  }
0xd6: {  	s28 =	sand.u32 @!p0 $0x180, s28;
	s14 =	sand.u32 @!p0 $0x1FC000, s14  }
0xd7: {  	s14 =	sor.u32 @!p0 s14, s28  }
0xd8: {  	s14 =	sor.u32 @!p0 s6, s14  }
0xd9: {  	s14 =	sshrl.u32 @!p0 s14, $0x3  }
0xda: {  	s14 =	sadd.s32 @!p0 s4, s14  }
0xdb: {  	[tilespmem:s7], [sflag:$0x2] =	stream.linear.gather @!p0 [hbm4b:s14+s8], $0x80, $0x38;
	[tilespmem:$0x8100] =	vst v63  }
0xdc: {  	p0 =	por p0, !p1  }
0xdd: {  	_ =	swait.ge @p0 [sflag:s24], $0x400  }
0xde: {  	[sflag:s24] =	ssyncset.done @p0 $0x0  }
0xdf: {  	[sflag:s24] =	ssyncadd.s32 @p0 $0xFFFFFC00  }
0xe0: {  	_ =	swait.ge @p0 [sflag:s24], $0x400  }
0xe1: {  	[sflag:s24] =	ssyncset.done @p0 $0x0  }
0xe2: {  	[sflag:s24] =	ssyncadd.s32 @p0 $0xFFFFFC00  }
0xe3: {  	_ =	swait.ge @p0 [sflag:s24], $0x400  }
0xe4: {  	[sflag:s24] =	ssyncset.done @p0 $0x0  }
0xe5: {  	[sflag:s24] =	ssyncadd.s32 @p0 $0xFFFFFC00  }
0xe6: {  	_ =	swait.ge @p0 [sflag:s24], $0x400  }
0xe7: {  	[sflag:s24] =	ssyncset.done @p0 $0x0  }
0xe8: {  	[sflag:s24] =	ssyncadd.s32 @p0 $0xFFFFFC00  }
0xe9: {  	_ =	swait.ge @p0 [sflag:s24], $0x400  }
0xea: {  	[sflag:s24] =	ssyncset.done @p0 $0x0  }
0xeb: {  	[sflag:s24] =	ssyncadd.s32 @p0 $0xFFFFFC00  }
0xec: {  	_ =	swait.ge @p0 [sflag:s24], $0x400  }
0xed: {  	s16 =	simm.s32 $0x0;
	[sflag:s24] =	ssyncset.done @p0 $0x0  }
0xee: {  	v16 =	vadd.s32 s16, v0;
	s8 =	simm.s32 $0x3;
	[sflag:s24] =	ssyncadd.s32 @p0 $0xFFFFFC00  }
0xef: {  	v31 =	vand.u32 $0x3F, v16;
	v17 =	vadd.s32 s8, v0;
	_ =	swait.ge @p0 [sflag:s24], $0x400  }
0xf0: {  	v18 =	vor.u32 v1, v31;
	s14 =	simm.s32 $0x2;
	v32 =	vand.u32 $0x3F, v17;
	[sflag:s24] =	ssyncset.done @p0 $0x0  }
0xf1: {  	s16 =	simm.s32 $0x1;
	v19 =	vadd.s32 s14, v0;
	v21 =	vor.u32 v1, v32;
	[sflag:s24] =	ssyncadd.s32 @p0 $0xFFFFFC00  }
0xf2: {  	v22 =	vadd.s32 s16, v0;
	v37 =	vand.u32 $0x3F, v19;
	_ =	swait.ge @p0 [sflag:s24], $0x400  }
0xf3: {  	v16 =	vshll.u32 v16, $0x7;
	v33 =	vand.u32 $0x3F, v22;
	v23 =	vor.u32 v1, v37;
	[sflag:s24] =	ssyncset.done @p0 $0x0  }
0xf4: {  	v20 =	vand.u32 $0x1F80, v16;
	v24 =	vor.u32 v1, v33;
	v17 =	vshll.u32 v17, $0x7;
	[sflag:s24] =	ssyncadd.s32 @p0 $0xFFFFFC00  }
0xf5: {  	v16 =	vor.u32 v0, v20;
	v36 =	vand.u32 $0x1F80, v17;
	v17 =	vld.idx.msk [tilespmem:v18+s20+$0x0], $0xffff  }
0xf6: {  	v25 =	vor.u32 v2, v31;
	v18 =	vshll.u32 v19, $0x7;
	v19 =	vor.u32 v0, v36;
	v21 =	vld.idx.msk [tilespmem:v21+s20+$0x0], $0xffff  }
0xf7: {  	v22 =	vshll.u32 v22, $0x7;
	v35 =	vand.u32 $0x1F80, v18;
	v18 =	vor.u32 v2, v32  }
0xf8: {  	v34 =	vand.u32 $0x1F80, v22;
	v23 =	vld.idx.msk [tilespmem:v23+s20+$0x0], $0xffff;
	v22 =	vor.u32 v0, v35  }
0xf9: {  	v27 =	vor.u32 v0, v34;
	v26 =	vor.u32 v2, v37;
	v24 =	vld.idx.msk [tilespmem:v24+s20+$0x0], $0xffff  }
0xfa: {  	v28 =	vor.u32 v2, v33;
	[tilespmem:v16+s31+$0x0] =	vst.idx.msk $0xffff, v17  }
0xfb: {  	[tilespmem:v19+s31+$0x0] =	vst.idx.msk $0xffff, v21;
	v17 =	vor.u32 v3, v20;
	v16 =	vld.idx.msk [tilespmem:v25+s20+$0x0], $0xffff  }
0xfc: {  	v19 =	vor.u32 v4, v31;
	v21 =	vor.u32 v3, v36;
	v18 =	vld.idx.msk [tilespmem:v18+s20+$0x0], $0xffff  }
0xfd: {  	[tilespmem:v22+s31+$0x0] =	vst.idx.msk $0xffff, v23;
	v22 =	vor.u32 v4, v32  }
0xfe: {  	[tilespmem:v27+s31+$0x0] =	vst.idx.msk $0xffff, v24;
	v24 =	vor.u32 v3, v35;
	v23 =	vld.idx.msk [tilespmem:v26+s20+$0x0], $0xffff  }
0xff: {  	v25 =	vld.idx.msk [tilespmem:v28+s20+$0x0], $0xffff;
	v28 =	vor.u32 v4, v37;
	v26 =	vor.u32 v3, v34  }
0x100: {  	[tilespmem:v17+s31+$0x0] =	vst.idx.msk $0xffff, v16;
	v16 =	vor.u32 v4, v33  }
0x101: {  	[tilespmem:v21+s31+$0x0] =	vst.idx.msk $0xffff, v18;
	v18 =	vor.u32 v5, v20;
	v17 =	vld.idx.msk [tilespmem:v19+s20+$0x0], $0xffff  }
0x102: {  	v21 =	vor.u32 v6, v31;
	v19 =	vld.idx.msk [tilespmem:v22+s20+$0x0], $0xffff;
	v22 =	vor.u32 v5, v36  }
0x103: {  	v29 =	vor.u32 v6, v32;
	[tilespmem:v24+s31+$0x0] =	vst.idx.msk $0xffff, v23  }
0x104: {  	v38 =	vor.u32 v10, v31;
	[tilespmem:v26+s31+$0x0] =	vst.idx.msk $0xffff, v25;
	v24 =	vor.u32 v5, v35;
	v23 =	vld.idx.msk [tilespmem:v28+s20+$0x0], $0xffff  }
0x105: {  	s16 =	simm.s32 $0x4;
	v57 =	vor.u32 v8, v33;
	v25 =	vor.u32 v5, v34;
	v26 =	vor.u32 v6, v37;
	v16 =	vld.idx.msk [tilespmem:v16+s20+$0x0], $0xffff  }
0x106: {  	v61 =	vadd.s32 s16, v0;
	v62 =	vor.u32 v9, v20;
	[tilespmem:v18+s31+$0x0] =	vst.idx.msk $0xffff, v17;
	v17 =	vor.u32 v6, v33  }
0x107: {  	v40 =	vor.u32 v9, v34;
	[tilespmem:v22+s31+$0x0] =	vst.idx.msk $0xffff, v19;
	v19 =	vor.u32 v7, v20;
	v18 =	vld.idx.msk [tilespmem:v21+s20+$0x0], $0xffff  }
0x108: {  	v59 =	vor.u32 v7, v34;
	s14 =	simm.s32 $0x5;
	v39 =	vor.u32 v10, v37;
	v30 =	vor.u32 v7, v36;
	v21 =	vld.idx.msk [tilespmem:v29+s20+$0x0], $0xffff  }
0x109: {  	v60 =	vadd.s32 s14, v0;
	v58 =	vor.u32 v8, v37;
	v29 =	vor.u32 v8, v31;
	[tilespmem:v24+s31+$0x0] =	vst.idx.msk $0xffff, v23  }
0x10a: {  	v23 =	vor.u32 v8, v32;
	v24 =	vld.idx.msk [tilespmem:v26+s20+$0x0], $0xffff;
	v26 =	vor.u32 v7, v35;
	[tilespmem:v25+s31+$0x0] =	vst.idx.msk $0xffff, v16  }
0x10b: {  	v56 =	vor.u32 v10, v32;
	v27 =	vor.u32 v15, v36;
	v28 =	vor.u32 v10, v33;
	v17 =	vld.idx.msk [tilespmem:v17+s20+$0x0], $0xffff  }
0x10c: {  	s14 =	simm.s32 $0x6;
	v22 =	vand.u32 $0x3F, v60;
	v25 =	vor.u32 v9, v36;
	v16 =	vand.u32 $0x3F, v61;
	[tilespmem:v19+s31+$0x0] =	vst.idx.msk $0xffff, v18  }
0x10d: {  	s16 =	simm.s32 $0x7;
	v63 =	vadd.s32 s14, v0;
	v55 =	vor.u32 v1, v16;
	[tilespmem:v30+s31+$0x0] =	vst.idx.msk $0xffff, v21;
	v21 =	vor.u32 v1, v22  }
0x10e: {  	v49 =	vor.u32 v2, v16;
	v19 =	vadd.s32 s16, v0;
	v18 =	vand.u32 $0x3F, v63;
	v29 =	vld.idx.msk [tilespmem:v29+s20+$0x0], $0xffff  }
0x10f: {  	v54 =	vld.idx.msk [tilespmem:v23+s20+$0x0], $0xffff;
	v51 =	vor.u32 v1, v18;
	v23 =	vand.u32 $0x3F, v19;
	[tilespmem:v26+s31+$0x0] =	vst.idx.msk $0xffff, v24  }
0x110: {  	v52 =	vor.u32 v2, v18;
	v24 =	vshll.u32 v19, $0x7;
	v19 =	vshll.u32 v60, $0x7;
	v42 =	vld.idx.msk [tilespmem:v58+s20+$0x0], $0xffff;
	[tilespmem:v59+s31+$0x0] =	vst.idx.msk $0xffff, v17  }
0x111: {  	v26 =	vor.u32 v1, v23;
	v30 =	vor.u32 v6, v23;
	v41 =	vld.idx.msk [tilespmem:v57+s20+$0x0], $0xffff;
	v57 =	vor.u32 v9, v35  }
0x112: {  	v60 =	vor.u32 v11, v36;
	v19 =	vand.u32 $0x1F80, v19;
	v17 =	vshll.u32 v61, $0x7;
	v45 =	vld.idx.msk [tilespmem:v21+s20+$0x0], $0xffff  }
0x113: {  	v58 =	vshll.u32 v63, $0x7;
	v53 =	vor.u32 v0, v19;
	v17 =	vand.u32 $0x1F80, v17;
	[tilespmem:v62+s31+$0x0] =	vst.idx.msk $0xffff, v29;
	v62 =	vld.idx.msk [tilespmem:v55+s20+$0x0], $0xffff  }
0x114: {  	v21 =	vand.u32 $0x1F80, v58;
	v59 =	vor.u32 v0, v17;
	[tilespmem:v25+s31+$0x0] =	vst.idx.msk $0xffff, v54;
	v51 =	vld.idx.msk [tilespmem:v51+s20+$0x0], $0xffff  }
0x115: {  	v24 =	vand.u32 $0x1F80, v24;
	v47 =	vor.u32 v0, v21;
	v55 =	vor.u32 v2, v22;
	v50 =	vld.idx.msk [tilespmem:v56+s20+$0x0], $0xffff  }
0x116: {  	v63 =	vor.u32 v2, v23;
	v48 =	vor.u32 v0, v24;
	v54 =	vld.idx.msk [tilespmem:v26+s20+$0x0], $0xffff;
	[tilespmem:v57+s31+$0x0] =	vst.idx.msk $0xffff, v42  }
0x117: {  	v61 =	vor.u32 v12, v32;
	v58 =	vor.u32 v4, v23;
	v44 =	vld.idx.msk [tilespmem:v38+s20+$0x0], $0xffff;
	[tilespmem:v40+s31+$0x0] =	vst.idx.msk $0xffff, v41  }
0x118: {  	v25 =	vor.u32 v15, v24;
	v29 =	vor.u32 v14, v31;
	[tilespmem:v53+s31+$0x0] =	vst.idx.msk $0xffff, v45;
	v39 =	vld.idx.msk [tilespmem:v39+s20+$0x0], $0xffff  }
0x119: {  	v43 =	vor.u32 v5, v17;
	v41 =	vld.idx.msk [tilespmem:v28+s20+$0x0], $0xffff;
	[tilespmem:v59+s31+$0x0] =	vst.idx.msk $0xffff, v62;
	v62 =	vor.u32 v11, v34  }
0x11a: {  	v56 =	vor.u32 v12, v33;
	v45 =	vor.u32 v11, v20;
	v38 =	vld.idx.msk [tilespmem:v55+s20+$0x0], $0xffff;
	[tilespmem:v47+s31+$0x0] =	vst.idx.msk $0xffff, v51  }
0x11b: {  	v53 =	vor.u32 v11, v35;
	v49 =	vld.idx.msk [tilespmem:v49+s20+$0x0], $0xffff;
	[tilespmem:v48+s31+$0x0] =	vst.idx.msk $0xffff, v54;
	v48 =	vor.u32 v12, v31  }
0x11c: {  	v26 =	vor.u32 v15, v20;
	v55 =	vor.u32 v3, v17;
	v54 =	vor.u32 v12, v37;
	v52 =	vld.idx.msk [tilespmem:v52+s20+$0x0], $0xffff  }
0x11d: {  	v40 =	vor.u32 v4, v16;
	[tilespmem:v60+s31+$0x0] =	vst.idx.msk $0xffff, v50;
	v50 =	vor.u32 v3, v24;
	v57 =	vld.idx.msk [tilespmem:v63+s20+$0x0], $0xffff  }
0x11e: {  	v59 =	vor.u32 v13, v36;
	v47 =	vor.u32 v3, v19;
	v51 =	vld.idx.msk [tilespmem:v61+s20+$0x0], $0xffff;
	[tilespmem:v62+s31+$0x0] =	vst.idx.msk $0xffff, v41  }
0x11f: {  	v60 =	vor.u32 v3, v21;
	v63 =	vor.u32 v14, v32;
	[tilespmem:v45+s31+$0x0] =	vst.idx.msk $0xffff, v44;
	v36 =	vld.idx.msk [tilespmem:v56+s20+$0x0], $0xffff  }
0x120: {  	v31 =	vor.u32 v14, v37;
	v45 =	vor.u32 v4, v18;
	[tilespmem:v53+s31+$0x0] =	vst.idx.msk $0xffff, v39;
	v32 =	vld.idx.msk [tilespmem:v48+s20+$0x0], $0xffff  }
0x121: {  	v41 =	vor.u32 v13, v34;
	[tilespmem:v55+s31+$0x0] =	vst.idx.msk $0xffff, v49;
	v48 =	vor.u32 v4, v22;
	v37 =	vld.idx.msk [tilespmem:v54+s20+$0x0], $0xffff  }
0x122: {  	v33 =	vor.u32 v14, v33;
	v42 =	vld.idx.msk [tilespmem:v40+s20+$0x0], $0xffff;
	[tilespmem:v50+s31+$0x0] =	vst.idx.msk $0xffff, v57;
	v40 =	vor.u32 v13, v35  }
0x123: {  	v28 =	vor.u32 v15, v35;
	v44 =	vor.u32 v6, v16;
	[tilespmem:v59+s31+$0x0] =	vst.idx.msk $0xffff, v51;
	v46 =	vld.idx.msk [tilespmem:v58+s20+$0x0], $0xffff  }
0x124: {  	s28 =	simm.s32 $0x8;
	v34 =	vor.u32 v15, v34;
	[tilespmem:v60+s31+$0x0] =	vst.idx.msk $0xffff, v52;
	v49 =	vor.u32 v5, v24;
	v39 =	vld.idx.msk [tilespmem:v63+s20+$0x0], $0xffff  }
.LBB2_8:
0x125: {  	p0 =	slt.u32 s28, $0x3C;
	v35 =	vor.u32 v10, v16;
	[tilespmem:v47+s31+$0x0] =	vst.idx.msk $0xffff, v38;
	v38 =	vld.idx.msk [tilespmem:v45+s20+$0x0], $0xffff;
	v20 =	vor.u32 v13, v20;
	s7 =	smov.u32 s28;
	s28 =	sadd.s32 $0x4, s28  }
0x126: {  	v47 =	vor.u32 v10, v22;
	v45 =	vld.idx.msk [tilespmem:v48+s20+$0x0], $0xffff;
	v48 =	vor.u32 v5, v21;
	[tilespmem:v41+s31+$0x0] =	vst.idx.msk $0xffff, v36  }
0x127: {  	v36 =	vor.u32 v5, v19;
	v41 =	vor.u32 v6, v18;
	v50 =	vld.idx.msk [tilespmem:v33+s20+$0x0], $0xffff;
	[tilespmem:v40+s31+$0x0] =	vst.idx.msk $0xffff, v37  }
0x128: {  	v37 =	vor.u32 v6, v22;
	v40 =	vor.u32 v10, v18;
	[tilespmem:v43+s31+$0x0] =	vst.idx.msk $0xffff, v42;
	v31 =	vld.idx.msk [tilespmem:v31+s20+$0x0], $0xffff  }
0x129: {  	v43 =	vor.u32 v9, v19;
	v42 =	vld.idx.msk [tilespmem:v44+s20+$0x0], $0xffff;
	[tilespmem:v49+s31+$0x0] =	vst.idx.msk $0xffff, v46;
	v44 =	vor.u32 v10, v23  }
0x12a: {  	v46 =	vor.u32 v7, v17;
	v49 =	vor.u32 v8, v22;
	v30 =	vld.idx.msk [tilespmem:v30+s20+$0x0], $0xffff;
	[tilespmem:v27+s31+$0x0] =	vst.idx.msk $0xffff, v39  }
0x12b: {  	v33 =	vmov v22;
	v27 =	vor.u32 v8, v16;
	[tilespmem:v48+s31+$0x0] =	vst.idx.msk $0xffff, v38;
	v38 =	vor.u32 v7, v24  }
0x12c: {  	v39 =	vor.u32 v8, v23;
	[tilespmem:v36+s31+$0x0] =	vst.idx.msk $0xffff, v45;
	v36 =	vld.idx.msk [tilespmem:v41+s20+$0x0], $0xffff;
	v41 =	vor.u32 v9, v24  }
0x12d: {  	v48 =	vor.u32 v8, v18;
	v45 =	vor.u32 v7, v21;
	v37 =	vld.idx.msk [tilespmem:v37+s20+$0x0], $0xffff;
	[tilespmem:v34+s31+$0x0] =	vst.idx.msk $0xffff, v50  }
0x12e: {  	v51 =	vor.u32 v7, v19;
	s8 =	sadd.s32 $0x1, s7;
	s14 =	sadd.s32 $0x2, s7;
	v34 =	vadd.s32 s7, v0;
	s7 =	sadd.s32 $0x3, s7;
	v50 =	vor.u32 v9, v17;
	[tilespmem:v20+s31+$0x0] =	vst.idx.msk $0xffff, v32  }
0x12f: {  	v20 =	vadd.s32 s8, v0;
	v32 =	vadd.s32 s14, v0;
	v52 =	vadd.s32 s7, v0;
	[tilespmem:v46+s31+$0x0] =	vst.idx.msk $0xffff, v42;
	v42 =	vmovc v18;
	v46 =	vmovc v16  }
0x130: {  	v55 =	vmovc v23;
	v22 =	vand.u32 $0x3F, v20;
	v18 =	vand.u32 $0x3F, v32;
	v53 =	vshll.u32 v52, $0x7;
	v54 =	vld.idx.msk [tilespmem:v27+s20+$0x0], $0xffff;
	[tilespmem:v38+s31+$0x0] =	vst.idx.msk $0xffff, v30  }
0x131: {  	v57 =	vmovc v19;
	v16 =	vand.u32 $0x3F, v34;
	v38 =	vor.u32 v1, v22;
	v56 =	vor.u32 v1, v18;
	v39 =	vld.idx.msk [tilespmem:v39+s20+$0x0], $0xffff  }
0x132: {  	v19 =	vshll.u32 v20, $0x7;
	v23 =	vand.u32 $0x3F, v52;
	v58 =	vor.u32 v1, v16;
	[tilespmem:v45+s31+$0x0] =	vst.idx.msk $0xffff, v36;
	v29 =	vld.idx.msk [tilespmem:v29+s20+$0x0], $0xffff  }
0x133: {  	v19 =	vand.u32 $0x1F80, v19;
	v36 =	vor.u32 v1, v23;
	[tilespmem:v51+s31+$0x0] =	vst.idx.msk $0xffff, v37;
	v37 =	vmovc v24;
	v24 =	vand.u32 $0x1F80, v53  }
0x134: {  	v30 =	vor.u32 v6, v23;
	v20 =	vmov v17;
	v45 =	vshll.u32 v34, $0x7;
	v34 =	vld.idx.msk [tilespmem:v48+s20+$0x0], $0xffff;
	[tilespmem:v28+s31+$0x0] =	vst.idx.msk $0xffff, v31  }
0x135: {  	v27 =	vmovc v25;
	v17 =	vand.u32 $0x1F80, v45;
	v28 =	vshll.u32 v32, $0x7;
	v32 =	vor.u32 v9, v21;
	v31 =	vld.idx.msk [tilespmem:v49+s20+$0x0], $0xffff;
	v49 =	vmovc v21  }
0x136: {  	v45 =	vor.u32 v0, v17;
	v21 =	vand.u32 $0x1F80, v28;
	v38 =	vld.idx.msk [tilespmem:v38+s20+$0x0], $0xffff;
	[tilespmem:v50+s31+$0x0] =	vst.idx.msk $0xffff, v54  }
0x137: {  	v51 =	vor.u32 v0, v24;
	v50 =	vor.u32 v0, v21;
	v48 =	vld.idx.msk [tilespmem:v58+s20+$0x0], $0xffff;
	[tilespmem:v41+s31+$0x0] =	vst.idx.msk $0xffff, v39  }
0x138: {  	v39 =	vor.u32 v2, v16;
	v41 =	vor.u32 v2, v18;
	v44 =	vld.idx.msk [tilespmem:v44+s20+$0x0], $0xffff;
	[tilespmem:v26+s31+$0x0] =	vst.idx.msk $0xffff, v29  }
0x139: {  	v52 =	vor.u32 v0, v19;
	v25 =	vor.u32 v15, v24;
	v36 =	vld.idx.msk [tilespmem:v36+s20+$0x0], $0xffff  }
0x13a: {  	v53 =	vor.u32 v2, v22;
	v29 =	vor.u32 v14, v46;
	v54 =	vld.idx.msk [tilespmem:v56+s20+$0x0], $0xffff;
	[tilespmem:v32+s31+$0x0] =	vst.idx.msk $0xffff, v34  }
0x13b: {  	v32 =	vor.u32 v2, v23;
	[tilespmem:v43+s31+$0x0] =	vst.idx.msk $0xffff, v31;
	v34 =	vld.idx.msk [tilespmem:v40+s20+$0x0], $0xffff;
	v40 =	vor.u32 v11, v37  }
0x13c: {  	v28 =	vor.u32 v15, v49;
	v26 =	vor.u32 v15, v20;
	v43 =	vld.idx.msk [tilespmem:v47+s20+$0x0], $0xffff;
	v47 =	vor.u32 v12, v55  }
0x13d: {  	[tilespmem:v45+s31+$0x0] =	vst.idx.msk $0xffff, v48;
	v35 =	vld.idx.msk [tilespmem:v35+s20+$0x0], $0xffff;
	v45 =	vor.u32 v11, v57;
	v48 =	vor.u32 v12, v33  }
0x13e: {  	v56 =	vor.u32 v11, v49;
	v39 =	vld.idx.msk [tilespmem:v39+s20+$0x0], $0xffff;
	[tilespmem:v52+s31+$0x0] =	vst.idx.msk $0xffff, v38;
	v52 =	vor.u32 v11, v20  }
0x13f: {  	v46 =	vor.u32 v12, v46;
	v38 =	vld.idx.msk [tilespmem:v53+s20+$0x0], $0xffff;
	[tilespmem:v51+s31+$0x0] =	vst.idx.msk $0xffff, v36;
	v51 =	vor.u32 v12, v42  }
0x140: {  	v31 =	vor.u32 v14, v42;
	v53 =	vor.u32 v3, v17;
	v58 =	vld.idx.msk [tilespmem:v32+s20+$0x0], $0xffff;
	[tilespmem:v40+s31+$0x0] =	vst.idx.msk $0xffff, v44  }
0x141: {  	v40 =	vor.u32 v4, v16;
	v44 =	vor.u32 v3, v24;
	[tilespmem:v50+s31+$0x0] =	vst.idx.msk $0xffff, v54;
	v50 =	vld.idx.msk [tilespmem:v47+s20+$0x0], $0xffff  }
0x142: {  	v59 =	vor.u32 v4, v23;
	v60 =	vor.u32 v13, v37;
	v54 =	vld.idx.msk [tilespmem:v41+s20+$0x0], $0xffff;
	[tilespmem:v45+s31+$0x0] =	vst.idx.msk $0xffff, v43  }
0x143: {  	v61 =	vor.u32 v3, v21;
	[tilespmem:v52+s31+$0x0] =	vst.idx.msk $0xffff, v35;
	v36 =	vld.idx.msk [tilespmem:v48+s20+$0x0], $0xffff;
	v35 =	vor.u32 v14, v55  }
.Ltmp3:
0x144: {  	v47 =	vor.u32 v3, v19;
	v45 =	vor.u32 v4, v18;
	v32 =	vld.idx.msk [tilespmem:v46+s20+$0x0], $0xffff;
	[tilespmem:v56+s31+$0x0] =	vst.idx.msk $0xffff, v34;
	(pc) =	sbr.rel @p0 .LBB2_8-.Ltmp3, $4  }
0x145: {  	v41 =	vor.u32 v13, v57;
	v48 =	vor.u32 v4, v22;
	[tilespmem:v53+s31+$0x0] =	vst.idx.msk $0xffff, v39;
	v37 =	vld.idx.msk [tilespmem:v51+s20+$0x0], $0xffff  }
0x146: {  	v33 =	vor.u32 v14, v33;
	v42 =	vld.idx.msk [tilespmem:v40+s20+$0x0], $0xffff;
	[tilespmem:v44+s31+$0x0] =	vst.idx.msk $0xffff, v58;
	v40 =	vor.u32 v13, v49  }
0x147: {  	v43 =	vor.u32 v5, v17;
	v34 =	vor.u32 v15, v57;
	v46 =	vld.idx.msk [tilespmem:v59+s20+$0x0], $0xffff;
	[tilespmem:v60+s31+$0x0] =	vst.idx.msk $0xffff, v50  }
0x148: {  	v44 =	vor.u32 v6, v16;
	v49 =	vor.u32 v5, v24;
	[tilespmem:v61+s31+$0x0] =	vst.idx.msk $0xffff, v54;
	v39 =	vld.idx.msk [tilespmem:v35+s20+$0x0], $0xffff  }
0x149: {  	_ =	sdelay $0x3  }
0x14a: {  	[tilespmem:v47+s31+$0x0] =	vst.idx.msk $0xffff, v38;
	v45 =	vld.idx.msk [tilespmem:v45+s20+$0x0], $0xffff;
	v63 =	vor.u32 v5, v21  }
0x14b: {  	v62 =	vor.u32 v5, v19;
	v50 =	vor.u32 v6, v18;
	v35 =	vld.idx.msk [tilespmem:v48+s20+$0x0], $0xffff  }
0x14c: {  	v52 =	vor.u32 v6, v22  }
0x14d: {  	[tilespmem:v49+s31+$0x0] =	vst.idx.msk $0xffff, v46  }
0x14e: {  	v53 =	vor.u32 v7, v24;
	[tilespmem:v43+s31+$0x0] =	vst.idx.msk $0xffff, v42;
	v30 =	vld.idx.msk [tilespmem:v30+s20+$0x0], $0xffff  }
0x14f: {  	v54 =	vor.u32 v8, v23;
	v59 =	vor.u32 v7, v17;
	v44 =	vld.idx.msk [tilespmem:v44+s20+$0x0], $0xffff;
	[tilespmem:v63+s31+$0x0] =	vst.idx.msk $0xffff, v45  }
0x150: {  	v58 =	vor.u32 v7, v21;
	v61 =	vor.u32 v8, v16;
	[tilespmem:v62+s31+$0x0] =	vst.idx.msk $0xffff, v35;
	v57 =	vld.idx.msk [tilespmem:v50+s20+$0x0], $0xffff  }
0x151: {  	v55 =	vor.u32 v7, v19;
	v60 =	vor.u32 v8, v18;
	v38 =	vld.idx.msk [tilespmem:v52+s20+$0x0], $0xffff  }
0x152: {  	v56 =	vor.u32 v8, v22  }
0x153: {  	[tilespmem:v53+s31+$0x0] =	vst.idx.msk $0xffff, v30  }
0x154: {  	v62 =	vor.u32 v9, v24;
	[tilespmem:v59+s31+$0x0] =	vst.idx.msk $0xffff, v44;
	v35 =	vld.idx.msk [tilespmem:v54+s20+$0x0], $0xffff  }
0x155: {  	v52 =	vor.u32 v10, v23;
	[tilespmem:v58+s31+$0x0] =	vst.idx.msk $0xffff, v57;
	v57 =	vor.u32 v9, v17;
	v58 =	vld.idx.msk [tilespmem:v61+s20+$0x0], $0xffff  }
0x156: {  	v59 =	vor.u32 v10, v16;
	[tilespmem:v55+s31+$0x0] =	vst.idx.msk $0xffff, v38;
	v54 =	vld.idx.msk [tilespmem:v60+s20+$0x0], $0xffff;
	v55 =	vor.u32 v9, v21  }
0x157: {  	v63 =	vor.u32 v9, v19;
	v42 =	vld.idx.msk [tilespmem:v56+s20+$0x0], $0xffff;
	v56 =	vor.u32 v10, v18  }
0x158: {  	[tilespmem:v41+s31+$0x0] =	vst.idx.msk $0xffff, v36;
	v53 =	vor.u32 v10, v22  }
0x159: {  	[tilespmem:v62+s31+$0x0] =	vst.idx.msk $0xffff, v35  }
0x15a: {  	v60 =	vor.u32 v11, v24;
	v30 =	vld.idx.msk [tilespmem:v52+s20+$0x0], $0xffff;
	[tilespmem:v57+s31+$0x0] =	vst.idx.msk $0xffff, v58  }
0x15b: {  	v50 =	vor.u32 v11, v17;
	v61 =	vor.u32 v12, v23;
	[tilespmem:v55+s31+$0x0] =	vst.idx.msk $0xffff, v54;
	v36 =	vld.idx.msk [tilespmem:v59+s20+$0x0], $0xffff  }
0x15c: {  	v49 =	vor.u32 v11, v21;
	v52 =	vor.u32 v12, v16;
	[tilespmem:v63+s31+$0x0] =	vst.idx.msk $0xffff, v42;
	v63 =	vld.idx.msk [tilespmem:v56+s20+$0x0], $0xffff  }
0x15d: {  	v51 =	vor.u32 v12, v18;
	[tilespmem:v40+s31+$0x0] =	vst.idx.msk $0xffff, v37;
	v62 =	vor.u32 v11, v19;
	v38 =	vld.idx.msk [tilespmem:v53+s20+$0x0], $0xffff  }
0x15e: {  	v20 =	vor.u32 v13, v20;
	v48 =	vor.u32 v12, v22;
	[tilespmem:v27+s31+$0x0] =	vst.idx.msk $0xffff, v39  }
0x15f: {  	v33 =	vld.idx.msk [tilespmem:v33+s20+$0x0], $0xffff;
	[tilespmem:v60+s31+$0x0] =	vst.idx.msk $0xffff, v30  }
0x160: {  	v53 =	vor.u32 v13, v24;
	v30 =	vld.idx.msk [tilespmem:v61+s20+$0x0], $0xffff;
	[tilespmem:v50+s31+$0x0] =	vst.idx.msk $0xffff, v36  }
0x161: {  	v55 =	vor.u32 v14, v23;
	v61 =	vor.u32 v13, v17;
	[tilespmem:v49+s31+$0x0] =	vst.idx.msk $0xffff, v63;
	v27 =	vld.idx.msk [tilespmem:v52+s20+$0x0], $0xffff  }
0x162: {  	v16 =	vor.u32 v14, v16;
	v59 =	vor.u32 v13, v21;
	[tilespmem:v62+s31+$0x0] =	vst.idx.msk $0xffff, v38;
	v57 =	vld.idx.msk [tilespmem:v51+s20+$0x0], $0xffff  }
0x163: {  	[tilespmem:v20+s31+$0x0] =	vst.idx.msk $0xffff, v32;
	v56 =	vor.u32 v13, v19;
	v60 =	vor.u32 v14, v18;
	v54 =	vld.idx.msk [tilespmem:v48+s20+$0x0], $0xffff  }
0x164: {  	v31 =	vld.idx.msk [tilespmem:v31+s20+$0x0], $0xffff;
	[tilespmem:v34+s31+$0x0] =	vst.idx.msk $0xffff, v33;
	v58 =	vor.u32 v14, v22  }
0x165: {  	v20 =	vld.idx.msk [tilespmem:v29+s20+$0x0], $0xffff;
	[tilespmem:v53+s31+$0x0] =	vst.idx.msk $0xffff, v30  }
0x166: {  	v23 =	vld.idx.msk [tilespmem:v55+s20+$0x0], $0xffff;
	[tilespmem:v61+s31+$0x0] =	vst.idx.msk $0xffff, v27  }
0x167: {  	v17 =	vor.u32 v15, v17;
	[tilespmem:v59+s31+$0x0] =	vst.idx.msk $0xffff, v57;
	v16 =	vld.idx.msk [tilespmem:v16+s20+$0x0], $0xffff  }
0x168: {  	v63 =	vor.u32 v15, v21;
	[tilespmem:v56+s31+$0x0] =	vst.idx.msk $0xffff, v54;
	v18 =	vld.idx.msk [tilespmem:v60+s20+$0x0], $0xffff  }
0x169: {  	[tilespmem:v28+s31+$0x0] =	vst.idx.msk $0xffff, v31;
	v62 =	vor.u32 v15, v19;
	v22 =	vld.idx.msk [tilespmem:v58+s20+$0x0], $0xffff  }
0x16a: {  	[tilespmem:v26+s31+$0x0] =	vst.idx.msk $0xffff, v20  }
0x16b: {  	[tilespmem:v25+s31+$0x0] =	vst.idx.msk $0xffff, v23  }
0x16c: {  	s0 =	sor.u32 s13, s0;
	[tilespmem:v17+s31+$0x0] =	vst.idx.msk $0xffff, v16  }
0x16d: {  	s0 =	sshll.u32 s0, $0x7;
	[tilespmem:v63+s31+$0x0] =	vst.idx.msk $0xffff, v18  }
0x16e: {  	s2 =	sadd.s32 s0, s2;
	s14 =	sor.u32 s0, s29;
	[tilespmem:v62+s31+$0x0] =	vst.idx.msk $0xffff, v22  }
0x16f: {  	[hbm4b:s2+s3] =	stream.linear.scatter [tilespmem:s31], [sflag:$0x6], $0x400, $0x38;
	[tilespmem:$0x8100] =	vst v63  }
0x170: {  	s8 =	simm.s32 $0x6500;
	s28 =	simm.s32 $0x6900;
	s7 =	sadd.s32 s14, s10  }
0x171: {  	[hbm4b:s7+s3] =	stream.linear.scatter [tilespmem:s8], [sflag:$0x6], $0x400, $0x38;
	[tilespmem:$0x8100] =	vst v63  }
0x172: {  	s25 =	sadd.s32 $0x1, s25;
	s0 =	sor.u32 s0, s26;
	s16 =	sadd.s32 s14, s11  }
0x173: {  	[hbm4b:s16+s3] =	stream.linear.scatter [tilespmem:s28], [sflag:$0x6], $0x400, $0x38;
	[tilespmem:$0x8100] =	vst v63  }
0x174: {  	s29 =	simm.s32 $0x6D00;
	s2 =	sadd.s32 s14, s12;
	s8 =	sor.u32 $0x10000, s0  }
0x175: {  	[hbm4b:s2+s3] =	stream.linear.scatter [tilespmem:s29], [sflag:$0x6], $0x400, $0x38;
	[tilespmem:$0x8100] =	vst v63  }
0x176: {  	s14 =	simm.s32 $0x7100;
	s16 =	sor.u32 $0x14000, s0;
	s2 =	sadd.s32 s1, s8  }
0x177: {  	[hbm4b:s2+s3] =	stream.linear.scatter [tilespmem:s14], [sflag:$0x6], $0x400, $0x38;
	[tilespmem:$0x8100] =	vst v63  }
0x178: {  	p0 =	sne.s32 s25, $0x64;
	s26 =	simm.s32 $0x7500;
	s2 =	sadd.s32 s1, s16  }
0x179: {  	[hbm4b:s2+s3] =	stream.linear.scatter [tilespmem:s26], [sflag:$0x6], $0x400, $0x38;
	[tilespmem:$0x8100] =	vst v63  }
.Ltmp4:
0x17a: {  	s28 =	sor.u32 $0x18000, s0;
	(pc) =	sbr.rel @p0 .LBB2_2-.Ltmp4, $4  }
0x17b: {  	s0 =	sor.u32 $0x1C000, s0;
	s29 =	simm.s32 $0x7900;
	s2 =	sadd.s32 s1, s28  }
0x17c: {  	[hbm4b:s2+s3] =	stream.linear.scatter [tilespmem:s29], [sflag:$0x6], $0x400, $0x38;
	[tilespmem:$0x8100] =	vst v63  }
0x17d: {  	s0 =	sadd.s32 s1, s0  }
0x17e: {  	[hbm4b:s0+s3] =	stream.linear.scatter [tilespmem:s22], [sflag:$0x6], $0x400, $0x38;
	[tilespmem:$0x8100] =	vst v63  }
0x17f: {  	_ =	swait.ge [sflag:s23], $0x400  }
0x180: {  	[sflag:s23] =	ssyncset.done $0x0  }
0x181: {  	[sflag:s23] =	ssyncadd.s32 $0xFFFFFC00  }
0x182: {  	_ =	swait.ge [sflag:s23], $0x400  }
0x183: {  	[sflag:s23] =	ssyncset.done $0x0  }
0x184: {  	[sflag:s23] =	ssyncadd.s32 $0xFFFFFC00  }
0x185: {  	_ =	swait.ge [sflag:s23], $0x400  }
0x186: {  	[sflag:s23] =	ssyncset.done $0x0  }
0x187: {  	[sflag:s23] =	ssyncadd.s32 $0xFFFFFC00  }
0x188: {  	_ =	swait.ge [sflag:s23], $0x400  }
0x189: {  	[sflag:s23] =	ssyncset.done $0x0  }
0x18a: {  	[sflag:s23] =	ssyncadd.s32 $0xFFFFFC00  }
0x18b: {  	_ =	swait.ge [sflag:s23], $0x400  }
0x18c: {  	[sflag:s23] =	ssyncset.done $0x0  }
0x18d: {  	[sflag:s23] =	ssyncadd.s32 $0xFFFFFC00  }
0x18e: {  	_ =	swait.ge [sflag:s23], $0x400  }
0x18f: {  	[sflag:s23] =	ssyncset.done $0x0  }
0x190: {  	[sflag:s23] =	ssyncadd.s32 $0xFFFFFC00  }
0x191: {  	_ =	swait.ge [sflag:s23], $0x400  }
0x192: {  	[sflag:s23] =	ssyncset.done $0x0  }
0x193: {  	[sflag:s23] =	ssyncadd.s32 $0xFFFFFC00  }
0x194: {  	_ =	swait.ge [sflag:s23], $0x400  }
0x195: {  	[sflag:s23] =	ssyncset.done $0x0  }
0x196: {  	[sflag:s23] =	ssyncadd.s32 $0xFFFFFC00  }
0x197: {  	_ =	swait.ge [sflag:s24], $0x400  }
0x198: {  	[sflag:s24] =	ssyncset.done $0x0  }
0x199: {  	[sflag:s24] =	ssyncadd.s32 $0xFFFFFC00  }
0x19a: {  	_ =	swait.ge [sflag:s24], $0x400  }
0x19b: {  	[sflag:s24] =	ssyncset.done $0x0  }
0x19c: {  	[sflag:s24] =	ssyncadd.s32 $0xFFFFFC00  }
0x19d: {  	_ =	swait.ge [sflag:s24], $0x400  }
0x19e: {  	[sflag:s24] =	ssyncset.done $0x0  }
0x19f: {  	[sflag:s24] =	ssyncadd.s32 $0xFFFFFC00  }
0x1a0: {  	_ =	swait.ge [sflag:s24], $0x400  }
0x1a1: {  	[sflag:s24] =	ssyncset.done $0x0  }
0x1a2: {  	[sflag:s24] =	ssyncadd.s32 $0xFFFFFC00  }
0x1a3: {  	_ =	swait.ge [sflag:s24], $0x400  }
0x1a4: {  	[sflag:s24] =	ssyncset.done $0x0  }
0x1a5: {  	[sflag:s24] =	ssyncadd.s32 $0xFFFFFC00  }
0x1a6: {  	_ =	swait.ge [sflag:s24], $0x400  }
0x1a7: {  	[sflag:s24] =	ssyncset.done $0x0  }
0x1a8: {  	[sflag:s24] =	ssyncadd.s32 $0xFFFFFC00  }
0x1a9: {  	_ =	swait.ge [sflag:s24], $0x400  }
0x1aa: {  	[sflag:s24] =	ssyncset.done $0x0  }
0x1ab: {  	[sflag:s24] =	ssyncadd.s32 $0xFFFFFC00  }
0x1ac: {  	_ =	swait.ge [sflag:s24], $0x400  }
0x1ad: {  	s2 =	rddreg [dreg:$0x6]  }
0x1ae: {  	s0 =	rddreg [dreg:$0x5];
	s2 =	sadd.s32 $0x1, s2  }
0x1af: {  	p0 =	sne.s32 s2, s0  }
.Ltmp5:
0x1b0: {  	_ = 	snop;
	(pc) =	sbr.rel @p0 .LBB2_1-.Ltmp5, $3  }
0x1b1: {  	_ =	sdelay $0x1  }
0x1b2: {  	[sflag:s24] =	ssyncset.done $0x0  }
0x1b3: {  	[sflag:s24] =	ssyncadd.s32 $0xFFFFFC00  }
0x1b4: {  	_ =	sfence.sel $0x180000  }
0x1b5: {  	[bflag:$0x0] =	sbarrier.arrive $0xFFFF  }
0x1b6: {  	_ =	strace $0x90000047  }
0x1b7: {  	s0 =	stileid.u32;
	[bflag:$0x2] =	sbarrier.arrive $0xFFFF  }
0x1b8: {  	p0 =	sne.s32 s0, $0x0;
	s0 =	rddreg [dreg:$0x2]  }
0x1b9: {  	s0 =	sadd.s32 @!p0 $0x100000, s0  }
0x1ba: {  	[sflag:s0] =	ssyncadd.tile.s32 @!p0 $0x1;
	_ =	shalt  }
.Lfunc_end2:
_tile_overlayer_lowered:
.L_overlay_start_2:
0x1bb: {  	(tag) =	ssettag $0x2  }
0x1bc: {  	s0 =	rddreg [dreg:$0x0];
	s2 =	stileid.u32  }
0x1bd: {  	s1 =	rddreg [dreg:$0x1];
	p0 =	sne.s32 s2, $0x0  }
0x1be: {  	s3 =	rddreg [dreg:$0x2];
	[bflag:$0x3] =	sbarrier.arrive $0xFFFF;
	s2 =	simm.s32 @!p0 $0x1C07  }
0x1bf: {  	[timem:s3], [sflag:s2] =	dma.local @!p0 [hbm:s0], s1  }
0x1c0: {  	s0 =	simm.s32 @!p0 $0x7  }
0x1c1: {  	_ =	swait.ge @!p0 [sflag:s0], s1  }
0x1c2: {  	s1 =	ssub.s32 @!p0 $0x0, s1;
	[sflag:s0] =	ssyncset.done @!p0 $0x0  }
0x1c3: {  	[sflag:s0] =	ssyncadd.s32 @!p0 s1  }
0x1c4: {  	[bflag:$0x3] =	sbarrier.arrive $0xFFFF  }
0x1c5: {  	_ =	shalt  }

</sc_bundles>
